<compile_context>
chip_gen: v7x
topology: tpu7x:2x2x1
jax: 0.10.2.dev20260603
libtpu: 0.0.44.dev20260713+nightly
codegen_flags: <defaults>
</compile_context>

<pallas_src>
import functools

import jax
import jax.numpy as jnp
from jax import lax
from jax.experimental import pallas as pl
from jax.experimental.pallas import tpu as pltpu
from jax.experimental.pallas import tpu_sc as plsc

NC = 2
NS = 16
NW = NC * NS
CH = 128


def _fill_const(ref, n, val):
    def body(k, _):
        ref[pl.ds(k * 16, 16)] = jnp.full((16,), val, jnp.float32)
        return 0
    lax.fori_loop(0, n // 16, body, 0)


def _mesh():
    return plsc.VectorSubcoreMesh(core_axis_name="c", subcore_axis_name="s",
                                  num_cores=NC, num_subcores=NS)


def _load_dst_chunks(ei_hbm, didx, sem, ebase, full):
    def body(j, _):
        pltpu.async_copy(ei_hbm.at[1, pl.ds(ebase + j * CH, CH)],
                         didx.at[j], sem)
        return 0
    lax.fori_loop(0, full, body, 0)


def _drain_dst_chunks(ei_hbm, didx, sem, ebase, full):
    def body(j, _):
        pltpu.make_async_copy(ei_hbm.at[1, pl.ds(ebase + j * CH, CH)],
                              didx.at[j], sem).wait()
        return 0
    lax.fori_loop(0, full, body, 0)


def _make_deg_kernel(npad, full, rem):
    rpt = npad // NS
    em = full * CH

    scratch = [
        pltpu.VMEM((full, CH), jnp.int32),
        pltpu.VMEM((CH,), jnp.float32),
        pltpu.VMEM((rpt,), jnp.float32),
        pltpu.SemaphoreType.DMA,
    ]
    if rem:
        scratch += [pltpu.VMEM((rem,), jnp.int32),
                    pltpu.VMEM((rem,), jnp.float32)]

    @functools.partial(
        pl.kernel,
        out_type=[jax.ShapeDtypeStruct((npad,), jnp.float32)] * NC,
        mesh=_mesh(),
        scratch_types=scratch + [pltpu.VMEM_SHARED((npad,), jnp.float32)],
    )
    def deg_k(ei_hbm, out0_hbm, out1_hbm, didx, ones_v, zero_v, sem, *rest):
        acc = rest[-1]
        cid = lax.axis_index("c")
        sid = lax.axis_index("s")
        wid = sid * NC + cid
        ebase = pl.multiple_of(wid * em, 8)

        _load_dst_chunks(ei_hbm, didx, sem, ebase, full)
        _fill_const(ones_v, CH, 1.0)
        _fill_const(zero_v, rpt, 0.0)
        pltpu.sync_copy(zero_v, acc.at[pl.ds(sid * rpt, rpt)])
        plsc.subcore_barrier()
        _drain_dst_chunks(ei_hbm, didx, sem, ebase, full)

        def body(j, _):
            pltpu.async_copy(ones_v, acc.at[didx.at[j]], sem, add=True)
            return 0
        lax.fori_loop(0, full, body, 0)

        def drain(j, _):
            pltpu.make_async_copy(ones_v, acc.at[didx.at[j]], sem).wait()
            return 0
        lax.fori_loop(0, full, drain, 0)

        if rem:
            ridx, rones = rest[0], rest[1]
            rbase = pl.multiple_of(NW * em + wid * rem, 8)
            _fill_const(rones, rem, 1.0)
            pltpu.sync_copy(ei_hbm.at[1, pl.ds(rbase, rem)], ridx)
            pltpu.sync_copy(rones, acc.at[ridx], add=True)

        plsc.subcore_barrier()
        pltpu.sync_copy(acc.at[pl.ds(sid * rpt, rpt)], zero_v)

        @pl.when(cid == 0)
        def _():
            pltpu.sync_copy(zero_v, out0_hbm.at[pl.ds(sid * rpt, rpt)])

        @pl.when(cid == 1)
        def _():
            pltpu.sync_copy(zero_v, out1_hbm.at[pl.ds(sid * rpt, rpt)])

    return deg_k


def _make_aggr_kernel(c, npad, full, rem):
    rpt = npad // NS
    em = full * CH
    assert full % 2 == 0 and full >= 4

    scratch = [
        pltpu.VMEM((full, CH), jnp.int32),
        pltpu.VMEM((CH,), jnp.int32),
        pltpu.VMEM((CH,), jnp.int32),
        pltpu.VMEM((CH, c), jnp.float32),
        pltpu.VMEM((CH, c), jnp.float32),
        pltpu.VMEM((16, c), jnp.float32),
        pltpu.SemaphoreType.DMA,
        pltpu.SemaphoreType.DMA,
        pltpu.SemaphoreType.DMA,
        pltpu.SemaphoreType.DMA,
    ]
    if rem:
        scratch += [pltpu.VMEM((rem,), jnp.int32),
                    pltpu.VMEM((rem, c), jnp.float32)]

    @functools.partial(
        pl.kernel,
        out_type=[jax.ShapeDtypeStruct((npad, c), jnp.float32)] * NC,
        mesh=_mesh(),
        scratch_types=scratch + [pltpu.VMEM_SHARED((npad, c), jnp.float32)],
    )
    def aggr_k(h2_hbm, ei_hbm, out0_hbm, out1_hbm,
               didx, si0, si1, gb0, gb1, zbuf,
               gsem0, gsem1, isem0, isem1, *rest):
        acc = rest[-1]
        cid = lax.axis_index("c")
        sid = lax.axis_index("s")
        wid = sid * NC + cid
        ebase = pl.multiple_of(wid * em, 8)

        _load_dst_chunks(ei_hbm, didx, isem0, ebase, full)

        def zfill(k, _):
            zbuf[k // 8, pl.ds((k % 8) * 16, 16)] = jnp.zeros((16,), jnp.float32)
            return 0
        lax.fori_loop(0, 16 * (c // 16), zfill, 0)

        def zcopy(k, _):
            pltpu.async_copy(zbuf, acc.at[pl.ds(sid * rpt + k * 16, 16)], gsem0)
            return 0
        lax.fori_loop(0, rpt // 16, zcopy, 0)

        def zdrain(k, _):
            pltpu.make_async_copy(
                zbuf, acc.at[pl.ds(sid * rpt + k * 16, 16)], gsem0).wait()
            return 0
        lax.fori_loop(0, rpt // 16, zdrain, 0)
        plsc.subcore_barrier()
        _drain_dst_chunks(ei_hbm, didx, isem0, ebase, full)

        def iload(j, buf, sem):
            pltpu.async_copy(ei_hbm.at[0, pl.ds(ebase + j * CH, CH)], buf, sem)

        def iwait(buf, sem):
            pltpu.make_async_copy(
                ei_hbm.at[0, pl.ds(ebase, CH)], buf, sem).wait()

        pltpu.sync_copy(ei_hbm.at[0, pl.ds(ebase, CH)], si0)
        iload(1, si1, isem1)
        pltpu.async_copy(h2_hbm.at[si0], gb0, gsem0)

        def outer(g, _):
            j0 = 2 * g
            iwait(si1, isem1)
            pltpu.async_copy(h2_hbm.at[si1], gb1, gsem1)
            pltpu.make_async_copy(h2_hbm.at[si0], gb0, gsem0).wait()

            @pl.when(j0 + 2 < full)
            def _():
                iload(j0 + 2, si0, isem0)
            pltpu.sync_copy(gb0, acc.at[didx.at[j0]], add=True)

            @pl.when(j0 + 2 < full)
            def _():
                iwait(si0, isem0)
                pltpu.async_copy(h2_hbm.at[si0], gb0, gsem0)
            pltpu.make_async_copy(h2_hbm.at[si1], gb1, gsem1).wait()

            @pl.when(j0 + 3 < full)
            def _():
                iload(j0 + 3, si1, isem1)
            pltpu.sync_copy(gb1, acc.at[didx.at[j0 + 1]], add=True)
            return 0
        lax.fori_loop(0, full // 2, outer, 0)

        if rem:
            didxr, grem = rest[0], rest[1]
            rbase = pl.multiple_of(NW * em + wid * rem, 8)
            pltpu.sync_copy(ei_hbm.at[1, pl.ds(rbase, rem)], didxr)
            pltpu.sync_copy(
                ei_hbm.at[0, pl.ds(rbase, rem)], si0.at[pl.ds(0, rem)])
            pltpu.async_copy(h2_hbm.at[si0.at[pl.ds(0, rem)]], grem, gsem0).wait()
            pltpu.sync_copy(grem, acc.at[didxr], add=True)

        plsc.subcore_barrier()
        DR = 64
        assert rpt % DR == 0

        def hbm_write(r, gb, sem):
            @pl.when(cid == 0)
            def _():
                pltpu.async_copy(gb.at[pl.ds(0, DR)],
                                 out0_hbm.at[pl.ds(r, DR)], sem)

            @pl.when(cid == 1)
            def _():
                pltpu.async_copy(gb.at[pl.ds(0, DR)],
                                 out1_hbm.at[pl.ds(r, DR)], sem)

        def hbm_drain(r, gb, sem):
            @pl.when(cid == 0)
            def _():
                pltpu.make_async_copy(gb.at[pl.ds(0, DR)],
                                      out0_hbm.at[pl.ds(r, DR)], sem).wait()

            @pl.when(cid == 1)
            def _():
                pltpu.make_async_copy(gb.at[pl.ds(0, DR)],
                                      out1_hbm.at[pl.ds(r, DR)], sem).wait()

        bufs = (gb0, gb1)
        sems = (gsem0, gsem1)
        for k in range(rpt // DR):
            r = sid * rpt + k * DR
            gb, sem = bufs[k % 2], sems[k % 2]
            if k >= 2:
                hbm_drain(sid * rpt + (k - 2) * DR, gb, sem)
            pltpu.sync_copy(acc.at[pl.ds(r, DR)], gb.at[pl.ds(0, DR)])
            hbm_write(r, gb, sem)
        for k in range(max(rpt // DR - 2, 0), rpt // DR):
            hbm_drain(sid * rpt + k * DR, bufs[k % 2], sems[k % 2])

    return aggr_k


def _dis(d0, d1):
    deg = d0 + d1
    return jnp.where(deg > 0.0, lax.rsqrt(jnp.maximum(deg, 1.0)), 0.0)


def _mm_body(x_ref, w_ref, d0_ref, d1_ref, o_ref):
    dis = _dis(d0_ref[...], d1_ref[...])
    h = jnp.dot(x_ref[...], w_ref[...], preferred_element_type=jnp.float32)
    o_ref[...] = h * dis.reshape(-1, 1)


def _fin_body(p0_ref, p1_ref, d0_ref, d1_ref, b_ref, o_ref):
    dis = _dis(d0_ref[...], d1_ref[...])
    s = (p0_ref[...] + p1_ref[...]) * dis.reshape(-1, 1) + b_ref[...]
    o_ref[...] = jnp.maximum(s, 0.0)


def kernel(x, edge_index_K, W, b):
    n, c_in = x.shape
    c_out = W.shape[1]
    e = edge_index_K.shape[1]

    npad = ((n + 1 + 1023) // 1024) * 1024
    epad = ((e + NW * 8 - 1) // (NW * 8)) * (NW * 8)
    epw = epad // NW
    full = epw // CH
    rem = epw % CH

    ei = edge_index_K
    if epad > e:
        pad = epad - e
        ei = jnp.concatenate([
            edge_index_K,
            jnp.stack([jnp.zeros((pad,), jnp.int32),
                       n + (jnp.arange(pad, dtype=jnp.int32) % (npad - n))]),
        ], axis=1)

    d0, d1 = _make_deg_kernel(npad, full, rem)(ei)

    br = 4096
    grid = ((n + br - 1) // br,)
    h2 = pl.pallas_call(
        _mm_body,
        grid=grid,
        in_specs=[
            pl.BlockSpec((br, c_in), lambda i: (i, 0)),
            pl.BlockSpec((c_in, c_out), lambda i: (0, 0)),
            pl.BlockSpec((br,), lambda i: (i,)),
            pl.BlockSpec((br,), lambda i: (i,)),
        ],
        out_specs=pl.BlockSpec((br, c_out), lambda i: (i, 0)),
        out_shape=jax.ShapeDtypeStruct((n, c_out), jnp.float32),
    )(x, W, d0, d1)

    p0, p1 = _make_aggr_kernel(c_out, npad, full, rem)(h2, ei)

    out = pl.pallas_call(
        _fin_body,
        grid=grid,
        in_specs=[
            pl.BlockSpec((br, c_out), lambda i: (i, 0)),
            pl.BlockSpec((br, c_out), lambda i: (i, 0)),
            pl.BlockSpec((br,), lambda i: (i,)),
            pl.BlockSpec((br,), lambda i: (i,)),
            pl.BlockSpec((1, c_out), lambda i: (0, 0)),
        ],
        out_specs=pl.BlockSpec((br, c_out), lambda i: (i, 0)),
        out_shape=jax.ShapeDtypeStruct((n, c_out), jnp.float32),
    )(p0, p1, d0, d1, b.reshape(1, c_out))
    return out

# --- scband reference (transcript-rebuilt; emitter-appended) ---
"""Pipeline reference for scband-gcnlayer-8280696946868 (READ-ONLY COPY).

The authoritative reference and input builder live on the scoring server;
editing this copy changes nothing except your own understanding.
"""

import jax, jax.numpy as jnp
import numpy as np

N = 10000
E = 320000
C_IN = 128
C_OUT = 128


def setup_inputs(seed: int = 0) -> dict:
    key = jax.random.key(seed)
    k1, k2, k3 = jax.random.split(key, 3)
    x = jax.random.normal(k1, (N, C_IN), dtype=jnp.float32)
    edge_index_K = jax.random.randint(k2, (2, E), 0, N, dtype=jnp.int32)
    # learned parameters of the single-kernel GCN (num_kernel=1, additive node model)
    W = (jax.random.normal(k3, (C_IN, C_OUT), dtype=jnp.float32) * (1.0 / np.sqrt(C_IN)))
    b = jnp.zeros((C_OUT,), dtype=jnp.float32)
    return {"x": x, "edge_index_K": edge_index_K, "W": W, "b": b}


def reference(x, edge_index_K, W, b):
    # GCNLayer with deg_norm='sm', aggr='add', num_kernel=1, non_linear='relu'
    src = edge_index_K[0]
    dst = edge_index_K[1]
    n = x.shape[0]
    # symmetric degree normalization computed from the graph structure
    deg = jnp.zeros((n,), dtype=x.dtype).at[dst].add(1.0)
    deg_inv_sqrt = jnp.where(deg > 0, 1.0 / jnp.sqrt(jnp.maximum(deg, 1.0)), 0.0)
    norm = deg_inv_sqrt[src] * deg_inv_sqrt[dst]
    # linear transform, gather messages from source nodes, normalize, scatter-add to dst
    h = x @ W
    msg = h[src] * norm[:, None]
    out = jnp.zeros((n, W.shape[1]), dtype=x.dtype).at[dst].add(msg)
    out = out + b
    return jax.nn.relu(out)

if __name__ == "__main__":
    import jax
    _d = setup_inputs()
    print(jax.jit(kernel)(*tuple(_d.values())))

</pallas_src>

<mosaic_0001>
#map = affine_map<(d0, d1) -> (0, 0)>
module attributes {stable_mosaic.version = 14 : i64} {
  func.func @aggr_k(%arg0: i32, %arg1: i32, %arg2: memref<10000x128xf32, #tpu.memory_space<hbm>>, %arg3: memref<2x320000xi32, #tpu.memory_space<hbm>>, %arg4: memref<10240x128xf32, #tpu.memory_space<hbm>>, %arg5: memref<10240x128xf32, #tpu.memory_space<hbm>>, %arg6: memref<78x128xi32, #tpu.memory_space<vmem>>, %arg7: memref<128xi32, #tpu.memory_space<vmem>>, %arg8: memref<128xi32, #tpu.memory_space<vmem>>, %arg9: memref<128x128xf32, #tpu.memory_space<vmem>>, %arg10: memref<128x128xf32, #tpu.memory_space<vmem>>, %arg11: memref<16x128xf32, #tpu.memory_space<vmem>>, %arg12: memref<!tpu.dma_semaphore, #tpu.memory_space<semaphore_mem>>, %arg13: memref<!tpu.dma_semaphore, #tpu.memory_space<semaphore_mem>>, %arg14: memref<!tpu.dma_semaphore, #tpu.memory_space<semaphore_mem>>, %arg15: memref<!tpu.dma_semaphore, #tpu.memory_space<semaphore_mem>>, %arg16: memref<16xi32, #tpu.memory_space<vmem>>, %arg17: memref<16x128xf32, #tpu.memory_space<vmem>>, %arg18: memref<10240x128xf32, #tpu.memory_space<vmem_shared>>) attributes {dimension_semantics = [#tpu.dimension_semantics<core_parallel>, #tpu.dimension_semantics<subcore_parallel>], iteration_bounds = array<i64: 2, 16>, scalar_prefetch = 0 : i64, scratch_operands = 13 : i64, tpu.core_type = #tpu.core_type<sc_vector_subcore>, window_params = [{transform_indices = #map}, {transform_indices = #map}, {transform_indices = #map}, {transform_indices = #map}]} {
    %mul3A = arith.constant 2 : i32
    %mul3A_0 = arith.muli %arg1, %mul3A : i32
    %add3A = arith.addi %mul3A_0, %arg0 : i32
    %mul3A_1 = arith.constant 9984 : i32
    %mul3A_2 = arith.muli %add3A, %mul3A_1 : i32
    %multiple_of3A = tpu.assume_multiple %mul3A_2, 8 : i32
    %scan3A = arith.constant 0 : i32
    %scan3A_3 = arith.constant 0 : i32
    %scan3A_4 = arith.constant 78 : i32
    %scan3A_5 = arith.addi %scan3A_3, %scan3A_4 : i32
    %scan3A_6 = arith.constant 1 : i32
    %scan3A_7 = scf.for %scan3A_347 = %scan3A_3 to %scan3A_5 step %scan3A_6 iter_args(%scan3A_348 = %scan3A) -> (i32)  : i32 {
      %mul3A_349 = arith.constant 128 : i32
      %mul3A_350 = arith.muli %scan3A_347, %mul3A_349 : i32
      %add3A_351 = arith.addi %multiple_of3A, %mul3A_350 : i32
      %dma_start3A_352 = arith.constant 1 : i32
      %dma_start3A_353 = arith.constant 0 : i32
      %dma_start3A_354 = tpu.memref_slice %arg6[%scan3A_347, %dma_start3A_353] : memref<78x128xi32, #tpu.memory_space<vmem>> -> memref<1x128xi32, #tpu.memory_space<vmem>>
      %dma_start3A_355 = tpu.memref_squeeze %dma_start3A_354 : memref<1x128xi32, #tpu.memory_space<vmem>> -> memref<128xi32, #tpu.memory_space<vmem>>
      %dma_start3A_356 = tpu.memref_slice %arg3[%dma_start3A_352, %add3A_351] : memref<2x320000xi32, #tpu.memory_space<hbm>> -> memref<1x128xi32, #tpu.memory_space<hbm>>
      %dma_start3A_357 = tpu.memref_squeeze %dma_start3A_356 : memref<1x128xi32, #tpu.memory_space<hbm>> -> memref<128xi32, #tpu.memory_space<hbm>>
      %dma_start3A_358 = arith.constant 0 : i32
      %dma_start3A_359 = tpu.memref_slice %arg6[%scan3A_347, %dma_start3A_358] : memref<78x128xi32, #tpu.memory_space<vmem>> -> memref<1x128xi32, #tpu.memory_space<vmem>>
      %dma_start3A_360 = tpu.memref_squeeze %dma_start3A_359 : memref<1x128xi32, #tpu.memory_space<vmem>> -> memref<128xi32, #tpu.memory_space<vmem>>
      %dma_start3A_361 = tpu.memref_slice %arg3[%dma_start3A_352, %add3A_351] : memref<2x320000xi32, #tpu.memory_space<hbm>> -> memref<1x128xi32, #tpu.memory_space<hbm>>
      %dma_start3A_362 = tpu.memref_squeeze %dma_start3A_361 : memref<1x128xi32, #tpu.memory_space<hbm>> -> memref<128xi32, #tpu.memory_space<hbm>>
      tpu.enqueue_dma source(%dma_start3A_362 : memref<128xi32, #tpu.memory_space<hbm>>) target(%dma_start3A_360 : memref<128xi32, #tpu.memory_space<vmem>>) target_semaphore(%arg14 : memref<!tpu.dma_semaphore, #tpu.memory_space<semaphore_mem>>)
      %scan3A_363 = arith.constant 0 : i32
      scf.yield %scan3A_363 : i32
    }
    %scan3A_8 = arith.constant 78 : i32
    %scan3A_9 = arith.constant 0 : i32
    %scan3A_10 = arith.constant 0 : i32
    %scan3A_11 = arith.constant 128 : i32
    %scan3A_12 = arith.addi %scan3A_10, %scan3A_11 : i32
    %scan3A_13 = arith.constant 1 : i32
    %scan3A_14 = scf.for %scan3A_347 = %scan3A_10 to %scan3A_12 step %scan3A_13 iter_args(%scan3A_348 = %scan3A_9) -> (i32)  : i32 {
      %broadcast_in_dim3A = arith.constant 0.000000e+00 : f32
      %broadcast_in_dim3A_349 = vector.broadcast %broadcast_in_dim3A : f32 to vector<16xf32>
      %jit3A = arith.constant 8 : i32
      %div3A = arith.divsi %scan3A_347, %jit3A : i32
      %sign3A = arith.constant 0 : i32
      %sign3A_350 = arith.cmpi sgt, %scan3A_347, %sign3A : i32
      %sign3A_351 = arith.extui %sign3A_350 : i1 to i32
      %sign3A_352 = arith.constant 0 : i32
      %sign3A_353 = arith.cmpi slt, %scan3A_347, %sign3A_352 : i32
      %sign3A_354 = arith.extui %sign3A_353 : i1 to i32
      %sign3A_355 = arith.subi %sign3A_351, %sign3A_354 : i32
      %sign3A_356 = arith.constant 0 : i32
      %sign3A_357 = arith.cmpi sgt, %jit3A, %sign3A_356 : i32
      %sign3A_358 = arith.extui %sign3A_357 : i1 to i32
      %sign3A_359 = arith.constant 0 : i32
      %sign3A_360 = arith.cmpi slt, %jit3A, %sign3A_359 : i32
      %sign3A_361 = arith.extui %sign3A_360 : i1 to i32
      %sign3A_362 = arith.subi %sign3A_358, %sign3A_361 : i32
      %ne3A = arith.cmpi ne, %sign3A_355, %sign3A_362 : i32
      %rem3A = arith.remsi %scan3A_347, %jit3A : i32
      %ne3A_363 = arith.constant 0 : i32
      %ne3A_364 = arith.cmpi ne, %rem3A, %ne3A_363 : i32
      %and3A = arith.andi %ne3A, %ne3A_364 : i1
      %sub3A = arith.constant 1 : i32
      %sub3A_365 = arith.subi %div3A, %sub3A : i32
      %select_n3A = arith.select %and3A, %sub3A_365, %div3A : i32
      %jit3A_366 = arith.constant 8 : i32
      %eq3A_367 = arith.constant 0 : i32
      %eq3A_368 = arith.cmpi eq, %jit3A_366, %eq3A_367 : i32
      %jit3A_369 = arith.constant 1 : i32
      %select_n3A_370 = arith.select %eq3A_368, %jit3A_369, %jit3A_366 : i32
      %rem3A_371 = arith.remsi %scan3A_347, %select_n3A_370 : i32
      %ne3A_372 = arith.constant 0 : i32
      %ne3A_373 = arith.cmpi ne, %rem3A_371, %ne3A_372 : i32
      %lt3A = arith.constant 0 : i32
      %lt3A_374 = arith.cmpi slt, %rem3A_371, %lt3A : i32
      %lt3A_375 = arith.constant 0 : i32
      %lt3A_376 = arith.cmpi slt, %select_n3A_370, %lt3A_375 : i32
      %ne3A_377 = arith.xori %lt3A_374, %lt3A_376 : i1
      %and3A_378 = arith.andi %ne3A_377, %ne3A_373 : i1
      %add3A_379 = arith.addi %rem3A_371, %select_n3A_370 : i32
      %select_n3A_380 = arith.select %and3A_378, %add3A_379, %rem3A_371 : i32
      %mul3A_381 = arith.constant 16 : i32
      %mul3A_382 = arith.muli %select_n3A_380, %mul3A_381 : i32
      %swap3A = arith.index_cast %select_n3A : i32 to index
      %swap3A_383 = arith.index_cast %mul3A_382 : i32 to index
      %swap3A_384 = tpu.vector_load %arg11[%swap3A, %swap3A_383] {strides = array<i32>} : memref<16x128xf32, #tpu.memory_space<vmem>>, vector<1x16xf32>,
      %swap3A_385 = vector.shape_cast %swap3A_384 : vector<1x16xf32> to vector<16xf32>
      %swap3A_386 = vector.shape_cast %broadcast_in_dim3A_349 : vector<16xf32> to vector<1x16xf32>
      tpu.vector_store %arg11[%swap3A, %swap3A_383], %swap3A_386 {strides = array<i32>} : memref<16x128xf32, #tpu.memory_space<vmem>>, vector<1x16xf32>,
      %scan3A_387 = arith.constant 0 : i32
      scf.yield %scan3A_387 : i32
    }
    %scan3A_15 = arith.constant 128 : i32
    %scan3A_16 = arith.constant 0 : i32
    %scan3A_17 = arith.constant 0 : i32
    %scan3A_18 = arith.constant 40 : i32
    %scan3A_19 = arith.addi %scan3A_17, %scan3A_18 : i32
    %scan3A_20 = arith.constant 1 : i32
    %scan3A_21 = scf.for %scan3A_347 = %scan3A_17 to %scan3A_19 step %scan3A_20 iter_args(%scan3A_348 = %scan3A_16) -> (i32)  : i32 {
      %mul3A_349 = arith.constant 640 : i32
      %mul3A_350 = arith.muli %arg1, %mul3A_349 : i32
      %mul3A_351 = arith.constant 16 : i32
      %mul3A_352 = arith.muli %scan3A_347, %mul3A_351 : i32
      %add3A_353 = arith.addi %mul3A_350, %mul3A_352 : i32
      %dma_start3A_354 = arith.constant 0 : i32
      %dma_start3A_355 = tpu.memref_slice %arg18[%add3A_353, %dma_start3A_354] : memref<10240x128xf32, #tpu.memory_space<vmem_shared>> -> memref<16x128xf32, #tpu.memory_space<vmem_shared>>
      %dma_start3A_356 = arith.constant 0 : i32
      %dma_start3A_357 = tpu.memref_slice %arg18[%add3A_353, %dma_start3A_356] : memref<10240x128xf32, #tpu.memory_space<vmem_shared>> -> memref<16x128xf32, #tpu.memory_space<vmem_shared>>
      tpu.enqueue_dma source(%arg11 : memref<16x128xf32, #tpu.memory_space<vmem>>) target(%dma_start3A_357 : memref<16x128xf32, #tpu.memory_space<vmem_shared>>) target_semaphore(%arg12 : memref<!tpu.dma_semaphore, #tpu.memory_space<semaphore_mem>>)
      %scan3A_358 = arith.constant 0 : i32
      scf.yield %scan3A_358 : i32
    }
    %scan3A_22 = arith.constant 40 : i32
    %scan3A_23 = arith.constant 0 : i32
    %scan3A_24 = arith.constant 0 : i32
    %scan3A_25 = arith.constant 40 : i32
    %scan3A_26 = arith.addi %scan3A_24, %scan3A_25 : i32
    %scan3A_27 = arith.constant 1 : i32
    %scan3A_28 = scf.for %scan3A_347 = %scan3A_24 to %scan3A_26 step %scan3A_27 iter_args(%scan3A_348 = %scan3A_23) -> (i32)  : i32 {
      %mul3A_349 = arith.constant 640 : i32
      %mul3A_350 = arith.muli %arg1, %mul3A_349 : i32
      %mul3A_351 = arith.constant 16 : i32
      %mul3A_352 = arith.muli %scan3A_347, %mul3A_351 : i32
      %add3A_353 = arith.addi %mul3A_350, %mul3A_352 : i32
      %dma_wait3A_354 = arith.constant 0 : i32
      %dma_wait3A_355 = tpu.memref_slice %arg18[%add3A_353, %dma_wait3A_354] : memref<10240x128xf32, #tpu.memory_space<vmem_shared>> -> memref<16x128xf32, #tpu.memory_space<vmem_shared>>
      %dma_wait3A_356 = arith.constant 0 : i32
      %dma_wait3A_357 = tpu.memref_slice %arg18[%add3A_353, %dma_wait3A_356] : memref<10240x128xf32, #tpu.memory_space<vmem_shared>> -> memref<16x128xf32, #tpu.memory_space<vmem_shared>>
      tpu.wait_dma2 semaphore(%arg12 : memref<!tpu.dma_semaphore, #tpu.memory_space<semaphore_mem>>) src(%arg11 : memref<16x128xf32, #tpu.memory_space<vmem>>) dst(%dma_wait3A_357 : memref<16x128xf32, #tpu.memory_space<vmem_shared>>)
      %scan3A_358 = arith.constant 0 : i32
      scf.yield %scan3A_358 : i32
    }
    %scan3A_29 = arith.constant 40 : i32
    %barrier3A = arith.constant 0 : index
    tpu.barrier barrier_id(%barrier3A)
    %scan3A_30 = arith.constant 0 : i32
    %scan3A_31 = arith.constant 0 : i32
    %scan3A_32 = arith.constant 78 : i32
    %scan3A_33 = arith.addi %scan3A_31, %scan3A_32 : i32
    %scan3A_34 = arith.constant 1 : i32
    %scan3A_35 = scf.for %scan3A_347 = %scan3A_31 to %scan3A_33 step %scan3A_34 iter_args(%scan3A_348 = %scan3A_30) -> (i32)  : i32 {
      %mul3A_349 = arith.constant 128 : i32
      %mul3A_350 = arith.muli %scan3A_347, %mul3A_349 : i32
      %add3A_351 = arith.addi %multiple_of3A, %mul3A_350 : i32
      %dma_wait3A_352 = arith.constant 1 : i32
      %dma_wait3A_353 = arith.constant 0 : i32
      %dma_wait3A_354 = tpu.memref_slice %arg6[%scan3A_347, %dma_wait3A_353] : memref<78x128xi32, #tpu.memory_space<vmem>> -> memref<1x128xi32, #tpu.memory_space<vmem>>
      %dma_wait3A_355 = tpu.memref_squeeze %dma_wait3A_354 : memref<1x128xi32, #tpu.memory_space<vmem>> -> memref<128xi32, #tpu.memory_space<vmem>>
      %dma_wait3A_356 = tpu.memref_slice %arg3[%dma_wait3A_352, %add3A_351] : memref<2x320000xi32, #tpu.memory_space<hbm>> -> memref<1x128xi32, #tpu.memory_space<hbm>>
      %dma_wait3A_357 = tpu.memref_squeeze %dma_wait3A_356 : memref<1x128xi32, #tpu.memory_space<hbm>> -> memref<128xi32, #tpu.memory_space<hbm>>
      %dma_wait3A_358 = arith.constant 0 : i32
      %dma_wait3A_359 = tpu.memref_slice %arg6[%scan3A_347, %dma_wait3A_358] : memref<78x128xi32, #tpu.memory_space<vmem>> -> memref<1x128xi32, #tpu.memory_space<vmem>>
      %dma_wait3A_360 = tpu.memref_squeeze %dma_wait3A_359 : memref<1x128xi32, #tpu.memory_space<vmem>> -> memref<128xi32, #tpu.memory_space<vmem>>
      %dma_wait3A_361 = tpu.memref_slice %arg3[%dma_wait3A_352, %add3A_351] : memref<2x320000xi32, #tpu.memory_space<hbm>> -> memref<1x128xi32, #tpu.memory_space<hbm>>
      %dma_wait3A_362 = tpu.memref_squeeze %dma_wait3A_361 : memref<1x128xi32, #tpu.memory_space<hbm>> -> memref<128xi32, #tpu.memory_space<hbm>>
      tpu.wait_dma2 semaphore(%arg14 : memref<!tpu.dma_semaphore, #tpu.memory_space<semaphore_mem>>) src(%dma_wait3A_362 : memref<128xi32, #tpu.memory_space<hbm>>) dst(%dma_wait3A_360 : memref<128xi32, #tpu.memory_space<vmem>>)
      %scan3A_363 = arith.constant 0 : i32
      scf.yield %scan3A_363 : i32
    }
    %scan3A_36 = arith.constant 78 : i32
    %run_scoped3A = arith.constant 0 : i32
    "tpu.region"() ({
      %run_scoped3A_347 = tpu.sem_alloc : memref<!tpu.dma_semaphore, #tpu.memory_space<semaphore_mem>>
      %dma_start3A_348 = tpu.memref_slice %arg3[%run_scoped3A, %multiple_of3A] : memref<2x320000xi32, #tpu.memory_space<hbm>> -> memref<1x128xi32, #tpu.memory_space<hbm>>
      %dma_start3A_349 = tpu.memref_squeeze %dma_start3A_348 : memref<1x128xi32, #tpu.memory_space<hbm>> -> memref<128xi32, #tpu.memory_space<hbm>>
      %dma_start3A_350 = tpu.memref_slice %arg3[%run_scoped3A, %multiple_of3A] : memref<2x320000xi32, #tpu.memory_space<hbm>> -> memref<1x128xi32, #tpu.memory_space<hbm>>
      %dma_start3A_351 = tpu.memref_squeeze %dma_start3A_350 : memref<1x128xi32, #tpu.memory_space<hbm>> -> memref<128xi32, #tpu.memory_space<hbm>>
      tpu.enqueue_dma source(%dma_start3A_351 : memref<128xi32, #tpu.memory_space<hbm>>) target(%arg7 : memref<128xi32, #tpu.memory_space<vmem>>) target_semaphore(%run_scoped3A_347 : memref<!tpu.dma_semaphore, #tpu.memory_space<semaphore_mem>>)
      %dma_wait3A_352 = tpu.memref_slice %arg3[%run_scoped3A, %multiple_of3A] : memref<2x320000xi32, #tpu.memory_space<hbm>> -> memref<1x128xi32, #tpu.memory_space<hbm>>
      %dma_wait3A_353 = tpu.memref_squeeze %dma_wait3A_352 : memref<1x128xi32, #tpu.memory_space<hbm>> -> memref<128xi32, #tpu.memory_space<hbm>>
      %dma_wait3A_354 = tpu.memref_slice %arg3[%run_scoped3A, %multiple_of3A] : memref<2x320000xi32, #tpu.memory_space<hbm>> -> memref<1x128xi32, #tpu.memory_space<hbm>>
      %dma_wait3A_355 = tpu.memref_squeeze %dma_wait3A_354 : memref<1x128xi32, #tpu.memory_space<hbm>> -> memref<128xi32, #tpu.memory_space<hbm>>
      tpu.wait_dma2 semaphore(%run_scoped3A_347 : memref<!tpu.dma_semaphore, #tpu.memory_space<semaphore_mem>>) src(%dma_wait3A_355 : memref<128xi32, #tpu.memory_space<hbm>>) dst(%arg7 : memref<128xi32, #tpu.memory_space<vmem>>)
      tpu.yield
    }) : () -> ()
    %add3A_37 = arith.constant 128 : i32
    %add3A_38 = arith.addi %multiple_of3A, %add3A_37 : i32
    %dma_start3A = arith.constant 0 : i32
    %dma_start3A_39 = tpu.memref_slice %arg3[%dma_start3A, %add3A_38] : memref<2x320000xi32, #tpu.memory_space<hbm>> -> memref<1x128xi32, #tpu.memory_space<hbm>>
    %dma_start3A_40 = tpu.memref_squeeze %dma_start3A_39 : memref<1x128xi32, #tpu.memory_space<hbm>> -> memref<128xi32, #tpu.memory_space<hbm>>
    %dma_start3A_41 = tpu.memref_slice %arg3[%dma_start3A, %add3A_38] : memref<2x320000xi32, #tpu.memory_space<hbm>> -> memref<1x128xi32, #tpu.memory_space<hbm>>
    %dma_start3A_42 = tpu.memref_squeeze %dma_start3A_41 : memref<1x128xi32, #tpu.memory_space<hbm>> -> memref<128xi32, #tpu.memory_space<hbm>>
    tpu.enqueue_dma source(%dma_start3A_42 : memref<128xi32, #tpu.memory_space<hbm>>) target(%arg8 : memref<128xi32, #tpu.memory_space<vmem>>) target_semaphore(%arg15 : memref<!tpu.dma_semaphore, #tpu.memory_space<semaphore_mem>>)
    %dma_start3A_43 = arith.constant 0 : i32
    %dma_start3A_44 = arith.constant 0 : i32
    %dma_start3A_45 = tpu.memref_slice %arg2[%dma_start3A_43, %dma_start3A_44] : memref<10000x128xf32, #tpu.memory_space<hbm>> -> memref<10000x128xf32, #tpu.memory_space<hbm>>
    tpu.enqueue_indirect_dma source(%dma_start3A_45 : memref<10000x128xf32, #tpu.memory_space<hbm>>) target(%arg9 : memref<128x128xf32, #tpu.memory_space<vmem>>) offsets(%arg7 : memref<128xi32, #tpu.memory_space<vmem>>) semaphore(%arg12 : memref<!tpu.dma_semaphore, #tpu.memory_space<semaphore_mem>>)
    %scan3A_46 = arith.constant 0 : i32
    %scan3A_47 = arith.constant 0 : i32
    %scan3A_48 = arith.constant 39 : i32
    %scan3A_49 = arith.addi %scan3A_47, %scan3A_48 : i32
    %scan3A_50 = arith.constant 1 : i32
    %scan3A_51 = scf.for %scan3A_347 = %scan3A_47 to %scan3A_49 step %scan3A_50 iter_args(%scan3A_348 = %scan3A_46) -> (i32)  : i32 {
      %mul3A_349 = arith.constant 2 : i32
      %mul3A_350 = arith.muli %mul3A_349, %scan3A_347 : i32
      %dma_wait3A_351 = arith.constant 0 : i32
      %dma_wait3A_352 = tpu.memref_slice %arg3[%dma_wait3A_351, %multiple_of3A] : memref<2x320000xi32, #tpu.memory_space<hbm>> -> memref<1x128xi32, #tpu.memory_space<hbm>>
      %dma_wait3A_353 = tpu.memref_squeeze %dma_wait3A_352 : memref<1x128xi32, #tpu.memory_space<hbm>> -> memref<128xi32, #tpu.memory_space<hbm>>
      %dma_wait3A_354 = tpu.memref_slice %arg3[%dma_wait3A_351, %multiple_of3A] : memref<2x320000xi32, #tpu.memory_space<hbm>> -> memref<1x128xi32, #tpu.memory_space<hbm>>
      %dma_wait3A_355 = tpu.memref_squeeze %dma_wait3A_354 : memref<1x128xi32, #tpu.memory_space<hbm>> -> memref<128xi32, #tpu.memory_space<hbm>>
      tpu.wait_dma2 semaphore(%arg15 : memref<!tpu.dma_semaphore, #tpu.memory_space<semaphore_mem>>) src(%dma_wait3A_355 : memref<128xi32, #tpu.memory_space<hbm>>) dst(%arg8 : memref<128xi32, #tpu.memory_space<vmem>>)
      %dma_start3A_356 = arith.constant 0 : i32
      %dma_start3A_357 = arith.constant 0 : i32
      %dma_start3A_358 = tpu.memref_slice %arg2[%dma_start3A_356, %dma_start3A_357] : memref<10000x128xf32, #tpu.memory_space<hbm>> -> memref<10000x128xf32, #tpu.memory_space<hbm>>
      tpu.enqueue_indirect_dma source(%dma_start3A_358 : memref<10000x128xf32, #tpu.memory_space<hbm>>) target(%arg10 : memref<128x128xf32, #tpu.memory_space<vmem>>) offsets(%arg8 : memref<128xi32, #tpu.memory_space<vmem>>) semaphore(%arg13 : memref<!tpu.dma_semaphore, #tpu.memory_space<semaphore_mem>>)
      %dma_wait3A_359 = arith.constant 0 : i32
      %dma_wait3A_360 = arith.constant 0 : i32
      %dma_wait3A_361 = tpu.memref_slice %arg2[%dma_wait3A_359, %dma_wait3A_360] : memref<10000x128xf32, #tpu.memory_space<hbm>> -> memref<10000x128xf32, #tpu.memory_space<hbm>>
      tpu.wait_indirect_dma semaphore(%arg12 : memref<!tpu.dma_semaphore, #tpu.memory_space<semaphore_mem>>) src(%dma_wait3A_361 : memref<10000x128xf32, #tpu.memory_space<hbm>>) dst(%arg9 : memref<128x128xf32, #tpu.memory_space<vmem>>)
      %add3A_362 = arith.constant 2 : i32
      %add3A_363 = arith.addi %mul3A_350, %add3A_362 : i32
      %lt3A = arith.constant 78 : i32
      %lt3A_364 = arith.cmpi slt, %add3A_363, %lt3A : i32
      %convert_element_type3A_365 = arith.extui %lt3A_364 : i1 to i32
      %cond3A_366 = arith.constant 0 : i32
      %cond3A_367 = arith.cmpi ne, %convert_element_type3A_365, %cond3A_366 : i32
      scf.if %cond3A_367 {
        %add3A_388 = arith.constant 2 : i32
        %add3A_389 = arith.addi %mul3A_350, %add3A_388 : i32
        %mul3A_390 = arith.constant 128 : i32
        %mul3A_391 = arith.muli %add3A_389, %mul3A_390 : i32
        %add3A_392 = arith.addi %multiple_of3A, %mul3A_391 : i32
        %dma_start3A_393 = arith.constant 0 : i32
        %dma_start3A_394 = tpu.memref_slice %arg3[%dma_start3A_393, %add3A_392] : memref<2x320000xi32, #tpu.memory_space<hbm>> -> memref<1x128xi32, #tpu.memory_space<hbm>>
        %dma_start3A_395 = tpu.memref_squeeze %dma_start3A_394 : memref<1x128xi32, #tpu.memory_space<hbm>> -> memref<128xi32, #tpu.memory_space<hbm>>
        %dma_start3A_396 = tpu.memref_slice %arg3[%dma_start3A_393, %add3A_392] : memref<2x320000xi32, #tpu.memory_space<hbm>> -> memref<1x128xi32, #tpu.memory_space<hbm>>
        %dma_start3A_397 = tpu.memref_squeeze %dma_start3A_396 : memref<1x128xi32, #tpu.memory_space<hbm>> -> memref<128xi32, #tpu.memory_space<hbm>>
        tpu.enqueue_dma source(%dma_start3A_397 : memref<128xi32, #tpu.memory_space<hbm>>) target(%arg7 : memref<128xi32, #tpu.memory_space<vmem>>) target_semaphore(%arg14 : memref<!tpu.dma_semaphore, #tpu.memory_space<semaphore_mem>>)
      } else {
      }
      "tpu.region"() ({
        %run_scoped3A_388 = tpu.sem_alloc : memref<!tpu.dma_semaphore, #tpu.memory_space<semaphore_mem>>
        %dma_start3A_389 = arith.constant 0 : i32
        %dma_start3A_390 = tpu.memref_slice %arg6[%mul3A_350, %dma_start3A_389] : memref<78x128xi32, #tpu.memory_space<vmem>> -> memref<1x128xi32, #tpu.memory_space<vmem>>
        %dma_start3A_391 = tpu.memref_squeeze %dma_start3A_390 : memref<1x128xi32, #tpu.memory_space<vmem>> -> memref<128xi32, #tpu.memory_space<vmem>>
        %dma_start3A_392 = arith.constant 0 : i32
        %dma_start3A_393 = arith.constant 0 : i32
        %dma_start3A_394 = tpu.memref_slice %arg18[%dma_start3A_392, %dma_start3A_393] : memref<10240x128xf32, #tpu.memory_space<vmem_shared>> -> memref<10240x128xf32, #tpu.memory_space<vmem_shared>>
        tpu.enqueue_indirect_dma source(%arg9 : memref<128x128xf32, #tpu.memory_space<vmem>>) target(%dma_start3A_394 : memref<10240x128xf32, #tpu.memory_space<vmem_shared>>) offsets(%dma_start3A_391 : memref<128xi32, #tpu.memory_space<vmem>>) semaphore(%run_scoped3A_388 : memref<!tpu.dma_semaphore, #tpu.memory_space<semaphore_mem>>) {add = true}
        %dma_wait3A_395 = arith.constant 0 : i32
        %dma_wait3A_396 = tpu.memref_slice %arg6[%mul3A_350, %dma_wait3A_395] : memref<78x128xi32, #tpu.memory_space<vmem>> -> memref<1x128xi32, #tpu.memory_space<vmem>>
        %dma_wait3A_397 = tpu.memref_squeeze %dma_wait3A_396 : memref<1x128xi32, #tpu.memory_space<vmem>> -> memref<128xi32, #tpu.memory_space<vmem>>
        %dma_wait3A_398 = arith.constant 0 : i32
        %dma_wait3A_399 = arith.constant 0 : i32
        %dma_wait3A_400 = tpu.memref_slice %arg18[%dma_wait3A_398, %dma_wait3A_399] : memref<10240x128xf32, #tpu.memory_space<vmem_shared>> -> memref<10240x128xf32, #tpu.memory_space<vmem_shared>>
        tpu.wait_indirect_dma semaphore(%run_scoped3A_388 : memref<!tpu.dma_semaphore, #tpu.memory_space<semaphore_mem>>) src(%arg9 : memref<128x128xf32, #tpu.memory_space<vmem>>) dst(%dma_wait3A_400 : memref<10240x128xf32, #tpu.memory_space<vmem_shared>>)
        tpu.yield
      }) : () -> ()
      %add3A_368 = arith.constant 2 : i32
      %add3A_369 = arith.addi %mul3A_350, %add3A_368 : i32
      %lt3A_370 = arith.constant 78 : i32
      %lt3A_371 = arith.cmpi slt, %add3A_369, %lt3A_370 : i32
      %convert_element_type3A_372 = arith.extui %lt3A_371 : i1 to i32
      %cond3A_373 = arith.constant 0 : i32
      %cond3A_374 = arith.cmpi ne, %convert_element_type3A_372, %cond3A_373 : i32
      scf.if %cond3A_374 {
        %dma_wait3A_388 = arith.constant 0 : i32
        %dma_wait3A_389 = tpu.memref_slice %arg3[%dma_wait3A_388, %multiple_of3A] : memref<2x320000xi32, #tpu.memory_space<hbm>> -> memref<1x128xi32, #tpu.memory_space<hbm>>
        %dma_wait3A_390 = tpu.memref_squeeze %dma_wait3A_389 : memref<1x128xi32, #tpu.memory_space<hbm>> -> memref<128xi32, #tpu.memory_space<hbm>>
        %dma_wait3A_391 = tpu.memref_slice %arg3[%dma_wait3A_388, %multiple_of3A] : memref<2x320000xi32, #tpu.memory_space<hbm>> -> memref<1x128xi32, #tpu.memory_space<hbm>>
        %dma_wait3A_392 = tpu.memref_squeeze %dma_wait3A_391 : memref<1x128xi32, #tpu.memory_space<hbm>> -> memref<128xi32, #tpu.memory_space<hbm>>
        tpu.wait_dma2 semaphore(%arg14 : memref<!tpu.dma_semaphore, #tpu.memory_space<semaphore_mem>>) src(%dma_wait3A_392 : memref<128xi32, #tpu.memory_space<hbm>>) dst(%arg7 : memref<128xi32, #tpu.memory_space<vmem>>)
        %dma_start3A_393 = arith.constant 0 : i32
        %dma_start3A_394 = arith.constant 0 : i32
        %dma_start3A_395 = tpu.memref_slice %arg2[%dma_start3A_393, %dma_start3A_394] : memref<10000x128xf32, #tpu.memory_space<hbm>> -> memref<10000x128xf32, #tpu.memory_space<hbm>>
        tpu.enqueue_indirect_dma source(%dma_start3A_395 : memref<10000x128xf32, #tpu.memory_space<hbm>>) target(%arg9 : memref<128x128xf32, #tpu.memory_space<vmem>>) offsets(%arg7 : memref<128xi32, #tpu.memory_space<vmem>>) semaphore(%arg12 : memref<!tpu.dma_semaphore, #tpu.memory_space<semaphore_mem>>)
      } else {
      }
      %dma_wait3A_375 = arith.constant 0 : i32
      %dma_wait3A_376 = arith.constant 0 : i32
      %dma_wait3A_377 = tpu.memref_slice %arg2[%dma_wait3A_375, %dma_wait3A_376] : memref<10000x128xf32, #tpu.memory_space<hbm>> -> memref<10000x128xf32, #tpu.memory_space<hbm>>
      tpu.wait_indirect_dma semaphore(%arg13 : memref<!tpu.dma_semaphore, #tpu.memory_space<semaphore_mem>>) src(%dma_wait3A_377 : memref<10000x128xf32, #tpu.memory_space<hbm>>) dst(%arg10 : memref<128x128xf32, #tpu.memory_space<vmem>>)
      %add3A_378 = arith.constant 3 : i32
      %add3A_379 = arith.addi %mul3A_350, %add3A_378 : i32
      %lt3A_380 = arith.constant 78 : i32
      %lt3A_381 = arith.cmpi slt, %add3A_379, %lt3A_380 : i32
      %convert_element_type3A_382 = arith.extui %lt3A_381 : i1 to i32
      %cond3A_383 = arith.constant 0 : i32
      %cond3A_384 = arith.cmpi ne, %convert_element_type3A_382, %cond3A_383 : i32
      scf.if %cond3A_384 {
        %add3A_388 = arith.constant 3 : i32
        %add3A_389 = arith.addi %mul3A_350, %add3A_388 : i32
        %mul3A_390 = arith.constant 128 : i32
        %mul3A_391 = arith.muli %add3A_389, %mul3A_390 : i32
        %add3A_392 = arith.addi %multiple_of3A, %mul3A_391 : i32
        %dma_start3A_393 = arith.constant 0 : i32
        %dma_start3A_394 = tpu.memref_slice %arg3[%dma_start3A_393, %add3A_392] : memref<2x320000xi32, #tpu.memory_space<hbm>> -> memref<1x128xi32, #tpu.memory_space<hbm>>
        %dma_start3A_395 = tpu.memref_squeeze %dma_start3A_394 : memref<1x128xi32, #tpu.memory_space<hbm>> -> memref<128xi32, #tpu.memory_space<hbm>>
        %dma_start3A_396 = tpu.memref_slice %arg3[%dma_start3A_393, %add3A_392] : memref<2x320000xi32, #tpu.memory_space<hbm>> -> memref<1x128xi32, #tpu.memory_space<hbm>>
        %dma_start3A_397 = tpu.memref_squeeze %dma_start3A_396 : memref<1x128xi32, #tpu.memory_space<hbm>> -> memref<128xi32, #tpu.memory_space<hbm>>
        tpu.enqueue_dma source(%dma_start3A_397 : memref<128xi32, #tpu.memory_space<hbm>>) target(%arg8 : memref<128xi32, #tpu.memory_space<vmem>>) target_semaphore(%arg15 : memref<!tpu.dma_semaphore, #tpu.memory_space<semaphore_mem>>)
      } else {
      }
      %add3A_385 = arith.constant 1 : i32
      %add3A_386 = arith.addi %mul3A_350, %add3A_385 : i32
      "tpu.region"() ({
        %run_scoped3A_388 = tpu.sem_alloc : memref<!tpu.dma_semaphore, #tpu.memory_space<semaphore_mem>>
        %dma_start3A_389 = arith.constant 0 : i32
        %dma_start3A_390 = tpu.memref_slice %arg6[%add3A_386, %dma_start3A_389] : memref<78x128xi32, #tpu.memory_space<vmem>> -> memref<1x128xi32, #tpu.memory_space<vmem>>
        %dma_start3A_391 = tpu.memref_squeeze %dma_start3A_390 : memref<1x128xi32, #tpu.memory_space<vmem>> -> memref<128xi32, #tpu.memory_space<vmem>>
        %dma_start3A_392 = arith.constant 0 : i32
        %dma_start3A_393 = arith.constant 0 : i32
        %dma_start3A_394 = tpu.memref_slice %arg18[%dma_start3A_392, %dma_start3A_393] : memref<10240x128xf32, #tpu.memory_space<vmem_shared>> -> memref<10240x128xf32, #tpu.memory_space<vmem_shared>>
        tpu.enqueue_indirect_dma source(%arg10 : memref<128x128xf32, #tpu.memory_space<vmem>>) target(%dma_start3A_394 : memref<10240x128xf32, #tpu.memory_space<vmem_shared>>) offsets(%dma_start3A_391 : memref<128xi32, #tpu.memory_space<vmem>>) semaphore(%run_scoped3A_388 : memref<!tpu.dma_semaphore, #tpu.memory_space<semaphore_mem>>) {add = true}
        %dma_wait3A_395 = arith.constant 0 : i32
        %dma_wait3A_396 = tpu.memref_slice %arg6[%add3A_386, %dma_wait3A_395] : memref<78x128xi32, #tpu.memory_space<vmem>> -> memref<1x128xi32, #tpu.memory_space<vmem>>
        %dma_wait3A_397 = tpu.memref_squeeze %dma_wait3A_396 : memref<1x128xi32, #tpu.memory_space<vmem>> -> memref<128xi32, #tpu.memory_space<vmem>>
        %dma_wait3A_398 = arith.constant 0 : i32
        %dma_wait3A_399 = arith.constant 0 : i32
        %dma_wait3A_400 = tpu.memref_slice %arg18[%dma_wait3A_398, %dma_wait3A_399] : memref<10240x128xf32, #tpu.memory_space<vmem_shared>> -> memref<10240x128xf32, #tpu.memory_space<vmem_shared>>
        tpu.wait_indirect_dma semaphore(%run_scoped3A_388 : memref<!tpu.dma_semaphore, #tpu.memory_space<semaphore_mem>>) src(%arg10 : memref<128x128xf32, #tpu.memory_space<vmem>>) dst(%dma_wait3A_400 : memref<10240x128xf32, #tpu.memory_space<vmem_shared>>)
        tpu.yield
      }) : () -> ()
      %scan3A_387 = arith.constant 0 : i32
      scf.yield %scan3A_387 : i32
    }
    %scan3A_52 = arith.constant 39 : i32
    %mul3A_53 = arith.constant 16 : i32
    %mul3A_54 = arith.muli %add3A, %mul3A_53 : i32
    %add3A_55 = arith.constant 319488 : i32
    %add3A_56 = arith.addi %add3A_55, %mul3A_54 : i32
    %multiple_of3A_57 = tpu.assume_multiple %add3A_56, 8 : i32
    %run_scoped3A_58 = arith.constant 1 : i32
    "tpu.region"() ({
      %run_scoped3A_347 = tpu.sem_alloc : memref<!tpu.dma_semaphore, #tpu.memory_space<semaphore_mem>>
      %dma_start3A_348 = tpu.memref_slice %arg3[%run_scoped3A_58, %multiple_of3A_57] : memref<2x320000xi32, #tpu.memory_space<hbm>> -> memref<1x16xi32, #tpu.memory_space<hbm>>
      %dma_start3A_349 = tpu.memref_squeeze %dma_start3A_348 : memref<1x16xi32, #tpu.memory_space<hbm>> -> memref<16xi32, #tpu.memory_space<hbm>>
      %dma_start3A_350 = tpu.memref_slice %arg3[%run_scoped3A_58, %multiple_of3A_57] : memref<2x320000xi32, #tpu.memory_space<hbm>> -> memref<1x16xi32, #tpu.memory_space<hbm>>
      %dma_start3A_351 = tpu.memref_squeeze %dma_start3A_350 : memref<1x16xi32, #tpu.memory_space<hbm>> -> memref<16xi32, #tpu.memory_space<hbm>>
      tpu.enqueue_dma source(%dma_start3A_351 : memref<16xi32, #tpu.memory_space<hbm>>) target(%arg16 : memref<16xi32, #tpu.memory_space<vmem>>) target_semaphore(%run_scoped3A_347 : memref<!tpu.dma_semaphore, #tpu.memory_space<semaphore_mem>>)
      %dma_wait3A_352 = tpu.memref_slice %arg3[%run_scoped3A_58, %multiple_of3A_57] : memref<2x320000xi32, #tpu.memory_space<hbm>> -> memref<1x16xi32, #tpu.memory_space<hbm>>
      %dma_wait3A_353 = tpu.memref_squeeze %dma_wait3A_352 : memref<1x16xi32, #tpu.memory_space<hbm>> -> memref<16xi32, #tpu.memory_space<hbm>>
      %dma_wait3A_354 = tpu.memref_slice %arg3[%run_scoped3A_58, %multiple_of3A_57] : memref<2x320000xi32, #tpu.memory_space<hbm>> -> memref<1x16xi32, #tpu.memory_space<hbm>>
      %dma_wait3A_355 = tpu.memref_squeeze %dma_wait3A_354 : memref<1x16xi32, #tpu.memory_space<hbm>> -> memref<16xi32, #tpu.memory_space<hbm>>
      tpu.wait_dma2 semaphore(%run_scoped3A_347 : memref<!tpu.dma_semaphore, #tpu.memory_space<semaphore_mem>>) src(%dma_wait3A_355 : memref<16xi32, #tpu.memory_space<hbm>>) dst(%arg16 : memref<16xi32, #tpu.memory_space<vmem>>)
      tpu.yield
    }) : () -> ()
    %run_scoped3A_59 = arith.constant 0 : i32
    "tpu.region"() ({
      %run_scoped3A_347 = tpu.sem_alloc : memref<!tpu.dma_semaphore, #tpu.memory_space<semaphore_mem>>
      %dma_start3A_348 = arith.constant 0 : i32
      %dma_start3A_349 = tpu.memref_slice %arg7[%dma_start3A_348] : memref<128xi32, #tpu.memory_space<vmem>> -> memref<16xi32, #tpu.memory_space<vmem>>
      %dma_start3A_350 = tpu.memref_slice %arg3[%run_scoped3A_59, %multiple_of3A_57] : memref<2x320000xi32, #tpu.memory_space<hbm>> -> memref<1x16xi32, #tpu.memory_space<hbm>>
      %dma_start3A_351 = tpu.memref_squeeze %dma_start3A_350 : memref<1x16xi32, #tpu.memory_space<hbm>> -> memref<16xi32, #tpu.memory_space<hbm>>
      %dma_start3A_352 = arith.constant 0 : i32
      %dma_start3A_353 = tpu.memref_slice %arg7[%dma_start3A_352] : memref<128xi32, #tpu.memory_space<vmem>> -> memref<16xi32, #tpu.memory_space<vmem>>
      %dma_start3A_354 = tpu.memref_slice %arg3[%run_scoped3A_59, %multiple_of3A_57] : memref<2x320000xi32, #tpu.memory_space<hbm>> -> memref<1x16xi32, #tpu.memory_space<hbm>>
      %dma_start3A_355 = tpu.memref_squeeze %dma_start3A_354 : memref<1x16xi32, #tpu.memory_space<hbm>> -> memref<16xi32, #tpu.memory_space<hbm>>
      tpu.enqueue_dma source(%dma_start3A_355 : memref<16xi32, #tpu.memory_space<hbm>>) target(%dma_start3A_353 : memref<16xi32, #tpu.memory_space<vmem>>) target_semaphore(%run_scoped3A_347 : memref<!tpu.dma_semaphore, #tpu.memory_space<semaphore_mem>>)
      %dma_wait3A_356 = arith.constant 0 : i32
      %dma_wait3A_357 = tpu.memref_slice %arg7[%dma_wait3A_356] : memref<128xi32, #tpu.memory_space<vmem>> -> memref<16xi32, #tpu.memory_space<vmem>>
      %dma_wait3A_358 = tpu.memref_slice %arg3[%run_scoped3A_59, %multiple_of3A_57] : memref<2x320000xi32, #tpu.memory_space<hbm>> -> memref<1x16xi32, #tpu.memory_space<hbm>>
      %dma_wait3A_359 = tpu.memref_squeeze %dma_wait3A_358 : memref<1x16xi32, #tpu.memory_space<hbm>> -> memref<16xi32, #tpu.memory_space<hbm>>
      %dma_wait3A_360 = arith.constant 0 : i32
      %dma_wait3A_361 = tpu.memref_slice %arg7[%dma_wait3A_360] : memref<128xi32, #tpu.memory_space<vmem>> -> memref<16xi32, #tpu.memory_space<vmem>>
      %dma_wait3A_362 = tpu.memref_slice %arg3[%run_scoped3A_59, %multiple_of3A_57] : memref<2x320000xi32, #tpu.memory_space<hbm>> -> memref<1x16xi32, #tpu.memory_space<hbm>>
      %dma_wait3A_363 = tpu.memref_squeeze %dma_wait3A_362 : memref<1x16xi32, #tpu.memory_space<hbm>> -> memref<16xi32, #tpu.memory_space<hbm>>
      tpu.wait_dma2 semaphore(%run_scoped3A_347 : memref<!tpu.dma_semaphore, #tpu.memory_space<semaphore_mem>>) src(%dma_wait3A_363 : memref<16xi32, #tpu.memory_space<hbm>>) dst(%dma_wait3A_361 : memref<16xi32, #tpu.memory_space<vmem>>)
      tpu.yield
    }) : () -> ()
    %dma_start3A_60 = arith.constant 0 : i32
    %dma_start3A_61 = tpu.memref_slice %arg7[%dma_start3A_60] : memref<128xi32, #tpu.memory_space<vmem>> -> memref<16xi32, #tpu.memory_space<vmem>>
    %dma_start3A_62 = arith.constant 0 : i32
    %dma_start3A_63 = arith.constant 0 : i32
    %dma_start3A_64 = tpu.memref_slice %arg2[%dma_start3A_62, %dma_start3A_63] : memref<10000x128xf32, #tpu.memory_space<hbm>> -> memref<10000x128xf32, #tpu.memory_space<hbm>>
    tpu.enqueue_indirect_dma source(%dma_start3A_64 : memref<10000x128xf32, #tpu.memory_space<hbm>>) target(%arg17 : memref<16x128xf32, #tpu.memory_space<vmem>>) offsets(%dma_start3A_61 : memref<16xi32, #tpu.memory_space<vmem>>) semaphore(%arg12 : memref<!tpu.dma_semaphore, #tpu.memory_space<semaphore_mem>>)
    %dma_wait3A = arith.constant 0 : i32
    %dma_wait3A_65 = tpu.memref_slice %arg7[%dma_wait3A] : memref<128xi32, #tpu.memory_space<vmem>> -> memref<16xi32, #tpu.memory_space<vmem>>
    %dma_wait3A_66 = arith.constant 0 : i32
    %dma_wait3A_67 = arith.constant 0 : i32
    %dma_wait3A_68 = tpu.memref_slice %arg2[%dma_wait3A_66, %dma_wait3A_67] : memref<10000x128xf32, #tpu.memory_space<hbm>> -> memref<10000x128xf32, #tpu.memory_space<hbm>>
    tpu.wait_indirect_dma semaphore(%arg12 : memref<!tpu.dma_semaphore, #tpu.memory_space<semaphore_mem>>) src(%dma_wait3A_68 : memref<10000x128xf32, #tpu.memory_space<hbm>>) dst(%arg17 : memref<16x128xf32, #tpu.memory_space<vmem>>)
    "tpu.region"() ({
      %run_scoped3A_347 = tpu.sem_alloc : memref<!tpu.dma_semaphore, #tpu.memory_space<semaphore_mem>>
      %dma_start3A_348 = arith.constant 0 : i32
      %dma_start3A_349 = arith.constant 0 : i32
      %dma_start3A_350 = tpu.memref_slice %arg18[%dma_start3A_348, %dma_start3A_349] : memref<10240x128xf32, #tpu.memory_space<vmem_shared>> -> memref<10240x128xf32, #tpu.memory_space<vmem_shared>>
      tpu.enqueue_indirect_dma source(%arg17 : memref<16x128xf32, #tpu.memory_space<vmem>>) target(%dma_start3A_350 : memref<10240x128xf32, #tpu.memory_space<vmem_shared>>) offsets(%arg16 : memref<16xi32, #tpu.memory_space<vmem>>) semaphore(%run_scoped3A_347 : memref<!tpu.dma_semaphore, #tpu.memory_space<semaphore_mem>>) {add = true}
      %dma_wait3A_351 = arith.constant 0 : i32
      %dma_wait3A_352 = arith.constant 0 : i32
      %dma_wait3A_353 = tpu.memref_slice %arg18[%dma_wait3A_351, %dma_wait3A_352] : memref<10240x128xf32, #tpu.memory_space<vmem_shared>> -> memref<10240x128xf32, #tpu.memory_space<vmem_shared>>
      tpu.wait_indirect_dma semaphore(%run_scoped3A_347 : memref<!tpu.dma_semaphore, #tpu.memory_space<semaphore_mem>>) src(%arg17 : memref<16x128xf32, #tpu.memory_space<vmem>>) dst(%dma_wait3A_353 : memref<10240x128xf32, #tpu.memory_space<vmem_shared>>)
      tpu.yield
    }) : () -> ()
    %barrier3A_69 = arith.constant 0 : index
    tpu.barrier barrier_id(%barrier3A_69)
    %mul3A_70 = arith.constant 640 : i32
    %mul3A_71 = arith.muli %arg1, %mul3A_70 : i32
    %add3A_72 = arith.constant 0 : i32
    %add3A_73 = arith.addi %mul3A_71, %add3A_72 : i32
    "tpu.region"() ({
      %run_scoped3A_347 = tpu.sem_alloc : memref<!tpu.dma_semaphore, #tpu.memory_space<semaphore_mem>>
      %dma_start3A_348 = arith.constant 0 : i32
      %dma_start3A_349 = arith.constant 0 : i32
      %dma_start3A_350 = tpu.memref_slice %arg9[%dma_start3A_348, %dma_start3A_349] : memref<128x128xf32, #tpu.memory_space<vmem>> -> memref<64x128xf32, #tpu.memory_space<vmem>>
      %dma_start3A_351 = arith.constant 0 : i32
      %dma_start3A_352 = tpu.memref_slice %arg18[%add3A_73, %dma_start3A_351] : memref<10240x128xf32, #tpu.memory_space<vmem_shared>> -> memref<64x128xf32, #tpu.memory_space<vmem_shared>>
      %dma_start3A_353 = arith.constant 0 : i32
      %dma_start3A_354 = arith.constant 0 : i32
      %dma_start3A_355 = tpu.memref_slice %arg9[%dma_start3A_353, %dma_start3A_354] : memref<128x128xf32, #tpu.memory_space<vmem>> -> memref<64x128xf32, #tpu.memory_space<vmem>>
      %dma_start3A_356 = arith.constant 0 : i32
      %dma_start3A_357 = tpu.memref_slice %arg18[%add3A_73, %dma_start3A_356] : memref<10240x128xf32, #tpu.memory_space<vmem_shared>> -> memref<64x128xf32, #tpu.memory_space<vmem_shared>>
      tpu.enqueue_dma source(%dma_start3A_357 : memref<64x128xf32, #tpu.memory_space<vmem_shared>>) target(%dma_start3A_355 : memref<64x128xf32, #tpu.memory_space<vmem>>) target_semaphore(%run_scoped3A_347 : memref<!tpu.dma_semaphore, #tpu.memory_space<semaphore_mem>>)
      %dma_wait3A_358 = arith.constant 0 : i32
      %dma_wait3A_359 = arith.constant 0 : i32
      %dma_wait3A_360 = tpu.memref_slice %arg9[%dma_wait3A_358, %dma_wait3A_359] : memref<128x128xf32, #tpu.memory_space<vmem>> -> memref<64x128xf32, #tpu.memory_space<vmem>>
      %dma_wait3A_361 = arith.constant 0 : i32
      %dma_wait3A_362 = tpu.memref_slice %arg18[%add3A_73, %dma_wait3A_361] : memref<10240x128xf32, #tpu.memory_space<vmem_shared>> -> memref<64x128xf32, #tpu.memory_space<vmem_shared>>
      %dma_wait3A_363 = arith.constant 0 : i32
      %dma_wait3A_364 = arith.constant 0 : i32
      %dma_wait3A_365 = tpu.memref_slice %arg9[%dma_wait3A_363, %dma_wait3A_364] : memref<128x128xf32, #tpu.memory_space<vmem>> -> memref<64x128xf32, #tpu.memory_space<vmem>>
      %dma_wait3A_366 = arith.constant 0 : i32
      %dma_wait3A_367 = tpu.memref_slice %arg18[%add3A_73, %dma_wait3A_366] : memref<10240x128xf32, #tpu.memory_space<vmem_shared>> -> memref<64x128xf32, #tpu.memory_space<vmem_shared>>
      tpu.wait_dma2 semaphore(%run_scoped3A_347 : memref<!tpu.dma_semaphore, #tpu.memory_space<semaphore_mem>>) src(%dma_wait3A_367 : memref<64x128xf32, #tpu.memory_space<vmem_shared>>) dst(%dma_wait3A_365 : memref<64x128xf32, #tpu.memory_space<vmem>>)
      tpu.yield
    }) : () -> ()
    %eq3A = arith.constant 0 : i32
    %eq3A_74 = arith.cmpi eq, %arg0, %eq3A : i32
    %convert_element_type3A = arith.extui %eq3A_74 : i1 to i32
    %cond3A = arith.constant 0 : i32
    %cond3A_75 = arith.cmpi ne, %convert_element_type3A, %cond3A : i32
    scf.if %cond3A_75 {
      %dma_start3A_347 = arith.constant 0 : i32
      %dma_start3A_348 = arith.constant 0 : i32
      %dma_start3A_349 = tpu.memref_slice %arg9[%dma_start3A_347, %dma_start3A_348] : memref<128x128xf32, #tpu.memory_space<vmem>> -> memref<64x128xf32, #tpu.memory_space<vmem>>
      %dma_start3A_350 = arith.constant 0 : i32
      %dma_start3A_351 = tpu.memref_slice %arg4[%add3A_73, %dma_start3A_350] : memref<10240x128xf32, #tpu.memory_space<hbm>> -> memref<64x128xf32, #tpu.memory_space<hbm>>
      %dma_start3A_352 = arith.constant 0 : i32
      %dma_start3A_353 = tpu.memref_slice %arg4[%add3A_73, %dma_start3A_352] : memref<10240x128xf32, #tpu.memory_space<hbm>> -> memref<64x128xf32, #tpu.memory_space<hbm>>
      %dma_start3A_354 = arith.constant 0 : i32
      %dma_start3A_355 = arith.constant 0 : i32
      %dma_start3A_356 = tpu.memref_slice %arg9[%dma_start3A_354, %dma_start3A_355] : memref<128x128xf32, #tpu.memory_space<vmem>> -> memref<64x128xf32, #tpu.memory_space<vmem>>
      tpu.enqueue_dma source(%dma_start3A_356 : memref<64x128xf32, #tpu.memory_space<vmem>>) target(%dma_start3A_353 : memref<64x128xf32, #tpu.memory_space<hbm>>) target_semaphore(%arg12 : memref<!tpu.dma_semaphore, #tpu.memory_space<semaphore_mem>>)
    } else {
    }
    %eq3A_76 = arith.constant 1 : i32
    %eq3A_77 = arith.cmpi eq, %arg0, %eq3A_76 : i32
    %convert_element_type3A_78 = arith.extui %eq3A_77 : i1 to i32
    %cond3A_79 = arith.constant 0 : i32
    %cond3A_80 = arith.cmpi ne, %convert_element_type3A_78, %cond3A_79 : i32
    scf.if %cond3A_80 {
      %dma_start3A_347 = arith.constant 0 : i32
      %dma_start3A_348 = arith.constant 0 : i32
      %dma_start3A_349 = tpu.memref_slice %arg9[%dma_start3A_347, %dma_start3A_348] : memref<128x128xf32, #tpu.memory_space<vmem>> -> memref<64x128xf32, #tpu.memory_space<vmem>>
      %dma_start3A_350 = arith.constant 0 : i32
      %dma_start3A_351 = tpu.memref_slice %arg5[%add3A_73, %dma_start3A_350] : memref<10240x128xf32, #tpu.memory_space<hbm>> -> memref<64x128xf32, #tpu.memory_space<hbm>>
      %dma_start3A_352 = arith.constant 0 : i32
      %dma_start3A_353 = tpu.memref_slice %arg5[%add3A_73, %dma_start3A_352] : memref<10240x128xf32, #tpu.memory_space<hbm>> -> memref<64x128xf32, #tpu.memory_space<hbm>>
      %dma_start3A_354 = arith.constant 0 : i32
      %dma_start3A_355 = arith.constant 0 : i32
      %dma_start3A_356 = tpu.memref_slice %arg9[%dma_start3A_354, %dma_start3A_355] : memref<128x128xf32, #tpu.memory_space<vmem>> -> memref<64x128xf32, #tpu.memory_space<vmem>>
      tpu.enqueue_dma source(%dma_start3A_356 : memref<64x128xf32, #tpu.memory_space<vmem>>) target(%dma_start3A_353 : memref<64x128xf32, #tpu.memory_space<hbm>>) target_semaphore(%arg12 : memref<!tpu.dma_semaphore, #tpu.memory_space<semaphore_mem>>)
    } else {
    }
    %mul3A_81 = arith.constant 640 : i32
    %mul3A_82 = arith.muli %arg1, %mul3A_81 : i32
    %add3A_83 = arith.constant 64 : i32
    %add3A_84 = arith.addi %mul3A_82, %add3A_83 : i32
    "tpu.region"() ({
      %run_scoped3A_347 = tpu.sem_alloc : memref<!tpu.dma_semaphore, #tpu.memory_space<semaphore_mem>>
      %dma_start3A_348 = arith.constant 0 : i32
      %dma_start3A_349 = arith.constant 0 : i32
      %dma_start3A_350 = tpu.memref_slice %arg10[%dma_start3A_348, %dma_start3A_349] : memref<128x128xf32, #tpu.memory_space<vmem>> -> memref<64x128xf32, #tpu.memory_space<vmem>>
      %dma_start3A_351 = arith.constant 0 : i32
      %dma_start3A_352 = tpu.memref_slice %arg18[%add3A_84, %dma_start3A_351] : memref<10240x128xf32, #tpu.memory_space<vmem_shared>> -> memref<64x128xf32, #tpu.memory_space<vmem_shared>>
      %dma_start3A_353 = arith.constant 0 : i32
      %dma_start3A_354 = arith.constant 0 : i32
      %dma_start3A_355 = tpu.memref_slice %arg10[%dma_start3A_353, %dma_start3A_354] : memref<128x128xf32, #tpu.memory_space<vmem>> -> memref<64x128xf32, #tpu.memory_space<vmem>>
      %dma_start3A_356 = arith.constant 0 : i32
      %dma_start3A_357 = tpu.memref_slice %arg18[%add3A_84, %dma_start3A_356] : memref<10240x128xf32, #tpu.memory_space<vmem_shared>> -> memref<64x128xf32, #tpu.memory_space<vmem_shared>>
      tpu.enqueue_dma source(%dma_start3A_357 : memref<64x128xf32, #tpu.memory_space<vmem_shared>>) target(%dma_start3A_355 : memref<64x128xf32, #tpu.memory_space<vmem>>) target_semaphore(%run_scoped3A_347 : memref<!tpu.dma_semaphore, #tpu.memory_space<semaphore_mem>>)
      %dma_wait3A_358 = arith.constant 0 : i32
      %dma_wait3A_359 = arith.constant 0 : i32
      %dma_wait3A_360 = tpu.memref_slice %arg10[%dma_wait3A_358, %dma_wait3A_359] : memref<128x128xf32, #tpu.memory_space<vmem>> -> memref<64x128xf32, #tpu.memory_space<vmem>>
      %dma_wait3A_361 = arith.constant 0 : i32
      %dma_wait3A_362 = tpu.memref_slice %arg18[%add3A_84, %dma_wait3A_361] : memref<10240x128xf32, #tpu.memory_space<vmem_shared>> -> memref<64x128xf32, #tpu.memory_space<vmem_shared>>
      %dma_wait3A_363 = arith.constant 0 : i32
      %dma_wait3A_364 = arith.constant 0 : i32
      %dma_wait3A_365 = tpu.memref_slice %arg10[%dma_wait3A_363, %dma_wait3A_364] : memref<128x128xf32, #tpu.memory_space<vmem>> -> memref<64x128xf32, #tpu.memory_space<vmem>>
      %dma_wait3A_366 = arith.constant 0 : i32
      %dma_wait3A_367 = tpu.memref_slice %arg18[%add3A_84, %dma_wait3A_366] : memref<10240x128xf32, #tpu.memory_space<vmem_shared>> -> memref<64x128xf32, #tpu.memory_space<vmem_shared>>
      tpu.wait_dma2 semaphore(%run_scoped3A_347 : memref<!tpu.dma_semaphore, #tpu.memory_space<semaphore_mem>>) src(%dma_wait3A_367 : memref<64x128xf32, #tpu.memory_space<vmem_shared>>) dst(%dma_wait3A_365 : memref<64x128xf32, #tpu.memory_space<vmem>>)
      tpu.yield
    }) : () -> ()
    %eq3A_85 = arith.constant 0 : i32
    %eq3A_86 = arith.cmpi eq, %arg0, %eq3A_85 : i32
    %convert_element_type3A_87 = arith.extui %eq3A_86 : i1 to i32
    %cond3A_88 = arith.constant 0 : i32
    %cond3A_89 = arith.cmpi ne, %convert_element_type3A_87, %cond3A_88 : i32
    scf.if %cond3A_89 {
      %dma_start3A_347 = arith.constant 0 : i32
      %dma_start3A_348 = arith.constant 0 : i32
      %dma_start3A_349 = tpu.memref_slice %arg10[%dma_start3A_347, %dma_start3A_348] : memref<128x128xf32, #tpu.memory_space<vmem>> -> memref<64x128xf32, #tpu.memory_space<vmem>>
      %dma_start3A_350 = arith.constant 0 : i32
      %dma_start3A_351 = tpu.memref_slice %arg4[%add3A_84, %dma_start3A_350] : memref<10240x128xf32, #tpu.memory_space<hbm>> -> memref<64x128xf32, #tpu.memory_space<hbm>>
      %dma_start3A_352 = arith.constant 0 : i32
      %dma_start3A_353 = tpu.memref_slice %arg4[%add3A_84, %dma_start3A_352] : memref<10240x128xf32, #tpu.memory_space<hbm>> -> memref<64x128xf32, #tpu.memory_space<hbm>>
      %dma_start3A_354 = arith.constant 0 : i32
      %dma_start3A_355 = arith.constant 0 : i32
      %dma_start3A_356 = tpu.memref_slice %arg10[%dma_start3A_354, %dma_start3A_355] : memref<128x128xf32, #tpu.memory_space<vmem>> -> memref<64x128xf32, #tpu.memory_space<vmem>>
      tpu.enqueue_dma source(%dma_start3A_356 : memref<64x128xf32, #tpu.memory_space<vmem>>) target(%dma_start3A_353 : memref<64x128xf32, #tpu.memory_space<hbm>>) target_semaphore(%arg13 : memref<!tpu.dma_semaphore, #tpu.memory_space<semaphore_mem>>)
    } else {
    }
    %eq3A_90 = arith.constant 1 : i32
    %eq3A_91 = arith.cmpi eq, %arg0, %eq3A_90 : i32
    %convert_element_type3A_92 = arith.extui %eq3A_91 : i1 to i32
    %cond3A_93 = arith.constant 0 : i32
    %cond3A_94 = arith.cmpi ne, %convert_element_type3A_92, %cond3A_93 : i32
    scf.if %cond3A_94 {
      %dma_start3A_347 = arith.constant 0 : i32
      %dma_start3A_348 = arith.constant 0 : i32
      %dma_start3A_349 = tpu.memref_slice %arg10[%dma_start3A_347, %dma_start3A_348] : memref<128x128xf32, #tpu.memory_space<vmem>> -> memref<64x128xf32, #tpu.memory_space<vmem>>
      %dma_start3A_350 = arith.constant 0 : i32
      %dma_start3A_351 = tpu.memref_slice %arg5[%add3A_84, %dma_start3A_350] : memref<10240x128xf32, #tpu.memory_space<hbm>> -> memref<64x128xf32, #tpu.memory_space<hbm>>
      %dma_start3A_352 = arith.constant 0 : i32
      %dma_start3A_353 = tpu.memref_slice %arg5[%add3A_84, %dma_start3A_352] : memref<10240x128xf32, #tpu.memory_space<hbm>> -> memref<64x128xf32, #tpu.memory_space<hbm>>
      %dma_start3A_354 = arith.constant 0 : i32
      %dma_start3A_355 = arith.constant 0 : i32
      %dma_start3A_356 = tpu.memref_slice %arg10[%dma_start3A_354, %dma_start3A_355] : memref<128x128xf32, #tpu.memory_space<vmem>> -> memref<64x128xf32, #tpu.memory_space<vmem>>
      tpu.enqueue_dma source(%dma_start3A_356 : memref<64x128xf32, #tpu.memory_space<vmem>>) target(%dma_start3A_353 : memref<64x128xf32, #tpu.memory_space<hbm>>) target_semaphore(%arg13 : memref<!tpu.dma_semaphore, #tpu.memory_space<semaphore_mem>>)
    } else {
    }
    %mul3A_95 = arith.constant 640 : i32
    %mul3A_96 = arith.muli %arg1, %mul3A_95 : i32
    %add3A_97 = arith.constant 128 : i32
    %add3A_98 = arith.addi %mul3A_96, %add3A_97 : i32
    %mul3A_99 = arith.constant 640 : i32
    %mul3A_100 = arith.muli %arg1, %mul3A_99 : i32
    %add3A_101 = arith.constant 0 : i32
    %add3A_102 = arith.addi %mul3A_100, %add3A_101 : i32
    %eq3A_103 = arith.constant 0 : i32
    %eq3A_104 = arith.cmpi eq, %arg0, %eq3A_103 : i32
    %convert_element_type3A_105 = arith.extui %eq3A_104 : i1 to i32
    %cond3A_106 = arith.constant 0 : i32
    %cond3A_107 = arith.cmpi ne, %convert_element_type3A_105, %cond3A_106 : i32
    scf.if %cond3A_107 {
      %dma_wait3A_347 = arith.constant 0 : i32
      %dma_wait3A_348 = arith.constant 0 : i32
      %dma_wait3A_349 = tpu.memref_slice %arg9[%dma_wait3A_347, %dma_wait3A_348] : memref<128x128xf32, #tpu.memory_space<vmem>> -> memref<64x128xf32, #tpu.memory_space<vmem>>
      %dma_wait3A_350 = arith.constant 0 : i32
      %dma_wait3A_351 = tpu.memref_slice %arg4[%add3A_102, %dma_wait3A_350] : memref<10240x128xf32, #tpu.memory_space<hbm>> -> memref<64x128xf32, #tpu.memory_space<hbm>>
      %dma_wait3A_352 = arith.constant 0 : i32
      %dma_wait3A_353 = tpu.memref_slice %arg4[%add3A_102, %dma_wait3A_352] : memref<10240x128xf32, #tpu.memory_space<hbm>> -> memref<64x128xf32, #tpu.memory_space<hbm>>
      %dma_wait3A_354 = arith.constant 0 : i32
      %dma_wait3A_355 = arith.constant 0 : i32
      %dma_wait3A_356 = tpu.memref_slice %arg9[%dma_wait3A_354, %dma_wait3A_355] : memref<128x128xf32, #tpu.memory_space<vmem>> -> memref<64x128xf32, #tpu.memory_space<vmem>>
      tpu.wait_dma2 semaphore(%arg12 : memref<!tpu.dma_semaphore, #tpu.memory_space<semaphore_mem>>) src(%dma_wait3A_356 : memref<64x128xf32, #tpu.memory_space<vmem>>) dst(%dma_wait3A_353 : memref<64x128xf32, #tpu.memory_space<hbm>>)
    } else {
    }
    %eq3A_108 = arith.constant 1 : i32
    %eq3A_109 = arith.cmpi eq, %arg0, %eq3A_108 : i32
    %convert_element_type3A_110 = arith.extui %eq3A_109 : i1 to i32
    %cond3A_111 = arith.constant 0 : i32
    %cond3A_112 = arith.cmpi ne, %convert_element_type3A_110, %cond3A_111 : i32
    scf.if %cond3A_112 {
      %dma_wait3A_347 = arith.constant 0 : i32
      %dma_wait3A_348 = arith.constant 0 : i32
      %dma_wait3A_349 = tpu.memref_slice %arg9[%dma_wait3A_347, %dma_wait3A_348] : memref<128x128xf32, #tpu.memory_space<vmem>> -> memref<64x128xf32, #tpu.memory_space<vmem>>
      %dma_wait3A_350 = arith.constant 0 : i32
      %dma_wait3A_351 = tpu.memref_slice %arg5[%add3A_102, %dma_wait3A_350] : memref<10240x128xf32, #tpu.memory_space<hbm>> -> memref<64x128xf32, #tpu.memory_space<hbm>>
      %dma_wait3A_352 = arith.constant 0 : i32
      %dma_wait3A_353 = tpu.memref_slice %arg5[%add3A_102, %dma_wait3A_352] : memref<10240x128xf32, #tpu.memory_space<hbm>> -> memref<64x128xf32, #tpu.memory_space<hbm>>
      %dma_wait3A_354 = arith.constant 0 : i32
      %dma_wait3A_355 = arith.constant 0 : i32
      %dma_wait3A_356 = tpu.memref_slice %arg9[%dma_wait3A_354, %dma_wait3A_355] : memref<128x128xf32, #tpu.memory_space<vmem>> -> memref<64x128xf32, #tpu.memory_space<vmem>>
      tpu.wait_dma2 semaphore(%arg12 : memref<!tpu.dma_semaphore, #tpu.memory_space<semaphore_mem>>) src(%dma_wait3A_356 : memref<64x128xf32, #tpu.memory_space<vmem>>) dst(%dma_wait3A_353 : memref<64x128xf32, #tpu.memory_space<hbm>>)
    } else {
    }
    "tpu.region"() ({
      %run_scoped3A_347 = tpu.sem_alloc : memref<!tpu.dma_semaphore, #tpu.memory_space<semaphore_mem>>
      %dma_start3A_348 = arith.constant 0 : i32
      %dma_start3A_349 = arith.constant 0 : i32
      %dma_start3A_350 = tpu.memref_slice %arg9[%dma_start3A_348, %dma_start3A_349] : memref<128x128xf32, #tpu.memory_space<vmem>> -> memref<64x128xf32, #tpu.memory_space<vmem>>
      %dma_start3A_351 = arith.constant 0 : i32
      %dma_start3A_352 = tpu.memref_slice %arg18[%add3A_98, %dma_start3A_351] : memref<10240x128xf32, #tpu.memory_space<vmem_shared>> -> memref<64x128xf32, #tpu.memory_space<vmem_shared>>
      %dma_start3A_353 = arith.constant 0 : i32
      %dma_start3A_354 = arith.constant 0 : i32
      %dma_start3A_355 = tpu.memref_slice %arg9[%dma_start3A_353, %dma_start3A_354] : memref<128x128xf32, #tpu.memory_space<vmem>> -> memref<64x128xf32, #tpu.memory_space<vmem>>
      %dma_start3A_356 = arith.constant 0 : i32
      %dma_start3A_357 = tpu.memref_slice %arg18[%add3A_98, %dma_start3A_356] : memref<10240x128xf32, #tpu.memory_space<vmem_shared>> -> memref<64x128xf32, #tpu.memory_space<vmem_shared>>
      tpu.enqueue_dma source(%dma_start3A_357 : memref<64x128xf32, #tpu.memory_space<vmem_shared>>) target(%dma_start3A_355 : memref<64x128xf32, #tpu.memory_space<vmem>>) target_semaphore(%run_scoped3A_347 : memref<!tpu.dma_semaphore, #tpu.memory_space<semaphore_mem>>)
      %dma_wait3A_358 = arith.constant 0 : i32
      %dma_wait3A_359 = arith.constant 0 : i32
      %dma_wait3A_360 = tpu.memref_slice %arg9[%dma_wait3A_358, %dma_wait3A_359] : memref<128x128xf32, #tpu.memory_space<vmem>> -> memref<64x128xf32, #tpu.memory_space<vmem>>
      %dma_wait3A_361 = arith.constant 0 : i32
      %dma_wait3A_362 = tpu.memref_slice %arg18[%add3A_98, %dma_wait3A_361] : memref<10240x128xf32, #tpu.memory_space<vmem_shared>> -> memref<64x128xf32, #tpu.memory_space<vmem_shared>>
      %dma_wait3A_363 = arith.constant 0 : i32
      %dma_wait3A_364 = arith.constant 0 : i32
      %dma_wait3A_365 = tpu.memref_slice %arg9[%dma_wait3A_363, %dma_wait3A_364] : memref<128x128xf32, #tpu.memory_space<vmem>> -> memref<64x128xf32, #tpu.memory_space<vmem>>
      %dma_wait3A_366 = arith.constant 0 : i32
      %dma_wait3A_367 = tpu.memref_slice %arg18[%add3A_98, %dma_wait3A_366] : memref<10240x128xf32, #tpu.memory_space<vmem_shared>> -> memref<64x128xf32, #tpu.memory_space<vmem_shared>>
      tpu.wait_dma2 semaphore(%run_scoped3A_347 : memref<!tpu.dma_semaphore, #tpu.memory_space<semaphore_mem>>) src(%dma_wait3A_367 : memref<64x128xf32, #tpu.memory_space<vmem_shared>>) dst(%dma_wait3A_365 : memref<64x128xf32, #tpu.memory_space<vmem>>)
      tpu.yield
    }) : () -> ()
    %eq3A_113 = arith.constant 0 : i32
    %eq3A_114 = arith.cmpi eq, %arg0, %eq3A_113 : i32
    %convert_element_type3A_115 = arith.extui %eq3A_114 : i1 to i32
    %cond3A_116 = arith.constant 0 : i32
    %cond3A_117 = arith.cmpi ne, %convert_element_type3A_115, %cond3A_116 : i32
    scf.if %cond3A_117 {
      %dma_start3A_347 = arith.constant 0 : i32
      %dma_start3A_348 = arith.constant 0 : i32
      %dma_start3A_349 = tpu.memref_slice %arg9[%dma_start3A_347, %dma_start3A_348] : memref<128x128xf32, #tpu.memory_space<vmem>> -> memref<64x128xf32, #tpu.memory_space<vmem>>
      %dma_start3A_350 = arith.constant 0 : i32
      %dma_start3A_351 = tpu.memref_slice %arg4[%add3A_98, %dma_start3A_350] : memref<10240x128xf32, #tpu.memory_space<hbm>> -> memref<64x128xf32, #tpu.memory_space<hbm>>
      %dma_start3A_352 = arith.constant 0 : i32
      %dma_start3A_353 = tpu.memref_slice %arg4[%add3A_98, %dma_start3A_352] : memref<10240x128xf32, #tpu.memory_space<hbm>> -> memref<64x128xf32, #tpu.memory_space<hbm>>
      %dma_start3A_354 = arith.constant 0 : i32
      %dma_start3A_355 = arith.constant 0 : i32
      %dma_start3A_356 = tpu.memref_slice %arg9[%dma_start3A_354, %dma_start3A_355] : memref<128x128xf32, #tpu.memory_space<vmem>> -> memref<64x128xf32, #tpu.memory_space<vmem>>
      tpu.enqueue_dma source(%dma_start3A_356 : memref<64x128xf32, #tpu.memory_space<vmem>>) target(%dma_start3A_353 : memref<64x128xf32, #tpu.memory_space<hbm>>) target_semaphore(%arg12 : memref<!tpu.dma_semaphore, #tpu.memory_space<semaphore_mem>>)
    } else {
    }
    %eq3A_118 = arith.constant 1 : i32
    %eq3A_119 = arith.cmpi eq, %arg0, %eq3A_118 : i32
    %convert_element_type3A_120 = arith.extui %eq3A_119 : i1 to i32
    %cond3A_121 = arith.constant 0 : i32
    %cond3A_122 = arith.cmpi ne, %convert_element_type3A_120, %cond3A_121 : i32
    scf.if %cond3A_122 {
      %dma_start3A_347 = arith.constant 0 : i32
      %dma_start3A_348 = arith.constant 0 : i32
      %dma_start3A_349 = tpu.memref_slice %arg9[%dma_start3A_347, %dma_start3A_348] : memref<128x128xf32, #tpu.memory_space<vmem>> -> memref<64x128xf32, #tpu.memory_space<vmem>>
      %dma_start3A_350 = arith.constant 0 : i32
      %dma_start3A_351 = tpu.memref_slice %arg5[%add3A_98, %dma_start3A_350] : memref<10240x128xf32, #tpu.memory_space<hbm>> -> memref<64x128xf32, #tpu.memory_space<hbm>>
      %dma_start3A_352 = arith.constant 0 : i32
      %dma_start3A_353 = tpu.memref_slice %arg5[%add3A_98, %dma_start3A_352] : memref<10240x128xf32, #tpu.memory_space<hbm>> -> memref<64x128xf32, #tpu.memory_space<hbm>>
      %dma_start3A_354 = arith.constant 0 : i32
      %dma_start3A_355 = arith.constant 0 : i32
      %dma_start3A_356 = tpu.memref_slice %arg9[%dma_start3A_354, %dma_start3A_355] : memref<128x128xf32, #tpu.memory_space<vmem>> -> memref<64x128xf32, #tpu.memory_space<vmem>>
      tpu.enqueue_dma source(%dma_start3A_356 : memref<64x128xf32, #tpu.memory_space<vmem>>) target(%dma_start3A_353 : memref<64x128xf32, #tpu.memory_space<hbm>>) target_semaphore(%arg12 : memref<!tpu.dma_semaphore, #tpu.memory_space<semaphore_mem>>)
    } else {
    }
    %mul3A_123 = arith.constant 640 : i32
    %mul3A_124 = arith.muli %arg1, %mul3A_123 : i32
    %add3A_125 = arith.constant 192 : i32
    %add3A_126 = arith.addi %mul3A_124, %add3A_125 : i32
    %mul3A_127 = arith.constant 640 : i32
    %mul3A_128 = arith.muli %arg1, %mul3A_127 : i32
    %add3A_129 = arith.constant 64 : i32
    %add3A_130 = arith.addi %mul3A_128, %add3A_129 : i32
    %eq3A_131 = arith.constant 0 : i32
    %eq3A_132 = arith.cmpi eq, %arg0, %eq3A_131 : i32
    %convert_element_type3A_133 = arith.extui %eq3A_132 : i1 to i32
    %cond3A_134 = arith.constant 0 : i32
    %cond3A_135 = arith.cmpi ne, %convert_element_type3A_133, %cond3A_134 : i32
    scf.if %cond3A_135 {
      %dma_wait3A_347 = arith.constant 0 : i32
      %dma_wait3A_348 = arith.constant 0 : i32
      %dma_wait3A_349 = tpu.memref_slice %arg10[%dma_wait3A_347, %dma_wait3A_348] : memref<128x128xf32, #tpu.memory_space<vmem>> -> memref<64x128xf32, #tpu.memory_space<vmem>>
      %dma_wait3A_350 = arith.constant 0 : i32
      %dma_wait3A_351 = tpu.memref_slice %arg4[%add3A_130, %dma_wait3A_350] : memref<10240x128xf32, #tpu.memory_space<hbm>> -> memref<64x128xf32, #tpu.memory_space<hbm>>
      %dma_wait3A_352 = arith.constant 0 : i32
      %dma_wait3A_353 = tpu.memref_slice %arg4[%add3A_130, %dma_wait3A_352] : memref<10240x128xf32, #tpu.memory_space<hbm>> -> memref<64x128xf32, #tpu.memory_space<hbm>>
      %dma_wait3A_354 = arith.constant 0 : i32
      %dma_wait3A_355 = arith.constant 0 : i32
      %dma_wait3A_356 = tpu.memref_slice %arg10[%dma_wait3A_354, %dma_wait3A_355] : memref<128x128xf32, #tpu.memory_space<vmem>> -> memref<64x128xf32, #tpu.memory_space<vmem>>
      tpu.wait_dma2 semaphore(%arg13 : memref<!tpu.dma_semaphore, #tpu.memory_space<semaphore_mem>>) src(%dma_wait3A_356 : memref<64x128xf32, #tpu.memory_space<vmem>>) dst(%dma_wait3A_353 : memref<64x128xf32, #tpu.memory_space<hbm>>)
    } else {
    }
    %eq3A_136 = arith.constant 1 : i32
    %eq3A_137 = arith.cmpi eq, %arg0, %eq3A_136 : i32
    %convert_element_type3A_138 = arith.extui %eq3A_137 : i1 to i32
    %cond3A_139 = arith.constant 0 : i32
    %cond3A_140 = arith.cmpi ne, %convert_element_type3A_138, %cond3A_139 : i32
    scf.if %cond3A_140 {
      %dma_wait3A_347 = arith.constant 0 : i32
      %dma_wait3A_348 = arith.constant 0 : i32
      %dma_wait3A_349 = tpu.memref_slice %arg10[%dma_wait3A_347, %dma_wait3A_348] : memref<128x128xf32, #tpu.memory_space<vmem>> -> memref<64x128xf32, #tpu.memory_space<vmem>>
      %dma_wait3A_350 = arith.constant 0 : i32
      %dma_wait3A_351 = tpu.memref_slice %arg5[%add3A_130, %dma_wait3A_350] : memref<10240x128xf32, #tpu.memory_space<hbm>> -> memref<64x128xf32, #tpu.memory_space<hbm>>
      %dma_wait3A_352 = arith.constant 0 : i32
      %dma_wait3A_353 = tpu.memref_slice %arg5[%add3A_130, %dma_wait3A_352] : memref<10240x128xf32, #tpu.memory_space<hbm>> -> memref<64x128xf32, #tpu.memory_space<hbm>>
      %dma_wait3A_354 = arith.constant 0 : i32
      %dma_wait3A_355 = arith.constant 0 : i32
      %dma_wait3A_356 = tpu.memref_slice %arg10[%dma_wait3A_354, %dma_wait3A_355] : memref<128x128xf32, #tpu.memory_space<vmem>> -> memref<64x128xf32, #tpu.memory_space<vmem>>
      tpu.wait_dma2 semaphore(%arg13 : memref<!tpu.dma_semaphore, #tpu.memory_space<semaphore_mem>>) src(%dma_wait3A_356 : memref<64x128xf32, #tpu.memory_space<vmem>>) dst(%dma_wait3A_353 : memref<64x128xf32, #tpu.memory_space<hbm>>)
    } else {
    }
    "tpu.region"() ({
      %run_scoped3A_347 = tpu.sem_alloc : memref<!tpu.dma_semaphore, #tpu.memory_space<semaphore_mem>>
      %dma_start3A_348 = arith.constant 0 : i32
      %dma_start3A_349 = arith.constant 0 : i32
      %dma_start3A_350 = tpu.memref_slice %arg10[%dma_start3A_348, %dma_start3A_349] : memref<128x128xf32, #tpu.memory_space<vmem>> -> memref<64x128xf32, #tpu.memory_space<vmem>>
      %dma_start3A_351 = arith.constant 0 : i32
      %dma_start3A_352 = tpu.memref_slice %arg18[%add3A_126, %dma_start3A_351] : memref<10240x128xf32, #tpu.memory_space<vmem_shared>> -> memref<64x128xf32, #tpu.memory_space<vmem_shared>>
      %dma_start3A_353 = arith.constant 0 : i32
      %dma_start3A_354 = arith.constant 0 : i32
      %dma_start3A_355 = tpu.memref_slice %arg10[%dma_start3A_353, %dma_start3A_354] : memref<128x128xf32, #tpu.memory_space<vmem>> -> memref<64x128xf32, #tpu.memory_space<vmem>>
      %dma_start3A_356 = arith.constant 0 : i32
      %dma_start3A_357 = tpu.memref_slice %arg18[%add3A_126, %dma_start3A_356] : memref<10240x128xf32, #tpu.memory_space<vmem_shared>> -> memref<64x128xf32, #tpu.memory_space<vmem_shared>>
      tpu.enqueue_dma source(%dma_start3A_357 : memref<64x128xf32, #tpu.memory_space<vmem_shared>>) target(%dma_start3A_355 : memref<64x128xf32, #tpu.memory_space<vmem>>) target_semaphore(%run_scoped3A_347 : memref<!tpu.dma_semaphore, #tpu.memory_space<semaphore_mem>>)
      %dma_wait3A_358 = arith.constant 0 : i32
      %dma_wait3A_359 = arith.constant 0 : i32
      %dma_wait3A_360 = tpu.memref_slice %arg10[%dma_wait3A_358, %dma_wait3A_359] : memref<128x128xf32, #tpu.memory_space<vmem>> -> memref<64x128xf32, #tpu.memory_space<vmem>>
      %dma_wait3A_361 = arith.constant 0 : i32
      %dma_wait3A_362 = tpu.memref_slice %arg18[%add3A_126, %dma_wait3A_361] : memref<10240x128xf32, #tpu.memory_space<vmem_shared>> -> memref<64x128xf32, #tpu.memory_space<vmem_shared>>
      %dma_wait3A_363 = arith.constant 0 : i32
      %dma_wait3A_364 = arith.constant 0 : i32
      %dma_wait3A_365 = tpu.memref_slice %arg10[%dma_wait3A_363, %dma_wait3A_364] : memref<128x128xf32, #tpu.memory_space<vmem>> -> memref<64x128xf32, #tpu.memory_space<vmem>>
      %dma_wait3A_366 = arith.constant 0 : i32
      %dma_wait3A_367 = tpu.memref_slice %arg18[%add3A_126, %dma_wait3A_366] : memref<10240x128xf32, #tpu.memory_space<vmem_shared>> -> memref<64x128xf32, #tpu.memory_space<vmem_shared>>
      tpu.wait_dma2 semaphore(%run_scoped3A_347 : memref<!tpu.dma_semaphore, #tpu.memory_space<semaphore_mem>>) src(%dma_wait3A_367 : memref<64x128xf32, #tpu.memory_space<vmem_shared>>) dst(%dma_wait3A_365 : memref<64x128xf32, #tpu.memory_space<vmem>>)
      tpu.yield
    }) : () -> ()
    %eq3A_141 = arith.constant 0 : i32
    %eq3A_142 = arith.cmpi eq, %arg0, %eq3A_141 : i32
    %convert_element_type3A_143 = arith.extui %eq3A_142 : i1 to i32
    %cond3A_144 = arith.constant 0 : i32
    %cond3A_145 = arith.cmpi ne, %convert_element_type3A_143, %cond3A_144 : i32
    scf.if %cond3A_145 {
      %dma_start3A_347 = arith.constant 0 : i32
      %dma_start3A_348 = arith.constant 0 : i32
      %dma_start3A_349 = tpu.memref_slice %arg10[%dma_start3A_347, %dma_start3A_348] : memref<128x128xf32, #tpu.memory_space<vmem>> -> memref<64x128xf32, #tpu.memory_space<vmem>>
      %dma_start3A_350 = arith.constant 0 : i32
      %dma_start3A_351 = tpu.memref_slice %arg4[%add3A_126, %dma_start3A_350] : memref<10240x128xf32, #tpu.memory_space<hbm>> -> memref<64x128xf32, #tpu.memory_space<hbm>>
      %dma_start3A_352 = arith.constant 0 : i32
      %dma_start3A_353 = tpu.memref_slice %arg4[%add3A_126, %dma_start3A_352] : memref<10240x128xf32, #tpu.memory_space<hbm>> -> memref<64x128xf32, #tpu.memory_space<hbm>>
      %dma_start3A_354 = arith.constant 0 : i32
      %dma_start3A_355 = arith.constant 0 : i32
      %dma_start3A_356 = tpu.memref_slice %arg10[%dma_start3A_354, %dma_start3A_355] : memref<128x128xf32, #tpu.memory_space<vmem>> -> memref<64x128xf32, #tpu.memory_space<vmem>>
      tpu.enqueue_dma source(%dma_start3A_356 : memref<64x128xf32, #tpu.memory_space<vmem>>) target(%dma_start3A_353 : memref<64x128xf32, #tpu.memory_space<hbm>>) target_semaphore(%arg13 : memref<!tpu.dma_semaphore, #tpu.memory_space<semaphore_mem>>)
    } else {
    }
    %eq3A_146 = arith.constant 1 : i32
    %eq3A_147 = arith.cmpi eq, %arg0, %eq3A_146 : i32
    %convert_element_type3A_148 = arith.extui %eq3A_147 : i1 to i32
    %cond3A_149 = arith.constant 0 : i32
    %cond3A_150 = arith.cmpi ne, %convert_element_type3A_148, %cond3A_149 : i32
    scf.if %cond3A_150 {
      %dma_start3A_347 = arith.constant 0 : i32
      %dma_start3A_348 = arith.constant 0 : i32
      %dma_start3A_349 = tpu.memref_slice %arg10[%dma_start3A_347, %dma_start3A_348] : memref<128x128xf32, #tpu.memory_space<vmem>> -> memref<64x128xf32, #tpu.memory_space<vmem>>
      %dma_start3A_350 = arith.constant 0 : i32
      %dma_start3A_351 = tpu.memref_slice %arg5[%add3A_126, %dma_start3A_350] : memref<10240x128xf32, #tpu.memory_space<hbm>> -> memref<64x128xf32, #tpu.memory_space<hbm>>
      %dma_start3A_352 = arith.constant 0 : i32
      %dma_start3A_353 = tpu.memref_slice %arg5[%add3A_126, %dma_start3A_352] : memref<10240x128xf32, #tpu.memory_space<hbm>> -> memref<64x128xf32, #tpu.memory_space<hbm>>
      %dma_start3A_354 = arith.constant 0 : i32
      %dma_start3A_355 = arith.constant 0 : i32
      %dma_start3A_356 = tpu.memref_slice %arg10[%dma_start3A_354, %dma_start3A_355] : memref<128x128xf32, #tpu.memory_space<vmem>> -> memref<64x128xf32, #tpu.memory_space<vmem>>
      tpu.enqueue_dma source(%dma_start3A_356 : memref<64x128xf32, #tpu.memory_space<vmem>>) target(%dma_start3A_353 : memref<64x128xf32, #tpu.memory_space<hbm>>) target_semaphore(%arg13 : memref<!tpu.dma_semaphore, #tpu.memory_space<semaphore_mem>>)
    } else {
    }
    %mul3A_151 = arith.constant 640 : i32
    %mul3A_152 = arith.muli %arg1, %mul3A_151 : i32
    %add3A_153 = arith.constant 256 : i32
    %add3A_154 = arith.addi %mul3A_152, %add3A_153 : i32
    %mul3A_155 = arith.constant 640 : i32
    %mul3A_156 = arith.muli %arg1, %mul3A_155 : i32
    %add3A_157 = arith.constant 128 : i32
    %add3A_158 = arith.addi %mul3A_156, %add3A_157 : i32
    %eq3A_159 = arith.constant 0 : i32
    %eq3A_160 = arith.cmpi eq, %arg0, %eq3A_159 : i32
    %convert_element_type3A_161 = arith.extui %eq3A_160 : i1 to i32
    %cond3A_162 = arith.constant 0 : i32
    %cond3A_163 = arith.cmpi ne, %convert_element_type3A_161, %cond3A_162 : i32
    scf.if %cond3A_163 {
      %dma_wait3A_347 = arith.constant 0 : i32
      %dma_wait3A_348 = arith.constant 0 : i32
      %dma_wait3A_349 = tpu.memref_slice %arg9[%dma_wait3A_347, %dma_wait3A_348] : memref<128x128xf32, #tpu.memory_space<vmem>> -> memref<64x128xf32, #tpu.memory_space<vmem>>
      %dma_wait3A_350 = arith.constant 0 : i32
      %dma_wait3A_351 = tpu.memref_slice %arg4[%add3A_158, %dma_wait3A_350] : memref<10240x128xf32, #tpu.memory_space<hbm>> -> memref<64x128xf32, #tpu.memory_space<hbm>>
      %dma_wait3A_352 = arith.constant 0 : i32
      %dma_wait3A_353 = tpu.memref_slice %arg4[%add3A_158, %dma_wait3A_352] : memref<10240x128xf32, #tpu.memory_space<hbm>> -> memref<64x128xf32, #tpu.memory_space<hbm>>
      %dma_wait3A_354 = arith.constant 0 : i32
      %dma_wait3A_355 = arith.constant 0 : i32
      %dma_wait3A_356 = tpu.memref_slice %arg9[%dma_wait3A_354, %dma_wait3A_355] : memref<128x128xf32, #tpu.memory_space<vmem>> -> memref<64x128xf32, #tpu.memory_space<vmem>>
      tpu.wait_dma2 semaphore(%arg12 : memref<!tpu.dma_semaphore, #tpu.memory_space<semaphore_mem>>) src(%dma_wait3A_356 : memref<64x128xf32, #tpu.memory_space<vmem>>) dst(%dma_wait3A_353 : memref<64x128xf32, #tpu.memory_space<hbm>>)
    } else {
    }
    %eq3A_164 = arith.constant 1 : i32
    %eq3A_165 = arith.cmpi eq, %arg0, %eq3A_164 : i32
    %convert_element_type3A_166 = arith.extui %eq3A_165 : i1 to i32
    %cond3A_167 = arith.constant 0 : i32
    %cond3A_168 = arith.cmpi ne, %convert_element_type3A_166, %cond3A_167 : i32
    scf.if %cond3A_168 {
      %dma_wait3A_347 = arith.constant 0 : i32
      %dma_wait3A_348 = arith.constant 0 : i32
      %dma_wait3A_349 = tpu.memref_slice %arg9[%dma_wait3A_347, %dma_wait3A_348] : memref<128x128xf32, #tpu.memory_space<vmem>> -> memref<64x128xf32, #tpu.memory_space<vmem>>
      %dma_wait3A_350 = arith.constant 0 : i32
      %dma_wait3A_351 = tpu.memref_slice %arg5[%add3A_158, %dma_wait3A_350] : memref<10240x128xf32, #tpu.memory_space<hbm>> -> memref<64x128xf32, #tpu.memory_space<hbm>>
      %dma_wait3A_352 = arith.constant 0 : i32
      %dma_wait3A_353 = tpu.memref_slice %arg5[%add3A_158, %dma_wait3A_352] : memref<10240x128xf32, #tpu.memory_space<hbm>> -> memref<64x128xf32, #tpu.memory_space<hbm>>
      %dma_wait3A_354 = arith.constant 0 : i32
      %dma_wait3A_355 = arith.constant 0 : i32
      %dma_wait3A_356 = tpu.memref_slice %arg9[%dma_wait3A_354, %dma_wait3A_355] : memref<128x128xf32, #tpu.memory_space<vmem>> -> memref<64x128xf32, #tpu.memory_space<vmem>>
      tpu.wait_dma2 semaphore(%arg12 : memref<!tpu.dma_semaphore, #tpu.memory_space<semaphore_mem>>) src(%dma_wait3A_356 : memref<64x128xf32, #tpu.memory_space<vmem>>) dst(%dma_wait3A_353 : memref<64x128xf32, #tpu.memory_space<hbm>>)
    } else {
    }
    "tpu.region"() ({
      %run_scoped3A_347 = tpu.sem_alloc : memref<!tpu.dma_semaphore, #tpu.memory_space<semaphore_mem>>
      %dma_start3A_348 = arith.constant 0 : i32
      %dma_start3A_349 = arith.constant 0 : i32
      %dma_start3A_350 = tpu.memref_slice %arg9[%dma_start3A_348, %dma_start3A_349] : memref<128x128xf32, #tpu.memory_space<vmem>> -> memref<64x128xf32, #tpu.memory_space<vmem>>
      %dma_start3A_351 = arith.constant 0 : i32
      %dma_start3A_352 = tpu.memref_slice %arg18[%add3A_154, %dma_start3A_351] : memref<10240x128xf32, #tpu.memory_space<vmem_shared>> -> memref<64x128xf32, #tpu.memory_space<vmem_shared>>
      %dma_start3A_353 = arith.constant 0 : i32
      %dma_start3A_354 = arith.constant 0 : i32
      %dma_start3A_355 = tpu.memref_slice %arg9[%dma_start3A_353, %dma_start3A_354] : memref<128x128xf32, #tpu.memory_space<vmem>> -> memref<64x128xf32, #tpu.memory_space<vmem>>
      %dma_start3A_356 = arith.constant 0 : i32
      %dma_start3A_357 = tpu.memref_slice %arg18[%add3A_154, %dma_start3A_356] : memref<10240x128xf32, #tpu.memory_space<vmem_shared>> -> memref<64x128xf32, #tpu.memory_space<vmem_shared>>
      tpu.enqueue_dma source(%dma_start3A_357 : memref<64x128xf32, #tpu.memory_space<vmem_shared>>) target(%dma_start3A_355 : memref<64x128xf32, #tpu.memory_space<vmem>>) target_semaphore(%run_scoped3A_347 : memref<!tpu.dma_semaphore, #tpu.memory_space<semaphore_mem>>)
      %dma_wait3A_358 = arith.constant 0 : i32
      %dma_wait3A_359 = arith.constant 0 : i32
      %dma_wait3A_360 = tpu.memref_slice %arg9[%dma_wait3A_358, %dma_wait3A_359] : memref<128x128xf32, #tpu.memory_space<vmem>> -> memref<64x128xf32, #tpu.memory_space<vmem>>
      %dma_wait3A_361 = arith.constant 0 : i32
      %dma_wait3A_362 = tpu.memref_slice %arg18[%add3A_154, %dma_wait3A_361] : memref<10240x128xf32, #tpu.memory_space<vmem_shared>> -> memref<64x128xf32, #tpu.memory_space<vmem_shared>>
      %dma_wait3A_363 = arith.constant 0 : i32
      %dma_wait3A_364 = arith.constant 0 : i32
      %dma_wait3A_365 = tpu.memref_slice %arg9[%dma_wait3A_363, %dma_wait3A_364] : memref<128x128xf32, #tpu.memory_space<vmem>> -> memref<64x128xf32, #tpu.memory_space<vmem>>
      %dma_wait3A_366 = arith.constant 0 : i32
      %dma_wait3A_367 = tpu.memref_slice %arg18[%add3A_154, %dma_wait3A_366] : memref<10240x128xf32, #tpu.memory_space<vmem_shared>> -> memref<64x128xf32, #tpu.memory_space<vmem_shared>>
      tpu.wait_dma2 semaphore(%run_scoped3A_347 : memref<!tpu.dma_semaphore, #tpu.memory_space<semaphore_mem>>) src(%dma_wait3A_367 : memref<64x128xf32, #tpu.memory_space<vmem_shared>>) dst(%dma_wait3A_365 : memref<64x128xf32, #tpu.memory_space<vmem>>)
      tpu.yield
    }) : () -> ()
    %eq3A_169 = arith.constant 0 : i32
    %eq3A_170 = arith.cmpi eq, %arg0, %eq3A_169 : i32
    %convert_element_type3A_171 = arith.extui %eq3A_170 : i1 to i32
    %cond3A_172 = arith.constant 0 : i32
    %cond3A_173 = arith.cmpi ne, %convert_element_type3A_171, %cond3A_172 : i32
    scf.if %cond3A_173 {
      %dma_start3A_347 = arith.constant 0 : i32
      %dma_start3A_348 = arith.constant 0 : i32
      %dma_start3A_349 = tpu.memref_slice %arg9[%dma_start3A_347, %dma_start3A_348] : memref<128x128xf32, #tpu.memory_space<vmem>> -> memref<64x128xf32, #tpu.memory_space<vmem>>
      %dma_start3A_350 = arith.constant 0 : i32
      %dma_start3A_351 = tpu.memref_slice %arg4[%add3A_154, %dma_start3A_350] : memref<10240x128xf32, #tpu.memory_space<hbm>> -> memref<64x128xf32, #tpu.memory_space<hbm>>
      %dma_start3A_352 = arith.constant 0 : i32
      %dma_start3A_353 = tpu.memref_slice %arg4[%add3A_154, %dma_start3A_352] : memref<10240x128xf32, #tpu.memory_space<hbm>> -> memref<64x128xf32, #tpu.memory_space<hbm>>
      %dma_start3A_354 = arith.constant 0 : i32
      %dma_start3A_355 = arith.constant 0 : i32
      %dma_start3A_356 = tpu.memref_slice %arg9[%dma_start3A_354, %dma_start3A_355] : memref<128x128xf32, #tpu.memory_space<vmem>> -> memref<64x128xf32, #tpu.memory_space<vmem>>
      tpu.enqueue_dma source(%dma_start3A_356 : memref<64x128xf32, #tpu.memory_space<vmem>>) target(%dma_start3A_353 : memref<64x128xf32, #tpu.memory_space<hbm>>) target_semaphore(%arg12 : memref<!tpu.dma_semaphore, #tpu.memory_space<semaphore_mem>>)
    } else {
    }
    %eq3A_174 = arith.constant 1 : i32
    %eq3A_175 = arith.cmpi eq, %arg0, %eq3A_174 : i32
    %convert_element_type3A_176 = arith.extui %eq3A_175 : i1 to i32
    %cond3A_177 = arith.constant 0 : i32
    %cond3A_178 = arith.cmpi ne, %convert_element_type3A_176, %cond3A_177 : i32
    scf.if %cond3A_178 {
      %dma_start3A_347 = arith.constant 0 : i32
      %dma_start3A_348 = arith.constant 0 : i32
      %dma_start3A_349 = tpu.memref_slice %arg9[%dma_start3A_347, %dma_start3A_348] : memref<128x128xf32, #tpu.memory_space<vmem>> -> memref<64x128xf32, #tpu.memory_space<vmem>>
      %dma_start3A_350 = arith.constant 0 : i32
      %dma_start3A_351 = tpu.memref_slice %arg5[%add3A_154, %dma_start3A_350] : memref<10240x128xf32, #tpu.memory_space<hbm>> -> memref<64x128xf32, #tpu.memory_space<hbm>>
      %dma_start3A_352 = arith.constant 0 : i32
      %dma_start3A_353 = tpu.memref_slice %arg5[%add3A_154, %dma_start3A_352] : memref<10240x128xf32, #tpu.memory_space<hbm>> -> memref<64x128xf32, #tpu.memory_space<hbm>>
      %dma_start3A_354 = arith.constant 0 : i32
      %dma_start3A_355 = arith.constant 0 : i32
      %dma_start3A_356 = tpu.memref_slice %arg9[%dma_start3A_354, %dma_start3A_355] : memref<128x128xf32, #tpu.memory_space<vmem>> -> memref<64x128xf32, #tpu.memory_space<vmem>>
      tpu.enqueue_dma source(%dma_start3A_356 : memref<64x128xf32, #tpu.memory_space<vmem>>) target(%dma_start3A_353 : memref<64x128xf32, #tpu.memory_space<hbm>>) target_semaphore(%arg12 : memref<!tpu.dma_semaphore, #tpu.memory_space<semaphore_mem>>)
    } else {
    }
    %mul3A_179 = arith.constant 640 : i32
    %mul3A_180 = arith.muli %arg1, %mul3A_179 : i32
    %add3A_181 = arith.constant 320 : i32
    %add3A_182 = arith.addi %mul3A_180, %add3A_181 : i32
    %mul3A_183 = arith.constant 640 : i32
    %mul3A_184 = arith.muli %arg1, %mul3A_183 : i32
    %add3A_185 = arith.constant 192 : i32
    %add3A_186 = arith.addi %mul3A_184, %add3A_185 : i32
    %eq3A_187 = arith.constant 0 : i32
    %eq3A_188 = arith.cmpi eq, %arg0, %eq3A_187 : i32
    %convert_element_type3A_189 = arith.extui %eq3A_188 : i1 to i32
    %cond3A_190 = arith.constant 0 : i32
    %cond3A_191 = arith.cmpi ne, %convert_element_type3A_189, %cond3A_190 : i32
    scf.if %cond3A_191 {
      %dma_wait3A_347 = arith.constant 0 : i32
      %dma_wait3A_348 = arith.constant 0 : i32
      %dma_wait3A_349 = tpu.memref_slice %arg10[%dma_wait3A_347, %dma_wait3A_348] : memref<128x128xf32, #tpu.memory_space<vmem>> -> memref<64x128xf32, #tpu.memory_space<vmem>>
      %dma_wait3A_350 = arith.constant 0 : i32
      %dma_wait3A_351 = tpu.memref_slice %arg4[%add3A_186, %dma_wait3A_350] : memref<10240x128xf32, #tpu.memory_space<hbm>> -> memref<64x128xf32, #tpu.memory_space<hbm>>
      %dma_wait3A_352 = arith.constant 0 : i32
      %dma_wait3A_353 = tpu.memref_slice %arg4[%add3A_186, %dma_wait3A_352] : memref<10240x128xf32, #tpu.memory_space<hbm>> -> memref<64x128xf32, #tpu.memory_space<hbm>>
      %dma_wait3A_354 = arith.constant 0 : i32
      %dma_wait3A_355 = arith.constant 0 : i32
      %dma_wait3A_356 = tpu.memref_slice %arg10[%dma_wait3A_354, %dma_wait3A_355] : memref<128x128xf32, #tpu.memory_space<vmem>> -> memref<64x128xf32, #tpu.memory_space<vmem>>
      tpu.wait_dma2 semaphore(%arg13 : memref<!tpu.dma_semaphore, #tpu.memory_space<semaphore_mem>>) src(%dma_wait3A_356 : memref<64x128xf32, #tpu.memory_space<vmem>>) dst(%dma_wait3A_353 : memref<64x128xf32, #tpu.memory_space<hbm>>)
    } else {
    }
    %eq3A_192 = arith.constant 1 : i32
    %eq3A_193 = arith.cmpi eq, %arg0, %eq3A_192 : i32
    %convert_element_type3A_194 = arith.extui %eq3A_193 : i1 to i32
    %cond3A_195 = arith.constant 0 : i32
    %cond3A_196 = arith.cmpi ne, %convert_element_type3A_194, %cond3A_195 : i32
    scf.if %cond3A_196 {
      %dma_wait3A_347 = arith.constant 0 : i32
      %dma_wait3A_348 = arith.constant 0 : i32
      %dma_wait3A_349 = tpu.memref_slice %arg10[%dma_wait3A_347, %dma_wait3A_348] : memref<128x128xf32, #tpu.memory_space<vmem>> -> memref<64x128xf32, #tpu.memory_space<vmem>>
      %dma_wait3A_350 = arith.constant 0 : i32
      %dma_wait3A_351 = tpu.memref_slice %arg5[%add3A_186, %dma_wait3A_350] : memref<10240x128xf32, #tpu.memory_space<hbm>> -> memref<64x128xf32, #tpu.memory_space<hbm>>
      %dma_wait3A_352 = arith.constant 0 : i32
      %dma_wait3A_353 = tpu.memref_slice %arg5[%add3A_186, %dma_wait3A_352] : memref<10240x128xf32, #tpu.memory_space<hbm>> -> memref<64x128xf32, #tpu.memory_space<hbm>>
      %dma_wait3A_354 = arith.constant 0 : i32
      %dma_wait3A_355 = arith.constant 0 : i32
      %dma_wait3A_356 = tpu.memref_slice %arg10[%dma_wait3A_354, %dma_wait3A_355] : memref<128x128xf32, #tpu.memory_space<vmem>> -> memref<64x128xf32, #tpu.memory_space<vmem>>
      tpu.wait_dma2 semaphore(%arg13 : memref<!tpu.dma_semaphore, #tpu.memory_space<semaphore_mem>>) src(%dma_wait3A_356 : memref<64x128xf32, #tpu.memory_space<vmem>>) dst(%dma_wait3A_353 : memref<64x128xf32, #tpu.memory_space<hbm>>)
    } else {
    }
    "tpu.region"() ({
      %run_scoped3A_347 = tpu.sem_alloc : memref<!tpu.dma_semaphore, #tpu.memory_space<semaphore_mem>>
      %dma_start3A_348 = arith.constant 0 : i32
      %dma_start3A_349 = arith.constant 0 : i32
      %dma_start3A_350 = tpu.memref_slice %arg10[%dma_start3A_348, %dma_start3A_349] : memref<128x128xf32, #tpu.memory_space<vmem>> -> memref<64x128xf32, #tpu.memory_space<vmem>>
      %dma_start3A_351 = arith.constant 0 : i32
      %dma_start3A_352 = tpu.memref_slice %arg18[%add3A_182, %dma_start3A_351] : memref<10240x128xf32, #tpu.memory_space<vmem_shared>> -> memref<64x128xf32, #tpu.memory_space<vmem_shared>>
      %dma_start3A_353 = arith.constant 0 : i32
      %dma_start3A_354 = arith.constant 0 : i32
      %dma_start3A_355 = tpu.memref_slice %arg10[%dma_start3A_353, %dma_start3A_354] : memref<128x128xf32, #tpu.memory_space<vmem>> -> memref<64x128xf32, #tpu.memory_space<vmem>>
      %dma_start3A_356 = arith.constant 0 : i32
      %dma_start3A_357 = tpu.memref_slice %arg18[%add3A_182, %dma_start3A_356] : memref<10240x128xf32, #tpu.memory_space<vmem_shared>> -> memref<64x128xf32, #tpu.memory_space<vmem_shared>>
      tpu.enqueue_dma source(%dma_start3A_357 : memref<64x128xf32, #tpu.memory_space<vmem_shared>>) target(%dma_start3A_355 : memref<64x128xf32, #tpu.memory_space<vmem>>) target_semaphore(%run_scoped3A_347 : memref<!tpu.dma_semaphore, #tpu.memory_space<semaphore_mem>>)
      %dma_wait3A_358 = arith.constant 0 : i32
      %dma_wait3A_359 = arith.constant 0 : i32
      %dma_wait3A_360 = tpu.memref_slice %arg10[%dma_wait3A_358, %dma_wait3A_359] : memref<128x128xf32, #tpu.memory_space<vmem>> -> memref<64x128xf32, #tpu.memory_space<vmem>>
      %dma_wait3A_361 = arith.constant 0 : i32
      %dma_wait3A_362 = tpu.memref_slice %arg18[%add3A_182, %dma_wait3A_361] : memref<10240x128xf32, #tpu.memory_space<vmem_shared>> -> memref<64x128xf32, #tpu.memory_space<vmem_shared>>
      %dma_wait3A_363 = arith.constant 0 : i32
      %dma_wait3A_364 = arith.constant 0 : i32
      %dma_wait3A_365 = tpu.memref_slice %arg10[%dma_wait3A_363, %dma_wait3A_364] : memref<128x128xf32, #tpu.memory_space<vmem>> -> memref<64x128xf32, #tpu.memory_space<vmem>>
      %dma_wait3A_366 = arith.constant 0 : i32
      %dma_wait3A_367 = tpu.memref_slice %arg18[%add3A_182, %dma_wait3A_366] : memref<10240x128xf32, #tpu.memory_space<vmem_shared>> -> memref<64x128xf32, #tpu.memory_space<vmem_shared>>
      tpu.wait_dma2 semaphore(%run_scoped3A_347 : memref<!tpu.dma_semaphore, #tpu.memory_space<semaphore_mem>>) src(%dma_wait3A_367 : memref<64x128xf32, #tpu.memory_space<vmem_shared>>) dst(%dma_wait3A_365 : memref<64x128xf32, #tpu.memory_space<vmem>>)
      tpu.yield
    }) : () -> ()
    %eq3A_197 = arith.constant 0 : i32
    %eq3A_198 = arith.cmpi eq, %arg0, %eq3A_197 : i32
    %convert_element_type3A_199 = arith.extui %eq3A_198 : i1 to i32
    %cond3A_200 = arith.constant 0 : i32
    %cond3A_201 = arith.cmpi ne, %convert_element_type3A_199, %cond3A_200 : i32
    scf.if %cond3A_201 {
      %dma_start3A_347 = arith.constant 0 : i32
      %dma_start3A_348 = arith.constant 0 : i32
      %dma_start3A_349 = tpu.memref_slice %arg10[%dma_start3A_347, %dma_start3A_348] : memref<128x128xf32, #tpu.memory_space<vmem>> -> memref<64x128xf32, #tpu.memory_space<vmem>>
      %dma_start3A_350 = arith.constant 0 : i32
      %dma_start3A_351 = tpu.memref_slice %arg4[%add3A_182, %dma_start3A_350] : memref<10240x128xf32, #tpu.memory_space<hbm>> -> memref<64x128xf32, #tpu.memory_space<hbm>>
      %dma_start3A_352 = arith.constant 0 : i32
      %dma_start3A_353 = tpu.memref_slice %arg4[%add3A_182, %dma_start3A_352] : memref<10240x128xf32, #tpu.memory_space<hbm>> -> memref<64x128xf32, #tpu.memory_space<hbm>>
      %dma_start3A_354 = arith.constant 0 : i32
      %dma_start3A_355 = arith.constant 0 : i32
      %dma_start3A_356 = tpu.memref_slice %arg10[%dma_start3A_354, %dma_start3A_355] : memref<128x128xf32, #tpu.memory_space<vmem>> -> memref<64x128xf32, #tpu.memory_space<vmem>>
      tpu.enqueue_dma source(%dma_start3A_356 : memref<64x128xf32, #tpu.memory_space<vmem>>) target(%dma_start3A_353 : memref<64x128xf32, #tpu.memory_space<hbm>>) target_semaphore(%arg13 : memref<!tpu.dma_semaphore, #tpu.memory_space<semaphore_mem>>)
    } else {
    }
    %eq3A_202 = arith.constant 1 : i32
    %eq3A_203 = arith.cmpi eq, %arg0, %eq3A_202 : i32
    %convert_element_type3A_204 = arith.extui %eq3A_203 : i1 to i32
    %cond3A_205 = arith.constant 0 : i32
    %cond3A_206 = arith.cmpi ne, %convert_element_type3A_204, %cond3A_205 : i32
    scf.if %cond3A_206 {
      %dma_start3A_347 = arith.constant 0 : i32
      %dma_start3A_348 = arith.constant 0 : i32
      %dma_start3A_349 = tpu.memref_slice %arg10[%dma_start3A_347, %dma_start3A_348] : memref<128x128xf32, #tpu.memory_space<vmem>> -> memref<64x128xf32, #tpu.memory_space<vmem>>
      %dma_start3A_350 = arith.constant 0 : i32
      %dma_start3A_351 = tpu.memref_slice %arg5[%add3A_182, %dma_start3A_350] : memref<10240x128xf32, #tpu.memory_space<hbm>> -> memref<64x128xf32, #tpu.memory_space<hbm>>
      %dma_start3A_352 = arith.constant 0 : i32
      %dma_start3A_353 = tpu.memref_slice %arg5[%add3A_182, %dma_start3A_352] : memref<10240x128xf32, #tpu.memory_space<hbm>> -> memref<64x128xf32, #tpu.memory_space<hbm>>
      %dma_start3A_354 = arith.constant 0 : i32
      %dma_start3A_355 = arith.constant 0 : i32
      %dma_start3A_356 = tpu.memref_slice %arg10[%dma_start3A_354, %dma_start3A_355] : memref<128x128xf32, #tpu.memory_space<vmem>> -> memref<64x128xf32, #tpu.memory_space<vmem>>
      tpu.enqueue_dma source(%dma_start3A_356 : memref<64x128xf32, #tpu.memory_space<vmem>>) target(%dma_start3A_353 : memref<64x128xf32, #tpu.memory_space<hbm>>) target_semaphore(%arg13 : memref<!tpu.dma_semaphore, #tpu.memory_space<semaphore_mem>>)
    } else {
    }
    %mul3A_207 = arith.constant 640 : i32
    %mul3A_208 = arith.muli %arg1, %mul3A_207 : i32
    %add3A_209 = arith.constant 384 : i32
    %add3A_210 = arith.addi %mul3A_208, %add3A_209 : i32
    %mul3A_211 = arith.constant 640 : i32
    %mul3A_212 = arith.muli %arg1, %mul3A_211 : i32
    %add3A_213 = arith.constant 256 : i32
    %add3A_214 = arith.addi %mul3A_212, %add3A_213 : i32
    %eq3A_215 = arith.constant 0 : i32
    %eq3A_216 = arith.cmpi eq, %arg0, %eq3A_215 : i32
    %convert_element_type3A_217 = arith.extui %eq3A_216 : i1 to i32
    %cond3A_218 = arith.constant 0 : i32
    %cond3A_219 = arith.cmpi ne, %convert_element_type3A_217, %cond3A_218 : i32
    scf.if %cond3A_219 {
      %dma_wait3A_347 = arith.constant 0 : i32
      %dma_wait3A_348 = arith.constant 0 : i32
      %dma_wait3A_349 = tpu.memref_slice %arg9[%dma_wait3A_347, %dma_wait3A_348] : memref<128x128xf32, #tpu.memory_space<vmem>> -> memref<64x128xf32, #tpu.memory_space<vmem>>
      %dma_wait3A_350 = arith.constant 0 : i32
      %dma_wait3A_351 = tpu.memref_slice %arg4[%add3A_214, %dma_wait3A_350] : memref<10240x128xf32, #tpu.memory_space<hbm>> -> memref<64x128xf32, #tpu.memory_space<hbm>>
      %dma_wait3A_352 = arith.constant 0 : i32
      %dma_wait3A_353 = tpu.memref_slice %arg4[%add3A_214, %dma_wait3A_352] : memref<10240x128xf32, #tpu.memory_space<hbm>> -> memref<64x128xf32, #tpu.memory_space<hbm>>
      %dma_wait3A_354 = arith.constant 0 : i32
      %dma_wait3A_355 = arith.constant 0 : i32
      %dma_wait3A_356 = tpu.memref_slice %arg9[%dma_wait3A_354, %dma_wait3A_355] : memref<128x128xf32, #tpu.memory_space<vmem>> -> memref<64x128xf32, #tpu.memory_space<vmem>>
      tpu.wait_dma2 semaphore(%arg12 : memref<!tpu.dma_semaphore, #tpu.memory_space<semaphore_mem>>) src(%dma_wait3A_356 : memref<64x128xf32, #tpu.memory_space<vmem>>) dst(%dma_wait3A_353 : memref<64x128xf32, #tpu.memory_space<hbm>>)
    } else {
    }
    %eq3A_220 = arith.constant 1 : i32
    %eq3A_221 = arith.cmpi eq, %arg0, %eq3A_220 : i32
    %convert_element_type3A_222 = arith.extui %eq3A_221 : i1 to i32
    %cond3A_223 = arith.constant 0 : i32
    %cond3A_224 = arith.cmpi ne, %convert_element_type3A_222, %cond3A_223 : i32
    scf.if %cond3A_224 {
      %dma_wait3A_347 = arith.constant 0 : i32
      %dma_wait3A_348 = arith.constant 0 : i32
      %dma_wait3A_349 = tpu.memref_slice %arg9[%dma_wait3A_347, %dma_wait3A_348] : memref<128x128xf32, #tpu.memory_space<vmem>> -> memref<64x128xf32, #tpu.memory_space<vmem>>
      %dma_wait3A_350 = arith.constant 0 : i32
      %dma_wait3A_351 = tpu.memref_slice %arg5[%add3A_214, %dma_wait3A_350] : memref<10240x128xf32, #tpu.memory_space<hbm>> -> memref<64x128xf32, #tpu.memory_space<hbm>>
      %dma_wait3A_352 = arith.constant 0 : i32
      %dma_wait3A_353 = tpu.memref_slice %arg5[%add3A_214, %dma_wait3A_352] : memref<10240x128xf32, #tpu.memory_space<hbm>> -> memref<64x128xf32, #tpu.memory_space<hbm>>
      %dma_wait3A_354 = arith.constant 0 : i32
      %dma_wait3A_355 = arith.constant 0 : i32
      %dma_wait3A_356 = tpu.memref_slice %arg9[%dma_wait3A_354, %dma_wait3A_355] : memref<128x128xf32, #tpu.memory_space<vmem>> -> memref<64x128xf32, #tpu.memory_space<vmem>>
      tpu.wait_dma2 semaphore(%arg12 : memref<!tpu.dma_semaphore, #tpu.memory_space<semaphore_mem>>) src(%dma_wait3A_356 : memref<64x128xf32, #tpu.memory_space<vmem>>) dst(%dma_wait3A_353 : memref<64x128xf32, #tpu.memory_space<hbm>>)
    } else {
    }
    "tpu.region"() ({
      %run_scoped3A_347 = tpu.sem_alloc : memref<!tpu.dma_semaphore, #tpu.memory_space<semaphore_mem>>
      %dma_start3A_348 = arith.constant 0 : i32
      %dma_start3A_349 = arith.constant 0 : i32
      %dma_start3A_350 = tpu.memref_slice %arg9[%dma_start3A_348, %dma_start3A_349] : memref<128x128xf32, #tpu.memory_space<vmem>> -> memref<64x128xf32, #tpu.memory_space<vmem>>
      %dma_start3A_351 = arith.constant 0 : i32
      %dma_start3A_352 = tpu.memref_slice %arg18[%add3A_210, %dma_start3A_351] : memref<10240x128xf32, #tpu.memory_space<vmem_shared>> -> memref<64x128xf32, #tpu.memory_space<vmem_shared>>
      %dma_start3A_353 = arith.constant 0 : i32
      %dma_start3A_354 = arith.constant 0 : i32
      %dma_start3A_355 = tpu.memref_slice %arg9[%dma_start3A_353, %dma_start3A_354] : memref<128x128xf32, #tpu.memory_space<vmem>> -> memref<64x128xf32, #tpu.memory_space<vmem>>
      %dma_start3A_356 = arith.constant 0 : i32
      %dma_start3A_357 = tpu.memref_slice %arg18[%add3A_210, %dma_start3A_356] : memref<10240x128xf32, #tpu.memory_space<vmem_shared>> -> memref<64x128xf32, #tpu.memory_space<vmem_shared>>
      tpu.enqueue_dma source(%dma_start3A_357 : memref<64x128xf32, #tpu.memory_space<vmem_shared>>) target(%dma_start3A_355 : memref<64x128xf32, #tpu.memory_space<vmem>>) target_semaphore(%run_scoped3A_347 : memref<!tpu.dma_semaphore, #tpu.memory_space<semaphore_mem>>)
      %dma_wait3A_358 = arith.constant 0 : i32
      %dma_wait3A_359 = arith.constant 0 : i32
      %dma_wait3A_360 = tpu.memref_slice %arg9[%dma_wait3A_358, %dma_wait3A_359] : memref<128x128xf32, #tpu.memory_space<vmem>> -> memref<64x128xf32, #tpu.memory_space<vmem>>
      %dma_wait3A_361 = arith.constant 0 : i32
      %dma_wait3A_362 = tpu.memref_slice %arg18[%add3A_210, %dma_wait3A_361] : memref<10240x128xf32, #tpu.memory_space<vmem_shared>> -> memref<64x128xf32, #tpu.memory_space<vmem_shared>>
      %dma_wait3A_363 = arith.constant 0 : i32
      %dma_wait3A_364 = arith.constant 0 : i32
      %dma_wait3A_365 = tpu.memref_slice %arg9[%dma_wait3A_363, %dma_wait3A_364] : memref<128x128xf32, #tpu.memory_space<vmem>> -> memref<64x128xf32, #tpu.memory_space<vmem>>
      %dma_wait3A_366 = arith.constant 0 : i32
      %dma_wait3A_367 = tpu.memref_slice %arg18[%add3A_210, %dma_wait3A_366] : memref<10240x128xf32, #tpu.memory_space<vmem_shared>> -> memref<64x128xf32, #tpu.memory_space<vmem_shared>>
      tpu.wait_dma2 semaphore(%run_scoped3A_347 : memref<!tpu.dma_semaphore, #tpu.memory_space<semaphore_mem>>) src(%dma_wait3A_367 : memref<64x128xf32, #tpu.memory_space<vmem_shared>>) dst(%dma_wait3A_365 : memref<64x128xf32, #tpu.memory_space<vmem>>)
      tpu.yield
    }) : () -> ()
    %eq3A_225 = arith.constant 0 : i32
    %eq3A_226 = arith.cmpi eq, %arg0, %eq3A_225 : i32
    %convert_element_type3A_227 = arith.extui %eq3A_226 : i1 to i32
    %cond3A_228 = arith.constant 0 : i32
    %cond3A_229 = arith.cmpi ne, %convert_element_type3A_227, %cond3A_228 : i32
    scf.if %cond3A_229 {
      %dma_start3A_347 = arith.constant 0 : i32
      %dma_start3A_348 = arith.constant 0 : i32
      %dma_start3A_349 = tpu.memref_slice %arg9[%dma_start3A_347, %dma_start3A_348] : memref<128x128xf32, #tpu.memory_space<vmem>> -> memref<64x128xf32, #tpu.memory_space<vmem>>
      %dma_start3A_350 = arith.constant 0 : i32
      %dma_start3A_351 = tpu.memref_slice %arg4[%add3A_210, %dma_start3A_350] : memref<10240x128xf32, #tpu.memory_space<hbm>> -> memref<64x128xf32, #tpu.memory_space<hbm>>
      %dma_start3A_352 = arith.constant 0 : i32
      %dma_start3A_353 = tpu.memref_slice %arg4[%add3A_210, %dma_start3A_352] : memref<10240x128xf32, #tpu.memory_space<hbm>> -> memref<64x128xf32, #tpu.memory_space<hbm>>
      %dma_start3A_354 = arith.constant 0 : i32
      %dma_start3A_355 = arith.constant 0 : i32
      %dma_start3A_356 = tpu.memref_slice %arg9[%dma_start3A_354, %dma_start3A_355] : memref<128x128xf32, #tpu.memory_space<vmem>> -> memref<64x128xf32, #tpu.memory_space<vmem>>
      tpu.enqueue_dma source(%dma_start3A_356 : memref<64x128xf32, #tpu.memory_space<vmem>>) target(%dma_start3A_353 : memref<64x128xf32, #tpu.memory_space<hbm>>) target_semaphore(%arg12 : memref<!tpu.dma_semaphore, #tpu.memory_space<semaphore_mem>>)
    } else {
    }
    %eq3A_230 = arith.constant 1 : i32
    %eq3A_231 = arith.cmpi eq, %arg0, %eq3A_230 : i32
    %convert_element_type3A_232 = arith.extui %eq3A_231 : i1 to i32
    %cond3A_233 = arith.constant 0 : i32
    %cond3A_234 = arith.cmpi ne, %convert_element_type3A_232, %cond3A_233 : i32
    scf.if %cond3A_234 {
      %dma_start3A_347 = arith.constant 0 : i32
      %dma_start3A_348 = arith.constant 0 : i32
      %dma_start3A_349 = tpu.memref_slice %arg9[%dma_start3A_347, %dma_start3A_348] : memref<128x128xf32, #tpu.memory_space<vmem>> -> memref<64x128xf32, #tpu.memory_space<vmem>>
      %dma_start3A_350 = arith.constant 0 : i32
      %dma_start3A_351 = tpu.memref_slice %arg5[%add3A_210, %dma_start3A_350] : memref<10240x128xf32, #tpu.memory_space<hbm>> -> memref<64x128xf32, #tpu.memory_space<hbm>>
      %dma_start3A_352 = arith.constant 0 : i32
      %dma_start3A_353 = tpu.memref_slice %arg5[%add3A_210, %dma_start3A_352] : memref<10240x128xf32, #tpu.memory_space<hbm>> -> memref<64x128xf32, #tpu.memory_space<hbm>>
      %dma_start3A_354 = arith.constant 0 : i32
      %dma_start3A_355 = arith.constant 0 : i32
      %dma_start3A_356 = tpu.memref_slice %arg9[%dma_start3A_354, %dma_start3A_355] : memref<128x128xf32, #tpu.memory_space<vmem>> -> memref<64x128xf32, #tpu.memory_space<vmem>>
      tpu.enqueue_dma source(%dma_start3A_356 : memref<64x128xf32, #tpu.memory_space<vmem>>) target(%dma_start3A_353 : memref<64x128xf32, #tpu.memory_space<hbm>>) target_semaphore(%arg12 : memref<!tpu.dma_semaphore, #tpu.memory_space<semaphore_mem>>)
    } else {
    }
    %mul3A_235 = arith.constant 640 : i32
    %mul3A_236 = arith.muli %arg1, %mul3A_235 : i32
    %add3A_237 = arith.constant 448 : i32
    %add3A_238 = arith.addi %mul3A_236, %add3A_237 : i32
    %mul3A_239 = arith.constant 640 : i32
    %mul3A_240 = arith.muli %arg1, %mul3A_239 : i32
    %add3A_241 = arith.constant 320 : i32
    %add3A_242 = arith.addi %mul3A_240, %add3A_241 : i32
    %eq3A_243 = arith.constant 0 : i32
    %eq3A_244 = arith.cmpi eq, %arg0, %eq3A_243 : i32
    %convert_element_type3A_245 = arith.extui %eq3A_244 : i1 to i32
    %cond3A_246 = arith.constant 0 : i32
    %cond3A_247 = arith.cmpi ne, %convert_element_type3A_245, %cond3A_246 : i32
    scf.if %cond3A_247 {
      %dma_wait3A_347 = arith.constant 0 : i32
      %dma_wait3A_348 = arith.constant 0 : i32
      %dma_wait3A_349 = tpu.memref_slice %arg10[%dma_wait3A_347, %dma_wait3A_348] : memref<128x128xf32, #tpu.memory_space<vmem>> -> memref<64x128xf32, #tpu.memory_space<vmem>>
      %dma_wait3A_350 = arith.constant 0 : i32
      %dma_wait3A_351 = tpu.memref_slice %arg4[%add3A_242, %dma_wait3A_350] : memref<10240x128xf32, #tpu.memory_space<hbm>> -> memref<64x128xf32, #tpu.memory_space<hbm>>
      %dma_wait3A_352 = arith.constant 0 : i32
      %dma_wait3A_353 = tpu.memref_slice %arg4[%add3A_242, %dma_wait3A_352] : memref<10240x128xf32, #tpu.memory_space<hbm>> -> memref<64x128xf32, #tpu.memory_space<hbm>>
      %dma_wait3A_354 = arith.constant 0 : i32
      %dma_wait3A_355 = arith.constant 0 : i32
      %dma_wait3A_356 = tpu.memref_slice %arg10[%dma_wait3A_354, %dma_wait3A_355] : memref<128x128xf32, #tpu.memory_space<vmem>> -> memref<64x128xf32, #tpu.memory_space<vmem>>
      tpu.wait_dma2 semaphore(%arg13 : memref<!tpu.dma_semaphore, #tpu.memory_space<semaphore_mem>>) src(%dma_wait3A_356 : memref<64x128xf32, #tpu.memory_space<vmem>>) dst(%dma_wait3A_353 : memref<64x128xf32, #tpu.memory_space<hbm>>)
    } else {
    }
    %eq3A_248 = arith.constant 1 : i32
    %eq3A_249 = arith.cmpi eq, %arg0, %eq3A_248 : i32
    %convert_element_type3A_250 = arith.extui %eq3A_249 : i1 to i32
    %cond3A_251 = arith.constant 0 : i32
    %cond3A_252 = arith.cmpi ne, %convert_element_type3A_250, %cond3A_251 : i32
    scf.if %cond3A_252 {
      %dma_wait3A_347 = arith.constant 0 : i32
      %dma_wait3A_348 = arith.constant 0 : i32
      %dma_wait3A_349 = tpu.memref_slice %arg10[%dma_wait3A_347, %dma_wait3A_348] : memref<128x128xf32, #tpu.memory_space<vmem>> -> memref<64x128xf32, #tpu.memory_space<vmem>>
      %dma_wait3A_350 = arith.constant 0 : i32
      %dma_wait3A_351 = tpu.memref_slice %arg5[%add3A_242, %dma_wait3A_350] : memref<10240x128xf32, #tpu.memory_space<hbm>> -> memref<64x128xf32, #tpu.memory_space<hbm>>
      %dma_wait3A_352 = arith.constant 0 : i32
      %dma_wait3A_353 = tpu.memref_slice %arg5[%add3A_242, %dma_wait3A_352] : memref<10240x128xf32, #tpu.memory_space<hbm>> -> memref<64x128xf32, #tpu.memory_space<hbm>>
      %dma_wait3A_354 = arith.constant 0 : i32
      %dma_wait3A_355 = arith.constant 0 : i32
      %dma_wait3A_356 = tpu.memref_slice %arg10[%dma_wait3A_354, %dma_wait3A_355] : memref<128x128xf32, #tpu.memory_space<vmem>> -> memref<64x128xf32, #tpu.memory_space<vmem>>
      tpu.wait_dma2 semaphore(%arg13 : memref<!tpu.dma_semaphore, #tpu.memory_space<semaphore_mem>>) src(%dma_wait3A_356 : memref<64x128xf32, #tpu.memory_space<vmem>>) dst(%dma_wait3A_353 : memref<64x128xf32, #tpu.memory_space<hbm>>)
    } else {
    }
    "tpu.region"() ({
      %run_scoped3A_347 = tpu.sem_alloc : memref<!tpu.dma_semaphore, #tpu.memory_space<semaphore_mem>>
      %dma_start3A_348 = arith.constant 0 : i32
      %dma_start3A_349 = arith.constant 0 : i32
      %dma_start3A_350 = tpu.memref_slice %arg10[%dma_start3A_348, %dma_start3A_349] : memref<128x128xf32, #tpu.memory_space<vmem>> -> memref<64x128xf32, #tpu.memory_space<vmem>>
      %dma_start3A_351 = arith.constant 0 : i32
      %dma_start3A_352 = tpu.memref_slice %arg18[%add3A_238, %dma_start3A_351] : memref<10240x128xf32, #tpu.memory_space<vmem_shared>> -> memref<64x128xf32, #tpu.memory_space<vmem_shared>>
      %dma_start3A_353 = arith.constant 0 : i32
      %dma_start3A_354 = arith.constant 0 : i32
      %dma_start3A_355 = tpu.memref_slice %arg10[%dma_start3A_353, %dma_start3A_354] : memref<128x128xf32, #tpu.memory_space<vmem>> -> memref<64x128xf32, #tpu.memory_space<vmem>>
      %dma_start3A_356 = arith.constant 0 : i32
      %dma_start3A_357 = tpu.memref_slice %arg18[%add3A_238, %dma_start3A_356] : memref<10240x128xf32, #tpu.memory_space<vmem_shared>> -> memref<64x128xf32, #tpu.memory_space<vmem_shared>>
      tpu.enqueue_dma source(%dma_start3A_357 : memref<64x128xf32, #tpu.memory_space<vmem_shared>>) target(%dma_start3A_355 : memref<64x128xf32, #tpu.memory_space<vmem>>) target_semaphore(%run_scoped3A_347 : memref<!tpu.dma_semaphore, #tpu.memory_space<semaphore_mem>>)
      %dma_wait3A_358 = arith.constant 0 : i32
      %dma_wait3A_359 = arith.constant 0 : i32
      %dma_wait3A_360 = tpu.memref_slice %arg10[%dma_wait3A_358, %dma_wait3A_359] : memref<128x128xf32, #tpu.memory_space<vmem>> -> memref<64x128xf32, #tpu.memory_space<vmem>>
      %dma_wait3A_361 = arith.constant 0 : i32
      %dma_wait3A_362 = tpu.memref_slice %arg18[%add3A_238, %dma_wait3A_361] : memref<10240x128xf32, #tpu.memory_space<vmem_shared>> -> memref<64x128xf32, #tpu.memory_space<vmem_shared>>
      %dma_wait3A_363 = arith.constant 0 : i32
      %dma_wait3A_364 = arith.constant 0 : i32
      %dma_wait3A_365 = tpu.memref_slice %arg10[%dma_wait3A_363, %dma_wait3A_364] : memref<128x128xf32, #tpu.memory_space<vmem>> -> memref<64x128xf32, #tpu.memory_space<vmem>>
      %dma_wait3A_366 = arith.constant 0 : i32
      %dma_wait3A_367 = tpu.memref_slice %arg18[%add3A_238, %dma_wait3A_366] : memref<10240x128xf32, #tpu.memory_space<vmem_shared>> -> memref<64x128xf32, #tpu.memory_space<vmem_shared>>
      tpu.wait_dma2 semaphore(%run_scoped3A_347 : memref<!tpu.dma_semaphore, #tpu.memory_space<semaphore_mem>>) src(%dma_wait3A_367 : memref<64x128xf32, #tpu.memory_space<vmem_shared>>) dst(%dma_wait3A_365 : memref<64x128xf32, #tpu.memory_space<vmem>>)
      tpu.yield
    }) : () -> ()
    %eq3A_253 = arith.constant 0 : i32
    %eq3A_254 = arith.cmpi eq, %arg0, %eq3A_253 : i32
    %convert_element_type3A_255 = arith.extui %eq3A_254 : i1 to i32
    %cond3A_256 = arith.constant 0 : i32
    %cond3A_257 = arith.cmpi ne, %convert_element_type3A_255, %cond3A_256 : i32
    scf.if %cond3A_257 {
      %dma_start3A_347 = arith.constant 0 : i32
      %dma_start3A_348 = arith.constant 0 : i32
      %dma_start3A_349 = tpu.memref_slice %arg10[%dma_start3A_347, %dma_start3A_348] : memref<128x128xf32, #tpu.memory_space<vmem>> -> memref<64x128xf32, #tpu.memory_space<vmem>>
      %dma_start3A_350 = arith.constant 0 : i32
      %dma_start3A_351 = tpu.memref_slice %arg4[%add3A_238, %dma_start3A_350] : memref<10240x128xf32, #tpu.memory_space<hbm>> -> memref<64x128xf32, #tpu.memory_space<hbm>>
      %dma_start3A_352 = arith.constant 0 : i32
      %dma_start3A_353 = tpu.memref_slice %arg4[%add3A_238, %dma_start3A_352] : memref<10240x128xf32, #tpu.memory_space<hbm>> -> memref<64x128xf32, #tpu.memory_space<hbm>>
      %dma_start3A_354 = arith.constant 0 : i32
      %dma_start3A_355 = arith.constant 0 : i32
      %dma_start3A_356 = tpu.memref_slice %arg10[%dma_start3A_354, %dma_start3A_355] : memref<128x128xf32, #tpu.memory_space<vmem>> -> memref<64x128xf32, #tpu.memory_space<vmem>>
      tpu.enqueue_dma source(%dma_start3A_356 : memref<64x128xf32, #tpu.memory_space<vmem>>) target(%dma_start3A_353 : memref<64x128xf32, #tpu.memory_space<hbm>>) target_semaphore(%arg13 : memref<!tpu.dma_semaphore, #tpu.memory_space<semaphore_mem>>)
    } else {
    }
    %eq3A_258 = arith.constant 1 : i32
    %eq3A_259 = arith.cmpi eq, %arg0, %eq3A_258 : i32
    %convert_element_type3A_260 = arith.extui %eq3A_259 : i1 to i32
    %cond3A_261 = arith.constant 0 : i32
    %cond3A_262 = arith.cmpi ne, %convert_element_type3A_260, %cond3A_261 : i32
    scf.if %cond3A_262 {
      %dma_start3A_347 = arith.constant 0 : i32
      %dma_start3A_348 = arith.constant 0 : i32
      %dma_start3A_349 = tpu.memref_slice %arg10[%dma_start3A_347, %dma_start3A_348] : memref<128x128xf32, #tpu.memory_space<vmem>> -> memref<64x128xf32, #tpu.memory_space<vmem>>
      %dma_start3A_350 = arith.constant 0 : i32
      %dma_start3A_351 = tpu.memref_slice %arg5[%add3A_238, %dma_start3A_350] : memref<10240x128xf32, #tpu.memory_space<hbm>> -> memref<64x128xf32, #tpu.memory_space<hbm>>
      %dma_start3A_352 = arith.constant 0 : i32
      %dma_start3A_353 = tpu.memref_slice %arg5[%add3A_238, %dma_start3A_352] : memref<10240x128xf32, #tpu.memory_space<hbm>> -> memref<64x128xf32, #tpu.memory_space<hbm>>
      %dma_start3A_354 = arith.constant 0 : i32
      %dma_start3A_355 = arith.constant 0 : i32
      %dma_start3A_356 = tpu.memref_slice %arg10[%dma_start3A_354, %dma_start3A_355] : memref<128x128xf32, #tpu.memory_space<vmem>> -> memref<64x128xf32, #tpu.memory_space<vmem>>
      tpu.enqueue_dma source(%dma_start3A_356 : memref<64x128xf32, #tpu.memory_space<vmem>>) target(%dma_start3A_353 : memref<64x128xf32, #tpu.memory_space<hbm>>) target_semaphore(%arg13 : memref<!tpu.dma_semaphore, #tpu.memory_space<semaphore_mem>>)
    } else {
    }
    %mul3A_263 = arith.constant 640 : i32
    %mul3A_264 = arith.muli %arg1, %mul3A_263 : i32
    %add3A_265 = arith.constant 512 : i32
    %add3A_266 = arith.addi %mul3A_264, %add3A_265 : i32
    %mul3A_267 = arith.constant 640 : i32
    %mul3A_268 = arith.muli %arg1, %mul3A_267 : i32
    %add3A_269 = arith.constant 384 : i32
    %add3A_270 = arith.addi %mul3A_268, %add3A_269 : i32
    %eq3A_271 = arith.constant 0 : i32
    %eq3A_272 = arith.cmpi eq, %arg0, %eq3A_271 : i32
    %convert_element_type3A_273 = arith.extui %eq3A_272 : i1 to i32
    %cond3A_274 = arith.constant 0 : i32
    %cond3A_275 = arith.cmpi ne, %convert_element_type3A_273, %cond3A_274 : i32
    scf.if %cond3A_275 {
      %dma_wait3A_347 = arith.constant 0 : i32
      %dma_wait3A_348 = arith.constant 0 : i32
      %dma_wait3A_349 = tpu.memref_slice %arg9[%dma_wait3A_347, %dma_wait3A_348] : memref<128x128xf32, #tpu.memory_space<vmem>> -> memref<64x128xf32, #tpu.memory_space<vmem>>
      %dma_wait3A_350 = arith.constant 0 : i32
      %dma_wait3A_351 = tpu.memref_slice %arg4[%add3A_270, %dma_wait3A_350] : memref<10240x128xf32, #tpu.memory_space<hbm>> -> memref<64x128xf32, #tpu.memory_space<hbm>>
      %dma_wait3A_352 = arith.constant 0 : i32
      %dma_wait3A_353 = tpu.memref_slice %arg4[%add3A_270, %dma_wait3A_352] : memref<10240x128xf32, #tpu.memory_space<hbm>> -> memref<64x128xf32, #tpu.memory_space<hbm>>
      %dma_wait3A_354 = arith.constant 0 : i32
      %dma_wait3A_355 = arith.constant 0 : i32
      %dma_wait3A_356 = tpu.memref_slice %arg9[%dma_wait3A_354, %dma_wait3A_355] : memref<128x128xf32, #tpu.memory_space<vmem>> -> memref<64x128xf32, #tpu.memory_space<vmem>>
      tpu.wait_dma2 semaphore(%arg12 : memref<!tpu.dma_semaphore, #tpu.memory_space<semaphore_mem>>) src(%dma_wait3A_356 : memref<64x128xf32, #tpu.memory_space<vmem>>) dst(%dma_wait3A_353 : memref<64x128xf32, #tpu.memory_space<hbm>>)
    } else {
    }
    %eq3A_276 = arith.constant 1 : i32
    %eq3A_277 = arith.cmpi eq, %arg0, %eq3A_276 : i32
    %convert_element_type3A_278 = arith.extui %eq3A_277 : i1 to i32
    %cond3A_279 = arith.constant 0 : i32
    %cond3A_280 = arith.cmpi ne, %convert_element_type3A_278, %cond3A_279 : i32
    scf.if %cond3A_280 {
      %dma_wait3A_347 = arith.constant 0 : i32
      %dma_wait3A_348 = arith.constant 0 : i32
      %dma_wait3A_349 = tpu.memref_slice %arg9[%dma_wait3A_347, %dma_wait3A_348] : memref<128x128xf32, #tpu.memory_space<vmem>> -> memref<64x128xf32, #tpu.memory_space<vmem>>
      %dma_wait3A_350 = arith.constant 0 : i32
      %dma_wait3A_351 = tpu.memref_slice %arg5[%add3A_270, %dma_wait3A_350] : memref<10240x128xf32, #tpu.memory_space<hbm>> -> memref<64x128xf32, #tpu.memory_space<hbm>>
      %dma_wait3A_352 = arith.constant 0 : i32
      %dma_wait3A_353 = tpu.memref_slice %arg5[%add3A_270, %dma_wait3A_352] : memref<10240x128xf32, #tpu.memory_space<hbm>> -> memref<64x128xf32, #tpu.memory_space<hbm>>
      %dma_wait3A_354 = arith.constant 0 : i32
      %dma_wait3A_355 = arith.constant 0 : i32
      %dma_wait3A_356 = tpu.memref_slice %arg9[%dma_wait3A_354, %dma_wait3A_355] : memref<128x128xf32, #tpu.memory_space<vmem>> -> memref<64x128xf32, #tpu.memory_space<vmem>>
      tpu.wait_dma2 semaphore(%arg12 : memref<!tpu.dma_semaphore, #tpu.memory_space<semaphore_mem>>) src(%dma_wait3A_356 : memref<64x128xf32, #tpu.memory_space<vmem>>) dst(%dma_wait3A_353 : memref<64x128xf32, #tpu.memory_space<hbm>>)
    } else {
    }
    "tpu.region"() ({
      %run_scoped3A_347 = tpu.sem_alloc : memref<!tpu.dma_semaphore, #tpu.memory_space<semaphore_mem>>
      %dma_start3A_348 = arith.constant 0 : i32
      %dma_start3A_349 = arith.constant 0 : i32
      %dma_start3A_350 = tpu.memref_slice %arg9[%dma_start3A_348, %dma_start3A_349] : memref<128x128xf32, #tpu.memory_space<vmem>> -> memref<64x128xf32, #tpu.memory_space<vmem>>
      %dma_start3A_351 = arith.constant 0 : i32
      %dma_start3A_352 = tpu.memref_slice %arg18[%add3A_266, %dma_start3A_351] : memref<10240x128xf32, #tpu.memory_space<vmem_shared>> -> memref<64x128xf32, #tpu.memory_space<vmem_shared>>
      %dma_start3A_353 = arith.constant 0 : i32
      %dma_start3A_354 = arith.constant 0 : i32
      %dma_start3A_355 = tpu.memref_slice %arg9[%dma_start3A_353, %dma_start3A_354] : memref<128x128xf32, #tpu.memory_space<vmem>> -> memref<64x128xf32, #tpu.memory_space<vmem>>
      %dma_start3A_356 = arith.constant 0 : i32
      %dma_start3A_357 = tpu.memref_slice %arg18[%add3A_266, %dma_start3A_356] : memref<10240x128xf32, #tpu.memory_space<vmem_shared>> -> memref<64x128xf32, #tpu.memory_space<vmem_shared>>
      tpu.enqueue_dma source(%dma_start3A_357 : memref<64x128xf32, #tpu.memory_space<vmem_shared>>) target(%dma_start3A_355 : memref<64x128xf32, #tpu.memory_space<vmem>>) target_semaphore(%run_scoped3A_347 : memref<!tpu.dma_semaphore, #tpu.memory_space<semaphore_mem>>)
      %dma_wait3A_358 = arith.constant 0 : i32
      %dma_wait3A_359 = arith.constant 0 : i32
      %dma_wait3A_360 = tpu.memref_slice %arg9[%dma_wait3A_358, %dma_wait3A_359] : memref<128x128xf32, #tpu.memory_space<vmem>> -> memref<64x128xf32, #tpu.memory_space<vmem>>
      %dma_wait3A_361 = arith.constant 0 : i32
      %dma_wait3A_362 = tpu.memref_slice %arg18[%add3A_266, %dma_wait3A_361] : memref<10240x128xf32, #tpu.memory_space<vmem_shared>> -> memref<64x128xf32, #tpu.memory_space<vmem_shared>>
      %dma_wait3A_363 = arith.constant 0 : i32
      %dma_wait3A_364 = arith.constant 0 : i32
      %dma_wait3A_365 = tpu.memref_slice %arg9[%dma_wait3A_363, %dma_wait3A_364] : memref<128x128xf32, #tpu.memory_space<vmem>> -> memref<64x128xf32, #tpu.memory_space<vmem>>
      %dma_wait3A_366 = arith.constant 0 : i32
      %dma_wait3A_367 = tpu.memref_slice %arg18[%add3A_266, %dma_wait3A_366] : memref<10240x128xf32, #tpu.memory_space<vmem_shared>> -> memref<64x128xf32, #tpu.memory_space<vmem_shared>>
      tpu.wait_dma2 semaphore(%run_scoped3A_347 : memref<!tpu.dma_semaphore, #tpu.memory_space<semaphore_mem>>) src(%dma_wait3A_367 : memref<64x128xf32, #tpu.memory_space<vmem_shared>>) dst(%dma_wait3A_365 : memref<64x128xf32, #tpu.memory_space<vmem>>)
      tpu.yield
    }) : () -> ()
    %eq3A_281 = arith.constant 0 : i32
    %eq3A_282 = arith.cmpi eq, %arg0, %eq3A_281 : i32
    %convert_element_type3A_283 = arith.extui %eq3A_282 : i1 to i32
    %cond3A_284 = arith.constant 0 : i32
    %cond3A_285 = arith.cmpi ne, %convert_element_type3A_283, %cond3A_284 : i32
    scf.if %cond3A_285 {
      %dma_start3A_347 = arith.constant 0 : i32
      %dma_start3A_348 = arith.constant 0 : i32
      %dma_start3A_349 = tpu.memref_slice %arg9[%dma_start3A_347, %dma_start3A_348] : memref<128x128xf32, #tpu.memory_space<vmem>> -> memref<64x128xf32, #tpu.memory_space<vmem>>
      %dma_start3A_350 = arith.constant 0 : i32
      %dma_start3A_351 = tpu.memref_slice %arg4[%add3A_266, %dma_start3A_350] : memref<10240x128xf32, #tpu.memory_space<hbm>> -> memref<64x128xf32, #tpu.memory_space<hbm>>
      %dma_start3A_352 = arith.constant 0 : i32
      %dma_start3A_353 = tpu.memref_slice %arg4[%add3A_266, %dma_start3A_352] : memref<10240x128xf32, #tpu.memory_space<hbm>> -> memref<64x128xf32, #tpu.memory_space<hbm>>
      %dma_start3A_354 = arith.constant 0 : i32
      %dma_start3A_355 = arith.constant 0 : i32
      %dma_start3A_356 = tpu.memref_slice %arg9[%dma_start3A_354, %dma_start3A_355] : memref<128x128xf32, #tpu.memory_space<vmem>> -> memref<64x128xf32, #tpu.memory_space<vmem>>
      tpu.enqueue_dma source(%dma_start3A_356 : memref<64x128xf32, #tpu.memory_space<vmem>>) target(%dma_start3A_353 : memref<64x128xf32, #tpu.memory_space<hbm>>) target_semaphore(%arg12 : memref<!tpu.dma_semaphore, #tpu.memory_space<semaphore_mem>>)
    } else {
    }
    %eq3A_286 = arith.constant 1 : i32
    %eq3A_287 = arith.cmpi eq, %arg0, %eq3A_286 : i32
    %convert_element_type3A_288 = arith.extui %eq3A_287 : i1 to i32
    %cond3A_289 = arith.constant 0 : i32
    %cond3A_290 = arith.cmpi ne, %convert_element_type3A_288, %cond3A_289 : i32
    scf.if %cond3A_290 {
      %dma_start3A_347 = arith.constant 0 : i32
      %dma_start3A_348 = arith.constant 0 : i32
      %dma_start3A_349 = tpu.memref_slice %arg9[%dma_start3A_347, %dma_start3A_348] : memref<128x128xf32, #tpu.memory_space<vmem>> -> memref<64x128xf32, #tpu.memory_space<vmem>>
      %dma_start3A_350 = arith.constant 0 : i32
      %dma_start3A_351 = tpu.memref_slice %arg5[%add3A_266, %dma_start3A_350] : memref<10240x128xf32, #tpu.memory_space<hbm>> -> memref<64x128xf32, #tpu.memory_space<hbm>>
      %dma_start3A_352 = arith.constant 0 : i32
      %dma_start3A_353 = tpu.memref_slice %arg5[%add3A_266, %dma_start3A_352] : memref<10240x128xf32, #tpu.memory_space<hbm>> -> memref<64x128xf32, #tpu.memory_space<hbm>>
      %dma_start3A_354 = arith.constant 0 : i32
      %dma_start3A_355 = arith.constant 0 : i32
      %dma_start3A_356 = tpu.memref_slice %arg9[%dma_start3A_354, %dma_start3A_355] : memref<128x128xf32, #tpu.memory_space<vmem>> -> memref<64x128xf32, #tpu.memory_space<vmem>>
      tpu.enqueue_dma source(%dma_start3A_356 : memref<64x128xf32, #tpu.memory_space<vmem>>) target(%dma_start3A_353 : memref<64x128xf32, #tpu.memory_space<hbm>>) target_semaphore(%arg12 : memref<!tpu.dma_semaphore, #tpu.memory_space<semaphore_mem>>)
    } else {
    }
    %mul3A_291 = arith.constant 640 : i32
    %mul3A_292 = arith.muli %arg1, %mul3A_291 : i32
    %add3A_293 = arith.constant 576 : i32
    %add3A_294 = arith.addi %mul3A_292, %add3A_293 : i32
    %mul3A_295 = arith.constant 640 : i32
    %mul3A_296 = arith.muli %arg1, %mul3A_295 : i32
    %add3A_297 = arith.constant 448 : i32
    %add3A_298 = arith.addi %mul3A_296, %add3A_297 : i32
    %eq3A_299 = arith.constant 0 : i32
    %eq3A_300 = arith.cmpi eq, %arg0, %eq3A_299 : i32
    %convert_element_type3A_301 = arith.extui %eq3A_300 : i1 to i32
    %cond3A_302 = arith.constant 0 : i32
    %cond3A_303 = arith.cmpi ne, %convert_element_type3A_301, %cond3A_302 : i32
    scf.if %cond3A_303 {
      %dma_wait3A_347 = arith.constant 0 : i32
      %dma_wait3A_348 = arith.constant 0 : i32
      %dma_wait3A_349 = tpu.memref_slice %arg10[%dma_wait3A_347, %dma_wait3A_348] : memref<128x128xf32, #tpu.memory_space<vmem>> -> memref<64x128xf32, #tpu.memory_space<vmem>>
      %dma_wait3A_350 = arith.constant 0 : i32
      %dma_wait3A_351 = tpu.memref_slice %arg4[%add3A_298, %dma_wait3A_350] : memref<10240x128xf32, #tpu.memory_space<hbm>> -> memref<64x128xf32, #tpu.memory_space<hbm>>
      %dma_wait3A_352 = arith.constant 0 : i32
      %dma_wait3A_353 = tpu.memref_slice %arg4[%add3A_298, %dma_wait3A_352] : memref<10240x128xf32, #tpu.memory_space<hbm>> -> memref<64x128xf32, #tpu.memory_space<hbm>>
      %dma_wait3A_354 = arith.constant 0 : i32
      %dma_wait3A_355 = arith.constant 0 : i32
      %dma_wait3A_356 = tpu.memref_slice %arg10[%dma_wait3A_354, %dma_wait3A_355] : memref<128x128xf32, #tpu.memory_space<vmem>> -> memref<64x128xf32, #tpu.memory_space<vmem>>
      tpu.wait_dma2 semaphore(%arg13 : memref<!tpu.dma_semaphore, #tpu.memory_space<semaphore_mem>>) src(%dma_wait3A_356 : memref<64x128xf32, #tpu.memory_space<vmem>>) dst(%dma_wait3A_353 : memref<64x128xf32, #tpu.memory_space<hbm>>)
    } else {
    }
    %eq3A_304 = arith.constant 1 : i32
    %eq3A_305 = arith.cmpi eq, %arg0, %eq3A_304 : i32
    %convert_element_type3A_306 = arith.extui %eq3A_305 : i1 to i32
    %cond3A_307 = arith.constant 0 : i32
    %cond3A_308 = arith.cmpi ne, %convert_element_type3A_306, %cond3A_307 : i32
    scf.if %cond3A_308 {
      %dma_wait3A_347 = arith.constant 0 : i32
      %dma_wait3A_348 = arith.constant 0 : i32
      %dma_wait3A_349 = tpu.memref_slice %arg10[%dma_wait3A_347, %dma_wait3A_348] : memref<128x128xf32, #tpu.memory_space<vmem>> -> memref<64x128xf32, #tpu.memory_space<vmem>>
      %dma_wait3A_350 = arith.constant 0 : i32
      %dma_wait3A_351 = tpu.memref_slice %arg5[%add3A_298, %dma_wait3A_350] : memref<10240x128xf32, #tpu.memory_space<hbm>> -> memref<64x128xf32, #tpu.memory_space<hbm>>
      %dma_wait3A_352 = arith.constant 0 : i32
      %dma_wait3A_353 = tpu.memref_slice %arg5[%add3A_298, %dma_wait3A_352] : memref<10240x128xf32, #tpu.memory_space<hbm>> -> memref<64x128xf32, #tpu.memory_space<hbm>>
      %dma_wait3A_354 = arith.constant 0 : i32
      %dma_wait3A_355 = arith.constant 0 : i32
      %dma_wait3A_356 = tpu.memref_slice %arg10[%dma_wait3A_354, %dma_wait3A_355] : memref<128x128xf32, #tpu.memory_space<vmem>> -> memref<64x128xf32, #tpu.memory_space<vmem>>
      tpu.wait_dma2 semaphore(%arg13 : memref<!tpu.dma_semaphore, #tpu.memory_space<semaphore_mem>>) src(%dma_wait3A_356 : memref<64x128xf32, #tpu.memory_space<vmem>>) dst(%dma_wait3A_353 : memref<64x128xf32, #tpu.memory_space<hbm>>)
    } else {
    }
    "tpu.region"() ({
      %run_scoped3A_347 = tpu.sem_alloc : memref<!tpu.dma_semaphore, #tpu.memory_space<semaphore_mem>>
      %dma_start3A_348 = arith.constant 0 : i32
      %dma_start3A_349 = arith.constant 0 : i32
      %dma_start3A_350 = tpu.memref_slice %arg10[%dma_start3A_348, %dma_start3A_349] : memref<128x128xf32, #tpu.memory_space<vmem>> -> memref<64x128xf32, #tpu.memory_space<vmem>>
      %dma_start3A_351 = arith.constant 0 : i32
      %dma_start3A_352 = tpu.memref_slice %arg18[%add3A_294, %dma_start3A_351] : memref<10240x128xf32, #tpu.memory_space<vmem_shared>> -> memref<64x128xf32, #tpu.memory_space<vmem_shared>>
      %dma_start3A_353 = arith.constant 0 : i32
      %dma_start3A_354 = arith.constant 0 : i32
      %dma_start3A_355 = tpu.memref_slice %arg10[%dma_start3A_353, %dma_start3A_354] : memref<128x128xf32, #tpu.memory_space<vmem>> -> memref<64x128xf32, #tpu.memory_space<vmem>>
      %dma_start3A_356 = arith.constant 0 : i32
      %dma_start3A_357 = tpu.memref_slice %arg18[%add3A_294, %dma_start3A_356] : memref<10240x128xf32, #tpu.memory_space<vmem_shared>> -> memref<64x128xf32, #tpu.memory_space<vmem_shared>>
      tpu.enqueue_dma source(%dma_start3A_357 : memref<64x128xf32, #tpu.memory_space<vmem_shared>>) target(%dma_start3A_355 : memref<64x128xf32, #tpu.memory_space<vmem>>) target_semaphore(%run_scoped3A_347 : memref<!tpu.dma_semaphore, #tpu.memory_space<semaphore_mem>>)
      %dma_wait3A_358 = arith.constant 0 : i32
      %dma_wait3A_359 = arith.constant 0 : i32
      %dma_wait3A_360 = tpu.memref_slice %arg10[%dma_wait3A_358, %dma_wait3A_359] : memref<128x128xf32, #tpu.memory_space<vmem>> -> memref<64x128xf32, #tpu.memory_space<vmem>>
      %dma_wait3A_361 = arith.constant 0 : i32
      %dma_wait3A_362 = tpu.memref_slice %arg18[%add3A_294, %dma_wait3A_361] : memref<10240x128xf32, #tpu.memory_space<vmem_shared>> -> memref<64x128xf32, #tpu.memory_space<vmem_shared>>
      %dma_wait3A_363 = arith.constant 0 : i32
      %dma_wait3A_364 = arith.constant 0 : i32
      %dma_wait3A_365 = tpu.memref_slice %arg10[%dma_wait3A_363, %dma_wait3A_364] : memref<128x128xf32, #tpu.memory_space<vmem>> -> memref<64x128xf32, #tpu.memory_space<vmem>>
      %dma_wait3A_366 = arith.constant 0 : i32
      %dma_wait3A_367 = tpu.memref_slice %arg18[%add3A_294, %dma_wait3A_366] : memref<10240x128xf32, #tpu.memory_space<vmem_shared>> -> memref<64x128xf32, #tpu.memory_space<vmem_shared>>
      tpu.wait_dma2 semaphore(%run_scoped3A_347 : memref<!tpu.dma_semaphore, #tpu.memory_space<semaphore_mem>>) src(%dma_wait3A_367 : memref<64x128xf32, #tpu.memory_space<vmem_shared>>) dst(%dma_wait3A_365 : memref<64x128xf32, #tpu.memory_space<vmem>>)
      tpu.yield
    }) : () -> ()
    %eq3A_309 = arith.constant 0 : i32
    %eq3A_310 = arith.cmpi eq, %arg0, %eq3A_309 : i32
    %convert_element_type3A_311 = arith.extui %eq3A_310 : i1 to i32
    %cond3A_312 = arith.constant 0 : i32
    %cond3A_313 = arith.cmpi ne, %convert_element_type3A_311, %cond3A_312 : i32
    scf.if %cond3A_313 {
      %dma_start3A_347 = arith.constant 0 : i32
      %dma_start3A_348 = arith.constant 0 : i32
      %dma_start3A_349 = tpu.memref_slice %arg10[%dma_start3A_347, %dma_start3A_348] : memref<128x128xf32, #tpu.memory_space<vmem>> -> memref<64x128xf32, #tpu.memory_space<vmem>>
      %dma_start3A_350 = arith.constant 0 : i32
      %dma_start3A_351 = tpu.memref_slice %arg4[%add3A_294, %dma_start3A_350] : memref<10240x128xf32, #tpu.memory_space<hbm>> -> memref<64x128xf32, #tpu.memory_space<hbm>>
      %dma_start3A_352 = arith.constant 0 : i32
      %dma_start3A_353 = tpu.memref_slice %arg4[%add3A_294, %dma_start3A_352] : memref<10240x128xf32, #tpu.memory_space<hbm>> -> memref<64x128xf32, #tpu.memory_space<hbm>>
      %dma_start3A_354 = arith.constant 0 : i32
      %dma_start3A_355 = arith.constant 0 : i32
      %dma_start3A_356 = tpu.memref_slice %arg10[%dma_start3A_354, %dma_start3A_355] : memref<128x128xf32, #tpu.memory_space<vmem>> -> memref<64x128xf32, #tpu.memory_space<vmem>>
      tpu.enqueue_dma source(%dma_start3A_356 : memref<64x128xf32, #tpu.memory_space<vmem>>) target(%dma_start3A_353 : memref<64x128xf32, #tpu.memory_space<hbm>>) target_semaphore(%arg13 : memref<!tpu.dma_semaphore, #tpu.memory_space<semaphore_mem>>)
    } else {
    }
    %eq3A_314 = arith.constant 1 : i32
    %eq3A_315 = arith.cmpi eq, %arg0, %eq3A_314 : i32
    %convert_element_type3A_316 = arith.extui %eq3A_315 : i1 to i32
    %cond3A_317 = arith.constant 0 : i32
    %cond3A_318 = arith.cmpi ne, %convert_element_type3A_316, %cond3A_317 : i32
    scf.if %cond3A_318 {
      %dma_start3A_347 = arith.constant 0 : i32
      %dma_start3A_348 = arith.constant 0 : i32
      %dma_start3A_349 = tpu.memref_slice %arg10[%dma_start3A_347, %dma_start3A_348] : memref<128x128xf32, #tpu.memory_space<vmem>> -> memref<64x128xf32, #tpu.memory_space<vmem>>
      %dma_start3A_350 = arith.constant 0 : i32
      %dma_start3A_351 = tpu.memref_slice %arg5[%add3A_294, %dma_start3A_350] : memref<10240x128xf32, #tpu.memory_space<hbm>> -> memref<64x128xf32, #tpu.memory_space<hbm>>
      %dma_start3A_352 = arith.constant 0 : i32
      %dma_start3A_353 = tpu.memref_slice %arg5[%add3A_294, %dma_start3A_352] : memref<10240x128xf32, #tpu.memory_space<hbm>> -> memref<64x128xf32, #tpu.memory_space<hbm>>
      %dma_start3A_354 = arith.constant 0 : i32
      %dma_start3A_355 = arith.constant 0 : i32
      %dma_start3A_356 = tpu.memref_slice %arg10[%dma_start3A_354, %dma_start3A_355] : memref<128x128xf32, #tpu.memory_space<vmem>> -> memref<64x128xf32, #tpu.memory_space<vmem>>
      tpu.enqueue_dma source(%dma_start3A_356 : memref<64x128xf32, #tpu.memory_space<vmem>>) target(%dma_start3A_353 : memref<64x128xf32, #tpu.memory_space<hbm>>) target_semaphore(%arg13 : memref<!tpu.dma_semaphore, #tpu.memory_space<semaphore_mem>>)
    } else {
    }
    %mul3A_319 = arith.constant 640 : i32
    %mul3A_320 = arith.muli %arg1, %mul3A_319 : i32
    %add3A_321 = arith.constant 512 : i32
    %add3A_322 = arith.addi %mul3A_320, %add3A_321 : i32
    %eq3A_323 = arith.constant 0 : i32
    %eq3A_324 = arith.cmpi eq, %arg0, %eq3A_323 : i32
    %convert_element_type3A_325 = arith.extui %eq3A_324 : i1 to i32
    %cond3A_326 = arith.constant 0 : i32
    %cond3A_327 = arith.cmpi ne, %convert_element_type3A_325, %cond3A_326 : i32
    scf.if %cond3A_327 {
      %dma_wait3A_347 = arith.constant 0 : i32
      %dma_wait3A_348 = arith.constant 0 : i32
      %dma_wait3A_349 = tpu.memref_slice %arg9[%dma_wait3A_347, %dma_wait3A_348] : memref<128x128xf32, #tpu.memory_space<vmem>> -> memref<64x128xf32, #tpu.memory_space<vmem>>
      %dma_wait3A_350 = arith.constant 0 : i32
      %dma_wait3A_351 = tpu.memref_slice %arg4[%add3A_322, %dma_wait3A_350] : memref<10240x128xf32, #tpu.memory_space<hbm>> -> memref<64x128xf32, #tpu.memory_space<hbm>>
      %dma_wait3A_352 = arith.constant 0 : i32
      %dma_wait3A_353 = tpu.memref_slice %arg4[%add3A_322, %dma_wait3A_352] : memref<10240x128xf32, #tpu.memory_space<hbm>> -> memref<64x128xf32, #tpu.memory_space<hbm>>
      %dma_wait3A_354 = arith.constant 0 : i32
      %dma_wait3A_355 = arith.constant 0 : i32
      %dma_wait3A_356 = tpu.memref_slice %arg9[%dma_wait3A_354, %dma_wait3A_355] : memref<128x128xf32, #tpu.memory_space<vmem>> -> memref<64x128xf32, #tpu.memory_space<vmem>>
      tpu.wait_dma2 semaphore(%arg12 : memref<!tpu.dma_semaphore, #tpu.memory_space<semaphore_mem>>) src(%dma_wait3A_356 : memref<64x128xf32, #tpu.memory_space<vmem>>) dst(%dma_wait3A_353 : memref<64x128xf32, #tpu.memory_space<hbm>>)
    } else {
    }
    %eq3A_328 = arith.constant 1 : i32
    %eq3A_329 = arith.cmpi eq, %arg0, %eq3A_328 : i32
    %convert_element_type3A_330 = arith.extui %eq3A_329 : i1 to i32
    %cond3A_331 = arith.constant 0 : i32
    %cond3A_332 = arith.cmpi ne, %convert_element_type3A_330, %cond3A_331 : i32
    scf.if %cond3A_332 {
      %dma_wait3A_347 = arith.constant 0 : i32
      %dma_wait3A_348 = arith.constant 0 : i32
      %dma_wait3A_349 = tpu.memref_slice %arg9[%dma_wait3A_347, %dma_wait3A_348] : memref<128x128xf32, #tpu.memory_space<vmem>> -> memref<64x128xf32, #tpu.memory_space<vmem>>
      %dma_wait3A_350 = arith.constant 0 : i32
      %dma_wait3A_351 = tpu.memref_slice %arg5[%add3A_322, %dma_wait3A_350] : memref<10240x128xf32, #tpu.memory_space<hbm>> -> memref<64x128xf32, #tpu.memory_space<hbm>>
      %dma_wait3A_352 = arith.constant 0 : i32
      %dma_wait3A_353 = tpu.memref_slice %arg5[%add3A_322, %dma_wait3A_352] : memref<10240x128xf32, #tpu.memory_space<hbm>> -> memref<64x128xf32, #tpu.memory_space<hbm>>
      %dma_wait3A_354 = arith.constant 0 : i32
      %dma_wait3A_355 = arith.constant 0 : i32
      %dma_wait3A_356 = tpu.memref_slice %arg9[%dma_wait3A_354, %dma_wait3A_355] : memref<128x128xf32, #tpu.memory_space<vmem>> -> memref<64x128xf32, #tpu.memory_space<vmem>>
      tpu.wait_dma2 semaphore(%arg12 : memref<!tpu.dma_semaphore, #tpu.memory_space<semaphore_mem>>) src(%dma_wait3A_356 : memref<64x128xf32, #tpu.memory_space<vmem>>) dst(%dma_wait3A_353 : memref<64x128xf32, #tpu.memory_space<hbm>>)
    } else {
    }
    %mul3A_333 = arith.constant 640 : i32
    %mul3A_334 = arith.muli %arg1, %mul3A_333 : i32
    %add3A_335 = arith.constant 576 : i32
    %add3A_336 = arith.addi %mul3A_334, %add3A_335 : i32
    %eq3A_337 = arith.constant 0 : i32
    %eq3A_338 = arith.cmpi eq, %arg0, %eq3A_337 : i32
    %convert_element_type3A_339 = arith.extui %eq3A_338 : i1 to i32
    %cond3A_340 = arith.constant 0 : i32
    %cond3A_341 = arith.cmpi ne, %convert_element_type3A_339, %cond3A_340 : i32
    scf.if %cond3A_341 {
      %dma_wait3A_347 = arith.constant 0 : i32
      %dma_wait3A_348 = arith.constant 0 : i32
      %dma_wait3A_349 = tpu.memref_slice %arg10[%dma_wait3A_347, %dma_wait3A_348] : memref<128x128xf32, #tpu.memory_space<vmem>> -> memref<64x128xf32, #tpu.memory_space<vmem>>
      %dma_wait3A_350 = arith.constant 0 : i32
      %dma_wait3A_351 = tpu.memref_slice %arg4[%add3A_336, %dma_wait3A_350] : memref<10240x128xf32, #tpu.memory_space<hbm>> -> memref<64x128xf32, #tpu.memory_space<hbm>>
      %dma_wait3A_352 = arith.constant 0 : i32
      %dma_wait3A_353 = tpu.memref_slice %arg4[%add3A_336, %dma_wait3A_352] : memref<10240x128xf32, #tpu.memory_space<hbm>> -> memref<64x128xf32, #tpu.memory_space<hbm>>
      %dma_wait3A_354 = arith.constant 0 : i32
      %dma_wait3A_355 = arith.constant 0 : i32
      %dma_wait3A_356 = tpu.memref_slice %arg10[%dma_wait3A_354, %dma_wait3A_355] : memref<128x128xf32, #tpu.memory_space<vmem>> -> memref<64x128xf32, #tpu.memory_space<vmem>>
      tpu.wait_dma2 semaphore(%arg13 : memref<!tpu.dma_semaphore, #tpu.memory_space<semaphore_mem>>) src(%dma_wait3A_356 : memref<64x128xf32, #tpu.memory_space<vmem>>) dst(%dma_wait3A_353 : memref<64x128xf32, #tpu.memory_space<hbm>>)
    } else {
    }
    %eq3A_342 = arith.constant 1 : i32
    %eq3A_343 = arith.cmpi eq, %arg0, %eq3A_342 : i32
    %convert_element_type3A_344 = arith.extui %eq3A_343 : i1 to i32
    %cond3A_345 = arith.constant 0 : i32
    %cond3A_346 = arith.cmpi ne, %convert_element_type3A_344, %cond3A_345 : i32
    scf.if %cond3A_346 {
      %dma_wait3A_347 = arith.constant 0 : i32
      %dma_wait3A_348 = arith.constant 0 : i32
      %dma_wait3A_349 = tpu.memref_slice %arg10[%dma_wait3A_347, %dma_wait3A_348] : memref<128x128xf32, #tpu.memory_space<vmem>> -> memref<64x128xf32, #tpu.memory_space<vmem>>
      %dma_wait3A_350 = arith.constant 0 : i32
      %dma_wait3A_351 = tpu.memref_slice %arg5[%add3A_336, %dma_wait3A_350] : memref<10240x128xf32, #tpu.memory_space<hbm>> -> memref<64x128xf32, #tpu.memory_space<hbm>>
      %dma_wait3A_352 = arith.constant 0 : i32
      %dma_wait3A_353 = tpu.memref_slice %arg5[%add3A_336, %dma_wait3A_352] : memref<10240x128xf32, #tpu.memory_space<hbm>> -> memref<64x128xf32, #tpu.memory_space<hbm>>
      %dma_wait3A_354 = arith.constant 0 : i32
      %dma_wait3A_355 = arith.constant 0 : i32
      %dma_wait3A_356 = tpu.memref_slice %arg10[%dma_wait3A_354, %dma_wait3A_355] : memref<128x128xf32, #tpu.memory_space<vmem>> -> memref<64x128xf32, #tpu.memory_space<vmem>>
      tpu.wait_dma2 semaphore(%arg13 : memref<!tpu.dma_semaphore, #tpu.memory_space<semaphore_mem>>) src(%dma_wait3A_356 : memref<64x128xf32, #tpu.memory_space<vmem>>) dst(%dma_wait3A_353 : memref<64x128xf32, #tpu.memory_space<hbm>>)
    } else {
    }
    return
  }
}

#map = affine_map<(d0, d1) -> (0, 0)>
#map1 = affine_map<(d0, d1) -> (0)>
module attributes {stable_mosaic.version = 14 : i64} {
  func.func @deg_k(%arg0: i32, %arg1: i32, %arg2: memref<2x320000xi32, #tpu.memory_space<hbm>>, %arg3: memref<10240xf32, #tpu.memory_space<hbm>>, %arg4: memref<10240xf32, #tpu.memory_space<hbm>>, %arg5: memref<78x128xi32, #tpu.memory_space<vmem>>, %arg6: memref<128xf32, #tpu.memory_space<vmem>>, %arg7: memref<640xf32, #tpu.memory_space<vmem>>, %arg8: memref<!tpu.dma_semaphore, #tpu.memory_space<semaphore_mem>>, %arg9: memref<16xi32, #tpu.memory_space<vmem>>, %arg10: memref<16xf32, #tpu.memory_space<vmem>>, %arg11: memref<10240xf32, #tpu.memory_space<vmem_shared>>) attributes {dimension_semantics = [#tpu.dimension_semantics<core_parallel>, #tpu.dimension_semantics<subcore_parallel>], iteration_bounds = array<i64: 2, 16>, scalar_prefetch = 0 : i64, scratch_operands = 7 : i64, tpu.core_type = #tpu.core_type<sc_vector_subcore>, window_params = [{transform_indices = #map}, {transform_indices = #map1}, {transform_indices = #map1}]} {
    %mul3A = arith.constant 2 : i32
    %mul3A_0 = arith.muli %arg1, %mul3A : i32
    %add3A = arith.addi %mul3A_0, %arg0 : i32
    %mul3A_1 = arith.constant 9984 : i32
    %mul3A_2 = arith.muli %add3A, %mul3A_1 : i32
    %multiple_of3A = tpu.assume_multiple %mul3A_2, 8 : i32
    %scan3A = arith.constant 0 : i32
    %scan3A_3 = arith.constant 0 : i32
    %scan3A_4 = arith.constant 78 : i32
    %scan3A_5 = arith.addi %scan3A_3, %scan3A_4 : i32
    %scan3A_6 = arith.constant 1 : i32
    %scan3A_7 = scf.for %scan3A_71 = %scan3A_3 to %scan3A_5 step %scan3A_6 iter_args(%scan3A_72 = %scan3A) -> (i32)  : i32 {
      %mul3A_73 = arith.constant 128 : i32
      %mul3A_74 = arith.muli %scan3A_71, %mul3A_73 : i32
      %add3A_75 = arith.addi %multiple_of3A, %mul3A_74 : i32
      %dma_start3A = arith.constant 1 : i32
      %dma_start3A_76 = arith.constant 0 : i32
      %dma_start3A_77 = tpu.memref_slice %arg5[%scan3A_71, %dma_start3A_76] : memref<78x128xi32, #tpu.memory_space<vmem>> -> memref<1x128xi32, #tpu.memory_space<vmem>>
      %dma_start3A_78 = tpu.memref_squeeze %dma_start3A_77 : memref<1x128xi32, #tpu.memory_space<vmem>> -> memref<128xi32, #tpu.memory_space<vmem>>
      %dma_start3A_79 = tpu.memref_slice %arg2[%dma_start3A, %add3A_75] : memref<2x320000xi32, #tpu.memory_space<hbm>> -> memref<1x128xi32, #tpu.memory_space<hbm>>
      %dma_start3A_80 = tpu.memref_squeeze %dma_start3A_79 : memref<1x128xi32, #tpu.memory_space<hbm>> -> memref<128xi32, #tpu.memory_space<hbm>>
      %dma_start3A_81 = arith.constant 0 : i32
      %dma_start3A_82 = tpu.memref_slice %arg5[%scan3A_71, %dma_start3A_81] : memref<78x128xi32, #tpu.memory_space<vmem>> -> memref<1x128xi32, #tpu.memory_space<vmem>>
      %dma_start3A_83 = tpu.memref_squeeze %dma_start3A_82 : memref<1x128xi32, #tpu.memory_space<vmem>> -> memref<128xi32, #tpu.memory_space<vmem>>
      %dma_start3A_84 = tpu.memref_slice %arg2[%dma_start3A, %add3A_75] : memref<2x320000xi32, #tpu.memory_space<hbm>> -> memref<1x128xi32, #tpu.memory_space<hbm>>
      %dma_start3A_85 = tpu.memref_squeeze %dma_start3A_84 : memref<1x128xi32, #tpu.memory_space<hbm>> -> memref<128xi32, #tpu.memory_space<hbm>>
      tpu.enqueue_dma source(%dma_start3A_85 : memref<128xi32, #tpu.memory_space<hbm>>) target(%dma_start3A_83 : memref<128xi32, #tpu.memory_space<vmem>>) target_semaphore(%arg8 : memref<!tpu.dma_semaphore, #tpu.memory_space<semaphore_mem>>)
      %scan3A_86 = arith.constant 0 : i32
      scf.yield %scan3A_86 : i32
    }
    %scan3A_8 = arith.constant 78 : i32
    %scan3A_9 = arith.constant 0 : i32
    %scan3A_10 = arith.constant 0 : i32
    %scan3A_11 = arith.constant 8 : i32
    %scan3A_12 = arith.addi %scan3A_10, %scan3A_11 : i32
    %scan3A_13 = arith.constant 1 : i32
    %scan3A_14 = scf.for %scan3A_71 = %scan3A_10 to %scan3A_12 step %scan3A_13 iter_args(%scan3A_72 = %scan3A_9) -> (i32)  : i32 {
      %broadcast_in_dim3A_73 = arith.constant 1.000000e+00 : f32
      %broadcast_in_dim3A_74 = vector.broadcast %broadcast_in_dim3A_73 : f32 to vector<16xf32>
      %mul3A_75 = arith.constant 16 : i32
      %mul3A_76 = arith.muli %scan3A_71, %mul3A_75 : i32
      %swap3A_77 = arith.index_cast %mul3A_76 : i32 to index
      %swap3A_78 = tpu.vector_load %arg6[%swap3A_77] {strides = array<i32>} : memref<128xf32, #tpu.memory_space<vmem>>, vector<16xf32>,
      %swap3A_79 = vector.shape_cast %swap3A_78 : vector<16xf32> to vector<16xf32>
      %swap3A_80 = vector.shape_cast %broadcast_in_dim3A_74 : vector<16xf32> to vector<16xf32>
      tpu.vector_store %arg6[%swap3A_77], %swap3A_80 {strides = array<i32>} : memref<128xf32, #tpu.memory_space<vmem>>, vector<16xf32>,
      %scan3A_81 = arith.constant 0 : i32
      scf.yield %scan3A_81 : i32
    }
    %scan3A_15 = arith.constant 8 : i32
    %scan3A_16 = arith.constant 0 : i32
    %scan3A_17 = arith.constant 0 : i32
    %scan3A_18 = arith.constant 40 : i32
    %scan3A_19 = arith.addi %scan3A_17, %scan3A_18 : i32
    %scan3A_20 = arith.constant 1 : i32
    %scan3A_21 = scf.for %scan3A_71 = %scan3A_17 to %scan3A_19 step %scan3A_20 iter_args(%scan3A_72 = %scan3A_16) -> (i32)  : i32 {
      %broadcast_in_dim3A_73 = arith.constant 0.000000e+00 : f32
      %broadcast_in_dim3A_74 = vector.broadcast %broadcast_in_dim3A_73 : f32 to vector<16xf32>
      %mul3A_75 = arith.constant 16 : i32
      %mul3A_76 = arith.muli %scan3A_71, %mul3A_75 : i32
      %swap3A_77 = arith.index_cast %mul3A_76 : i32 to index
      %swap3A_78 = tpu.vector_load %arg7[%swap3A_77] {strides = array<i32>} : memref<640xf32, #tpu.memory_space<vmem>>, vector<16xf32>,
      %swap3A_79 = vector.shape_cast %swap3A_78 : vector<16xf32> to vector<16xf32>
      %swap3A_80 = vector.shape_cast %broadcast_in_dim3A_74 : vector<16xf32> to vector<16xf32>
      tpu.vector_store %arg7[%swap3A_77], %swap3A_80 {strides = array<i32>} : memref<640xf32, #tpu.memory_space<vmem>>, vector<16xf32>,
      %scan3A_81 = arith.constant 0 : i32
      scf.yield %scan3A_81 : i32
    }
    %scan3A_22 = arith.constant 40 : i32
    %mul3A_23 = arith.constant 640 : i32
    %mul3A_24 = arith.muli %arg1, %mul3A_23 : i32
    "tpu.region"() ({
      %run_scoped3A_71 = tpu.sem_alloc : memref<!tpu.dma_semaphore, #tpu.memory_space<semaphore_mem>>
      %dma_start3A = tpu.memref_slice %arg11[%mul3A_24] : memref<10240xf32, #tpu.memory_space<vmem_shared>> -> memref<640xf32, #tpu.memory_space<vmem_shared>>
      %dma_start3A_72 = tpu.memref_slice %arg11[%mul3A_24] : memref<10240xf32, #tpu.memory_space<vmem_shared>> -> memref<640xf32, #tpu.memory_space<vmem_shared>>
      tpu.enqueue_dma source(%arg7 : memref<640xf32, #tpu.memory_space<vmem>>) target(%dma_start3A_72 : memref<640xf32, #tpu.memory_space<vmem_shared>>) target_semaphore(%run_scoped3A_71 : memref<!tpu.dma_semaphore, #tpu.memory_space<semaphore_mem>>)
      %dma_wait3A = tpu.memref_slice %arg11[%mul3A_24] : memref<10240xf32, #tpu.memory_space<vmem_shared>> -> memref<640xf32, #tpu.memory_space<vmem_shared>>
      %dma_wait3A_73 = tpu.memref_slice %arg11[%mul3A_24] : memref<10240xf32, #tpu.memory_space<vmem_shared>> -> memref<640xf32, #tpu.memory_space<vmem_shared>>
      tpu.wait_dma2 semaphore(%run_scoped3A_71 : memref<!tpu.dma_semaphore, #tpu.memory_space<semaphore_mem>>) src(%arg7 : memref<640xf32, #tpu.memory_space<vmem>>) dst(%dma_wait3A_73 : memref<640xf32, #tpu.memory_space<vmem_shared>>)
      tpu.yield
    }) : () -> ()
    %barrier3A = arith.constant 0 : index
    tpu.barrier barrier_id(%barrier3A)
    %scan3A_25 = arith.constant 0 : i32
    %scan3A_26 = arith.constant 0 : i32
    %scan3A_27 = arith.constant 78 : i32
    %scan3A_28 = arith.addi %scan3A_26, %scan3A_27 : i32
    %scan3A_29 = arith.constant 1 : i32
    %scan3A_30 = scf.for %scan3A_71 = %scan3A_26 to %scan3A_28 step %scan3A_29 iter_args(%scan3A_72 = %scan3A_25) -> (i32)  : i32 {
      %mul3A_73 = arith.constant 128 : i32
      %mul3A_74 = arith.muli %scan3A_71, %mul3A_73 : i32
      %add3A_75 = arith.addi %multiple_of3A, %mul3A_74 : i32
      %dma_wait3A = arith.constant 1 : i32
      %dma_wait3A_76 = arith.constant 0 : i32
      %dma_wait3A_77 = tpu.memref_slice %arg5[%scan3A_71, %dma_wait3A_76] : memref<78x128xi32, #tpu.memory_space<vmem>> -> memref<1x128xi32, #tpu.memory_space<vmem>>
      %dma_wait3A_78 = tpu.memref_squeeze %dma_wait3A_77 : memref<1x128xi32, #tpu.memory_space<vmem>> -> memref<128xi32, #tpu.memory_space<vmem>>
      %dma_wait3A_79 = tpu.memref_slice %arg2[%dma_wait3A, %add3A_75] : memref<2x320000xi32, #tpu.memory_space<hbm>> -> memref<1x128xi32, #tpu.memory_space<hbm>>
      %dma_wait3A_80 = tpu.memref_squeeze %dma_wait3A_79 : memref<1x128xi32, #tpu.memory_space<hbm>> -> memref<128xi32, #tpu.memory_space<hbm>>
      %dma_wait3A_81 = arith.constant 0 : i32
      %dma_wait3A_82 = tpu.memref_slice %arg5[%scan3A_71, %dma_wait3A_81] : memref<78x128xi32, #tpu.memory_space<vmem>> -> memref<1x128xi32, #tpu.memory_space<vmem>>
      %dma_wait3A_83 = tpu.memref_squeeze %dma_wait3A_82 : memref<1x128xi32, #tpu.memory_space<vmem>> -> memref<128xi32, #tpu.memory_space<vmem>>
      %dma_wait3A_84 = tpu.memref_slice %arg2[%dma_wait3A, %add3A_75] : memref<2x320000xi32, #tpu.memory_space<hbm>> -> memref<1x128xi32, #tpu.memory_space<hbm>>
      %dma_wait3A_85 = tpu.memref_squeeze %dma_wait3A_84 : memref<1x128xi32, #tpu.memory_space<hbm>> -> memref<128xi32, #tpu.memory_space<hbm>>
      tpu.wait_dma2 semaphore(%arg8 : memref<!tpu.dma_semaphore, #tpu.memory_space<semaphore_mem>>) src(%dma_wait3A_85 : memref<128xi32, #tpu.memory_space<hbm>>) dst(%dma_wait3A_83 : memref<128xi32, #tpu.memory_space<vmem>>)
      %scan3A_86 = arith.constant 0 : i32
      scf.yield %scan3A_86 : i32
    }
    %scan3A_31 = arith.constant 78 : i32
    %scan3A_32 = arith.constant 0 : i32
    %scan3A_33 = arith.constant 0 : i32
    %scan3A_34 = arith.constant 78 : i32
    %scan3A_35 = arith.addi %scan3A_33, %scan3A_34 : i32
    %scan3A_36 = arith.constant 1 : i32
    %scan3A_37 = scf.for %scan3A_71 = %scan3A_33 to %scan3A_35 step %scan3A_36 iter_args(%scan3A_72 = %scan3A_32) -> (i32)  : i32 {
      %dma_start3A = arith.constant 0 : i32
      %dma_start3A_73 = tpu.memref_slice %arg5[%scan3A_71, %dma_start3A] : memref<78x128xi32, #tpu.memory_space<vmem>> -> memref<1x128xi32, #tpu.memory_space<vmem>>
      %dma_start3A_74 = tpu.memref_squeeze %dma_start3A_73 : memref<1x128xi32, #tpu.memory_space<vmem>> -> memref<128xi32, #tpu.memory_space<vmem>>
      %dma_start3A_75 = arith.constant 0 : i32
      %dma_start3A_76 = tpu.memref_slice %arg11[%dma_start3A_75] : memref<10240xf32, #tpu.memory_space<vmem_shared>> -> memref<10240xf32, #tpu.memory_space<vmem_shared>>
      tpu.enqueue_indirect_dma source(%arg6 : memref<128xf32, #tpu.memory_space<vmem>>) target(%dma_start3A_76 : memref<10240xf32, #tpu.memory_space<vmem_shared>>) offsets(%dma_start3A_74 : memref<128xi32, #tpu.memory_space<vmem>>) semaphore(%arg8 : memref<!tpu.dma_semaphore, #tpu.memory_space<semaphore_mem>>) {add = true}
      %scan3A_77 = arith.constant 0 : i32
      scf.yield %scan3A_77 : i32
    }
    %scan3A_38 = arith.constant 78 : i32
    %scan3A_39 = arith.constant 0 : i32
    %scan3A_40 = arith.constant 0 : i32
    %scan3A_41 = arith.constant 78 : i32
    %scan3A_42 = arith.addi %scan3A_40, %scan3A_41 : i32
    %scan3A_43 = arith.constant 1 : i32
    %scan3A_44 = scf.for %scan3A_71 = %scan3A_40 to %scan3A_42 step %scan3A_43 iter_args(%scan3A_72 = %scan3A_39) -> (i32)  : i32 {
      %dma_wait3A = arith.constant 0 : i32
      %dma_wait3A_73 = tpu.memref_slice %arg5[%scan3A_71, %dma_wait3A] : memref<78x128xi32, #tpu.memory_space<vmem>> -> memref<1x128xi32, #tpu.memory_space<vmem>>
      %dma_wait3A_74 = tpu.memref_squeeze %dma_wait3A_73 : memref<1x128xi32, #tpu.memory_space<vmem>> -> memref<128xi32, #tpu.memory_space<vmem>>
      %dma_wait3A_75 = arith.constant 0 : i32
      %dma_wait3A_76 = tpu.memref_slice %arg11[%dma_wait3A_75] : memref<10240xf32, #tpu.memory_space<vmem_shared>> -> memref<10240xf32, #tpu.memory_space<vmem_shared>>
      tpu.wait_indirect_dma semaphore(%arg8 : memref<!tpu.dma_semaphore, #tpu.memory_space<semaphore_mem>>) src(%arg6 : memref<128xf32, #tpu.memory_space<vmem>>) dst(%dma_wait3A_76 : memref<10240xf32, #tpu.memory_space<vmem_shared>>)
      %scan3A_77 = arith.constant 0 : i32
      scf.yield %scan3A_77 : i32
    }
    %scan3A_45 = arith.constant 78 : i32
    %mul3A_46 = arith.constant 16 : i32
    %mul3A_47 = arith.muli %add3A, %mul3A_46 : i32
    %add3A_48 = arith.constant 319488 : i32
    %add3A_49 = arith.addi %add3A_48, %mul3A_47 : i32
    %multiple_of3A_50 = tpu.assume_multiple %add3A_49, 8 : i32
    %scan3A_51 = arith.constant 0 : i32
    %scan3A_52 = arith.constant 0 : i32
    %broadcast_in_dim3A = arith.constant 1.000000e+00 : f32
    %broadcast_in_dim3A_53 = vector.broadcast %broadcast_in_dim3A : f32 to vector<16xf32>
    %mul3A_54 = arith.constant 16 : i32
    %mul3A_55 = arith.muli %scan3A_52, %mul3A_54 : i32
    %swap3A = arith.index_cast %mul3A_55 : i32 to index
    %swap3A_56 = tpu.vector_load %arg10[%swap3A] {strides = array<i32>} : memref<16xf32, #tpu.memory_space<vmem>>, vector<16xf32>,
    %swap3A_57 = vector.shape_cast %swap3A_56 : vector<16xf32> to vector<16xf32>
    %swap3A_58 = vector.shape_cast %broadcast_in_dim3A_53 : vector<16xf32> to vector<16xf32>
    tpu.vector_store %arg10[%swap3A], %swap3A_58 {strides = array<i32>} : memref<16xf32, #tpu.memory_space<vmem>>, vector<16xf32>,
    %scan3A_59 = arith.constant 0 : i32
    %scan3A_60 = arith.constant 1 : i32
    %run_scoped3A = arith.constant 1 : i32
    "tpu.region"() ({
      %run_scoped3A_71 = tpu.sem_alloc : memref<!tpu.dma_semaphore, #tpu.memory_space<semaphore_mem>>
      %dma_start3A = tpu.memref_slice %arg2[%run_scoped3A, %multiple_of3A_50] : memref<2x320000xi32, #tpu.memory_space<hbm>> -> memref<1x16xi32, #tpu.memory_space<hbm>>
      %dma_start3A_72 = tpu.memref_squeeze %dma_start3A : memref<1x16xi32, #tpu.memory_space<hbm>> -> memref<16xi32, #tpu.memory_space<hbm>>
      %dma_start3A_73 = tpu.memref_slice %arg2[%run_scoped3A, %multiple_of3A_50] : memref<2x320000xi32, #tpu.memory_space<hbm>> -> memref<1x16xi32, #tpu.memory_space<hbm>>
      %dma_start3A_74 = tpu.memref_squeeze %dma_start3A_73 : memref<1x16xi32, #tpu.memory_space<hbm>> -> memref<16xi32, #tpu.memory_space<hbm>>
      tpu.enqueue_dma source(%dma_start3A_74 : memref<16xi32, #tpu.memory_space<hbm>>) target(%arg9 : memref<16xi32, #tpu.memory_space<vmem>>) target_semaphore(%run_scoped3A_71 : memref<!tpu.dma_semaphore, #tpu.memory_space<semaphore_mem>>)
      %dma_wait3A = tpu.memref_slice %arg2[%run_scoped3A, %multiple_of3A_50] : memref<2x320000xi32, #tpu.memory_space<hbm>> -> memref<1x16xi32, #tpu.memory_space<hbm>>
      %dma_wait3A_75 = tpu.memref_squeeze %dma_wait3A : memref<1x16xi32, #tpu.memory_space<hbm>> -> memref<16xi32, #tpu.memory_space<hbm>>
      %dma_wait3A_76 = tpu.memref_slice %arg2[%run_scoped3A, %multiple_of3A_50] : memref<2x320000xi32, #tpu.memory_space<hbm>> -> memref<1x16xi32, #tpu.memory_space<hbm>>
      %dma_wait3A_77 = tpu.memref_squeeze %dma_wait3A_76 : memref<1x16xi32, #tpu.memory_space<hbm>> -> memref<16xi32, #tpu.memory_space<hbm>>
      tpu.wait_dma2 semaphore(%run_scoped3A_71 : memref<!tpu.dma_semaphore, #tpu.memory_space<semaphore_mem>>) src(%dma_wait3A_77 : memref<16xi32, #tpu.memory_space<hbm>>) dst(%arg9 : memref<16xi32, #tpu.memory_space<vmem>>)
      tpu.yield
    }) : () -> ()
    "tpu.region"() ({
      %run_scoped3A_71 = tpu.sem_alloc : memref<!tpu.dma_semaphore, #tpu.memory_space<semaphore_mem>>
      %dma_start3A = arith.constant 0 : i32
      %dma_start3A_72 = tpu.memref_slice %arg11[%dma_start3A] : memref<10240xf32, #tpu.memory_space<vmem_shared>> -> memref<10240xf32, #tpu.memory_space<vmem_shared>>
      tpu.enqueue_indirect_dma source(%arg10 : memref<16xf32, #tpu.memory_space<vmem>>) target(%dma_start3A_72 : memref<10240xf32, #tpu.memory_space<vmem_shared>>) offsets(%arg9 : memref<16xi32, #tpu.memory_space<vmem>>) semaphore(%run_scoped3A_71 : memref<!tpu.dma_semaphore, #tpu.memory_space<semaphore_mem>>) {add = true}
      %dma_wait3A = arith.constant 0 : i32
      %dma_wait3A_73 = tpu.memref_slice %arg11[%dma_wait3A] : memref<10240xf32, #tpu.memory_space<vmem_shared>> -> memref<10240xf32, #tpu.memory_space<vmem_shared>>
      tpu.wait_indirect_dma semaphore(%run_scoped3A_71 : memref<!tpu.dma_semaphore, #tpu.memory_space<semaphore_mem>>) src(%arg10 : memref<16xf32, #tpu.memory_space<vmem>>) dst(%dma_wait3A_73 : memref<10240xf32, #tpu.memory_space<vmem_shared>>)
      tpu.yield
    }) : () -> ()
    %barrier3A_61 = arith.constant 0 : index
    tpu.barrier barrier_id(%barrier3A_61)
    %mul3A_62 = arith.constant 640 : i32
    %mul3A_63 = arith.muli %arg1, %mul3A_62 : i32
    "tpu.region"() ({
      %run_scoped3A_71 = tpu.sem_alloc : memref<!tpu.dma_semaphore, #tpu.memory_space<semaphore_mem>>
      %dma_start3A = tpu.memref_slice %arg11[%mul3A_63] : memref<10240xf32, #tpu.memory_space<vmem_shared>> -> memref<640xf32, #tpu.memory_space<vmem_shared>>
      %dma_start3A_72 = tpu.memref_slice %arg11[%mul3A_63] : memref<10240xf32, #tpu.memory_space<vmem_shared>> -> memref<640xf32, #tpu.memory_space<vmem_shared>>
      tpu.enqueue_dma source(%dma_start3A_72 : memref<640xf32, #tpu.memory_space<vmem_shared>>) target(%arg7 : memref<640xf32, #tpu.memory_space<vmem>>) target_semaphore(%run_scoped3A_71 : memref<!tpu.dma_semaphore, #tpu.memory_space<semaphore_mem>>)
      %dma_wait3A = tpu.memref_slice %arg11[%mul3A_63] : memref<10240xf32, #tpu.memory_space<vmem_shared>> -> memref<640xf32, #tpu.memory_space<vmem_shared>>
      %dma_wait3A_73 = tpu.memref_slice %arg11[%mul3A_63] : memref<10240xf32, #tpu.memory_space<vmem_shared>> -> memref<640xf32, #tpu.memory_space<vmem_shared>>
      tpu.wait_dma2 semaphore(%run_scoped3A_71 : memref<!tpu.dma_semaphore, #tpu.memory_space<semaphore_mem>>) src(%dma_wait3A_73 : memref<640xf32, #tpu.memory_space<vmem_shared>>) dst(%arg7 : memref<640xf32, #tpu.memory_space<vmem>>)
      tpu.yield
    }) : () -> ()
    %eq3A = arith.constant 0 : i32
    %eq3A_64 = arith.cmpi eq, %arg0, %eq3A : i32
    %convert_element_type3A = arith.extui %eq3A_64 : i1 to i32
    %cond3A = arith.constant 0 : i32
    %cond3A_65 = arith.cmpi ne, %convert_element_type3A, %cond3A : i32
    scf.if %cond3A_65 {
      %mul3A_71 = arith.constant 640 : i32
      %mul3A_72 = arith.muli %arg1, %mul3A_71 : i32
      "tpu.region"() ({
        %run_scoped3A_73 = tpu.sem_alloc : memref<!tpu.dma_semaphore, #tpu.memory_space<semaphore_mem>>
        %dma_start3A = tpu.memref_slice %arg3[%mul3A_72] : memref<10240xf32, #tpu.memory_space<hbm>> -> memref<640xf32, #tpu.memory_space<hbm>>
        %dma_start3A_74 = tpu.memref_slice %arg3[%mul3A_72] : memref<10240xf32, #tpu.memory_space<hbm>> -> memref<640xf32, #tpu.memory_space<hbm>>
        tpu.enqueue_dma source(%arg7 : memref<640xf32, #tpu.memory_space<vmem>>) target(%dma_start3A_74 : memref<640xf32, #tpu.memory_space<hbm>>) target_semaphore(%run_scoped3A_73 : memref<!tpu.dma_semaphore, #tpu.memory_space<semaphore_mem>>)
        %dma_wait3A = tpu.memref_slice %arg3[%mul3A_72] : memref<10240xf32, #tpu.memory_space<hbm>> -> memref<640xf32, #tpu.memory_space<hbm>>
        %dma_wait3A_75 = tpu.memref_slice %arg3[%mul3A_72] : memref<10240xf32, #tpu.memory_space<hbm>> -> memref<640xf32, #tpu.memory_space<hbm>>
        tpu.wait_dma2 semaphore(%run_scoped3A_73 : memref<!tpu.dma_semaphore, #tpu.memory_space<semaphore_mem>>) src(%arg7 : memref<640xf32, #tpu.memory_space<vmem>>) dst(%dma_wait3A_75 : memref<640xf32, #tpu.memory_space<hbm>>)
        tpu.yield
      }) : () -> ()
    } else {
    }
    %eq3A_66 = arith.constant 1 : i32
    %eq3A_67 = arith.cmpi eq, %arg0, %eq3A_66 : i32
    %convert_element_type3A_68 = arith.extui %eq3A_67 : i1 to i32
    %cond3A_69 = arith.constant 0 : i32
    %cond3A_70 = arith.cmpi ne, %convert_element_type3A_68, %cond3A_69 : i32
    scf.if %cond3A_70 {
      %mul3A_71 = arith.constant 640 : i32
      %mul3A_72 = arith.muli %arg1, %mul3A_71 : i32
      "tpu.region"() ({
        %run_scoped3A_73 = tpu.sem_alloc : memref<!tpu.dma_semaphore, #tpu.memory_space<semaphore_mem>>
        %dma_start3A = tpu.memref_slice %arg4[%mul3A_72] : memref<10240xf32, #tpu.memory_space<hbm>> -> memref<640xf32, #tpu.memory_space<hbm>>
        %dma_start3A_74 = tpu.memref_slice %arg4[%mul3A_72] : memref<10240xf32, #tpu.memory_space<hbm>> -> memref<640xf32, #tpu.memory_space<hbm>>
        tpu.enqueue_dma source(%arg7 : memref<640xf32, #tpu.memory_space<vmem>>) target(%dma_start3A_74 : memref<640xf32, #tpu.memory_space<hbm>>) target_semaphore(%run_scoped3A_73 : memref<!tpu.dma_semaphore, #tpu.memory_space<semaphore_mem>>)
        %dma_wait3A = tpu.memref_slice %arg4[%mul3A_72] : memref<10240xf32, #tpu.memory_space<hbm>> -> memref<640xf32, #tpu.memory_space<hbm>>
        %dma_wait3A_75 = tpu.memref_slice %arg4[%mul3A_72] : memref<10240xf32, #tpu.memory_space<hbm>> -> memref<640xf32, #tpu.memory_space<hbm>>
        tpu.wait_dma2 semaphore(%run_scoped3A_73 : memref<!tpu.dma_semaphore, #tpu.memory_space<semaphore_mem>>) src(%arg7 : memref<640xf32, #tpu.memory_space<vmem>>) dst(%dma_wait3A_75 : memref<640xf32, #tpu.memory_space<hbm>>)
        tpu.yield
      }) : () -> ()
    } else {
    }
    return
  }
}

module attributes {stable_mosaic.version = 14 : i64} {
  func.func @_fin_body(%arg0: i32, %arg1: memref<4096x128xf32, #tpu.memory_space<vmem>>, %arg2: memref<4096x128xf32, #tpu.memory_space<vmem>>, %arg3: memref<4096xf32, #tpu.memory_space<vmem>>, %arg4: memref<4096xf32, #tpu.memory_space<vmem>>, %arg5: memref<1x128xf32, #tpu.memory_space<vmem>>, %arg6: memref<4096x128xf32, #tpu.memory_space<vmem>>) attributes {dimension_semantics = [#tpu.dimension_semantics<arbitrary>], iteration_bounds = array<i64: 3>, scalar_prefetch = 0 : i64, scratch_operands = 0 : i64, tpu.core_type = #tpu.core_type<tc>, window_params = [{transform_indices = @transform_0, window_bounds = array<i64: 4096, 128>}, {transform_indices = @transform_1, window_bounds = array<i64: 4096, 128>}, {transform_indices = @transform_2, window_bounds = array<i64: 4096>}, {transform_indices = @transform_3, window_bounds = array<i64: 4096>}, {pipeline_mode = #tpu.pipeline_mode<synchronous>, transform_indices = @transform_4, window_bounds = array<i64: 1, 128>}, {transform_indices = @transform_5, window_bounds = array<i64: 4096, 128>}]} {
    %get3A = arith.constant 0 : index
    %get3A_0 = vector.load %arg3[%get3A] : memref<4096xf32, #tpu.memory_space<vmem>>, vector<4096xf32>
    %get3A_1 = arith.constant 0 : index
    %get3A_2 = vector.load %arg4[%get3A_1] : memref<4096xf32, #tpu.memory_space<vmem>>, vector<4096xf32>
    %add3A = arith.addf %get3A_0, %get3A_2 : vector<4096xf32>
    %gt3A = arith.constant 0.000000e+00 : f32
    %gt3A_3 = vector.broadcast %gt3A : f32 to vector<4096xf32>
    %gt3A_4 = arith.cmpf ogt, %add3A, %gt3A_3 : vector<4096xf32>
    %max3A = arith.constant 1.000000e+00 : f32
    %max3A_5 = vector.broadcast %max3A : f32 to vector<4096xf32>
    %max3A_6 = arith.maximumf %add3A, %max3A_5 : vector<4096xf32>
    %rsqrt3A = math.rsqrt %max3A_6 : vector<4096xf32>
    %jit3A = arith.constant 0.000000e+00 : f32
    %broadcast_in_dim3A = vector.broadcast %jit3A : f32 to vector<4096xf32>
    %select_n3A = arith.select %gt3A_4, %rsqrt3A, %broadcast_in_dim3A : vector<4096xi1>, vector<4096xf32>
    %get3A_7 = arith.constant 0 : index
    %get3A_8 = arith.constant 0 : index
    %get3A_9 = vector.load %arg1[%get3A_7, %get3A_8] : memref<4096x128xf32, #tpu.memory_space<vmem>>, vector<4096x128xf32>
    %get3A_10 = arith.constant 0 : index
    %get3A_11 = arith.constant 0 : index
    %get3A_12 = vector.load %arg2[%get3A_10, %get3A_11] : memref<4096x128xf32, #tpu.memory_space<vmem>>, vector<4096x128xf32>
    %add3A_13 = arith.addf %get3A_9, %get3A_12 : vector<4096x128xf32>
    %reshape3A = vector.shape_cast %select_n3A : vector<4096xf32> to vector<4096x1xf32>
    %mul3A = vector.broadcast %reshape3A : vector<4096x1xf32> to vector<4096x128xf32>
    %mul3A_14 = arith.mulf %add3A_13, %mul3A : vector<4096x128xf32>
    %get3A_15 = arith.constant 0 : index
    %get3A_16 = arith.constant 0 : index
    %get3A_17 = vector.load %arg5[%get3A_15, %get3A_16] : memref<1x128xf32, #tpu.memory_space<vmem>>, vector<1x128xf32>
    %add3A_18 = vector.broadcast %get3A_17 : vector<1x128xf32> to vector<4096x128xf32>
    %add3A_19 = arith.addf %mul3A_14, %add3A_18 : vector<4096x128xf32>
    %max3A_20 = arith.constant 0.000000e+00 : f32
    %max3A_21 = vector.broadcast %max3A_20 : f32 to vector<4096x128xf32>
    %max3A_22 = arith.maximumf %add3A_19, %max3A_21 : vector<4096x128xf32>
    %swap3A = arith.constant 0 : index
    %swap3A_23 = arith.constant 0 : index
    %swap3A_24 = vector.load %arg6[%swap3A, %swap3A_23] : memref<4096x128xf32, #tpu.memory_space<vmem>>, vector<4096x128xf32>
    tpu.vector_store %arg6[%swap3A, %swap3A_23], %max3A_22 {strides = array<i32>} : memref<4096x128xf32, #tpu.memory_space<vmem>>, vector<4096x128xf32>,
    return
  }
  func.func @transform_0(%arg0: i32) -> (i32, i32) {
    %c0_i32 = arith.constant 0 : i32
    %c0_i32_0 = arith.constant 0 : i32
    return %arg0, %c0_i32 : i32, i32
  }
  func.func @transform_1(%arg0: i32) -> (i32, i32) {
    %c0_i32 = arith.constant 0 : i32
    %c0_i32_0 = arith.constant 0 : i32
    return %arg0, %c0_i32 : i32, i32
  }
  func.func @transform_2(%arg0: i32) -> i32 {
    %c0_i32 = arith.constant 0 : i32
    return %arg0 : i32
  }
  func.func @transform_3(%arg0: i32) -> i32 {
    %c0_i32 = arith.constant 0 : i32
    return %arg0 : i32
  }
  func.func @transform_4(%arg0: i32) -> (i32, i32) {
    %c0_i32 = arith.constant 0 : i32
    %c0_i32_0 = arith.constant 0 : i32
    %c0_i32_1 = arith.constant 0 : i32
    return %c0_i32, %c0_i32_0 : i32, i32
  }
  func.func @transform_5(%arg0: i32) -> (i32, i32) {
    %c0_i32 = arith.constant 0 : i32
    %c0_i32_0 = arith.constant 0 : i32
    return %arg0, %c0_i32 : i32, i32
  }
}

module attributes {stable_mosaic.version = 14 : i64} {
  func.func @_mm_body(%arg0: i32, %arg1: memref<4096x128xf32, #tpu.memory_space<vmem>>, %arg2: memref<128x128xf32, #tpu.memory_space<vmem>>, %arg3: memref<4096xf32, #tpu.memory_space<vmem>>, %arg4: memref<4096xf32, #tpu.memory_space<vmem>>, %arg5: memref<4096x128xf32, #tpu.memory_space<vmem>>) attributes {dimension_semantics = [#tpu.dimension_semantics<arbitrary>], iteration_bounds = array<i64: 3>, scalar_prefetch = 0 : i64, scratch_operands = 0 : i64, tpu.core_type = #tpu.core_type<tc>, window_params = [{transform_indices = @transform_0, window_bounds = array<i64: 4096, 128>}, {pipeline_mode = #tpu.pipeline_mode<synchronous>, transform_indices = @transform_1, window_bounds = array<i64: 128, 128>}, {transform_indices = @transform_2, window_bounds = array<i64: 4096>}, {transform_indices = @transform_3, window_bounds = array<i64: 4096>}, {transform_indices = @transform_4, window_bounds = array<i64: 4096, 128>}]} {
    %get3A = arith.constant 0 : index
    %get3A_0 = vector.load %arg3[%get3A] : memref<4096xf32, #tpu.memory_space<vmem>>, vector<4096xf32>
    %get3A_1 = arith.constant 0 : index
    %get3A_2 = vector.load %arg4[%get3A_1] : memref<4096xf32, #tpu.memory_space<vmem>>, vector<4096xf32>
    %add3A = arith.addf %get3A_0, %get3A_2 : vector<4096xf32>
    %gt3A = arith.constant 0.000000e+00 : f32
    %gt3A_3 = vector.broadcast %gt3A : f32 to vector<4096xf32>
    %gt3A_4 = arith.cmpf ogt, %add3A, %gt3A_3 : vector<4096xf32>
    %max3A = arith.constant 1.000000e+00 : f32
    %max3A_5 = vector.broadcast %max3A : f32 to vector<4096xf32>
    %max3A_6 = arith.maximumf %add3A, %max3A_5 : vector<4096xf32>
    %rsqrt3A = math.rsqrt %max3A_6 : vector<4096xf32>
    %jit3A = arith.constant 0.000000e+00 : f32
    %broadcast_in_dim3A = vector.broadcast %jit3A : f32 to vector<4096xf32>
    %select_n3A = arith.select %gt3A_4, %rsqrt3A, %broadcast_in_dim3A : vector<4096xi1>, vector<4096xf32>
    %get3A_7 = arith.constant 0 : index
    %get3A_8 = arith.constant 0 : index
    %get3A_9 = vector.load %arg1[%get3A_7, %get3A_8] : memref<4096x128xf32, #tpu.memory_space<vmem>>, vector<4096x128xf32>
    %get3A_10 = arith.constant 0 : index
    %get3A_11 = arith.constant 0 : index
    %get3A_12 = vector.load %arg2[%get3A_10, %get3A_11] : memref<128x128xf32, #tpu.memory_space<vmem>>, vector<128x128xf32>
    %dot_general3A = arith.constant dense<0.000000e+00> : vector<4096x128xf32>
    %dot_general3A_13 = tpu.matmul %get3A_9, %get3A_12, %dot_general3A {dimension_numbers = #tpu.dot_dimension_numbers<[1], [0], [0], [1], [0, 0, 1, 1], [], []>, transpose_lhs_hint = false} : vector<4096x128xf32>, vector<128x128xf32>, vector<4096x128xf32> -> vector<4096x128xf32>
    %reshape3A = vector.shape_cast %select_n3A : vector<4096xf32> to vector<4096x1xf32>
    %mul3A = vector.broadcast %reshape3A : vector<4096x1xf32> to vector<4096x128xf32>
    %mul3A_14 = arith.mulf %dot_general3A_13, %mul3A : vector<4096x128xf32>
    %swap3A = arith.constant 0 : index
    %swap3A_15 = arith.constant 0 : index
    %swap3A_16 = vector.load %arg5[%swap3A, %swap3A_15] : memref<4096x128xf32, #tpu.memory_space<vmem>>, vector<4096x128xf32>
    tpu.vector_store %arg5[%swap3A, %swap3A_15], %mul3A_14 {strides = array<i32>} : memref<4096x128xf32, #tpu.memory_space<vmem>>, vector<4096x128xf32>,
    return
  }
  func.func @transform_0(%arg0: i32) -> (i32, i32) {
    %c0_i32 = arith.constant 0 : i32
    %c0_i32_0 = arith.constant 0 : i32
    return %arg0, %c0_i32 : i32, i32
  }
  func.func @transform_1(%arg0: i32) -> (i32, i32) {
    %c0_i32 = arith.constant 0 : i32
    %c0_i32_0 = arith.constant 0 : i32
    %c0_i32_1 = arith.constant 0 : i32
    return %c0_i32, %c0_i32_0 : i32, i32
  }
  func.func @transform_2(%arg0: i32) -> i32 {
    %c0_i32 = arith.constant 0 : i32
    return %arg0 : i32
  }
  func.func @transform_3(%arg0: i32) -> i32 {
    %c0_i32 = arith.constant 0 : i32
    return %arg0 : i32
  }
  func.func @transform_4(%arg0: i32) -> (i32, i32) {
    %c0_i32 = arith.constant 0 : i32
    %c0_i32_0 = arith.constant 0 : i32
    return %arg0, %c0_i32 : i32, i32
  }
}

</mosaic_0001>

<sc_bundles>
// kernel: kernel.6.cloned.1.call-start
scs
__scs_entry_jumppad:
0x0: {  	(pc) =	sbr.rel $0x88, $3  }
0x1: {  	(tag) =	ssettag $0x0;
	lr =	simm.s32 $0x1  }
0x2: {  	[smem:$0x3F9D] =	sst lr;
	_ =	strace $0xD0000000  }
0x3: {  	_ = 	snop  }
0x4: {  	_ = 	snop  }
0x5: {  	_ = 	snop  }
0x6: {  	_ = 	snop  }
0x7: {  	_ = 	snop  }
__scs_overlays_trampoline_lowered:
0x8: {  	[smem:$0x3FAC] =	sst s0  }
0x9: {  	[smem:$0x3FAD] =	sst s1  }
0xa: {  	[smem:$0x3FAE] =	sst s2  }
0xb: {  	[smem:$0x3FAF] =	sst s3  }
0xc: {  	[smem:$0x3FB0] =	sst s4  }
0xd: {  	[smem:$0x3FB1] =	sst s5  }
0xe: {  	[smem:$0x3FB2] =	sst s6  }
0xf: {  	[smem:$0x3FB3] =	sst s7  }
0x10: {  	[smem:$0x3FB4] =	sst s8  }
0x11: {  	[smem:$0x3FB5] =	sst s9;
	s0 =	simm.s32 @!p0 $0x0  }
0x12: {  	s1 =	sld [smem:$0x3F9B];
	s0 =	simm.s32 @p0 $0x1  }
0x13: {  	[smem:$0x3FB6] =	sst s0;
	s0 =	simm.s32 @!p1 $0x0  }
0x14: {  	s2 =	sld [smem:$0x3F9A];
	s0 =	simm.s32 @p1 $0x1  }
0x15: {  	[smem:$0x3FB7] =	sst s0;
	s0 =	simm.s32 @!p2 $0x0  }
0x16: {  	s3 =	sld [smem:$0x3FDB];
	s0 =	simm.s32 @p2 $0x1  }
0x17: {  	s4 =	simm.s32 $0x1BF5;
	[smem:$0x3FB9] =	sst s0  }
0x18: {  	s0 =	sld [smem:$0x3F9C];
	_ =	swait.ge [sflag:s4], $0x0  }
0x19: {  	s7 =	sld [smem:$0x3F9D]  }
0x1a: {  	s8 =	sadd.s32 $0xFFFFE003, lr  }
0x1b: {  	s9 =	sadd.s32 $0xFFFFFEF7, lr;
	s5 =	simm.s32 $0xFFFFFFFF;
	p2 =	slt.u32 s8, $0xFFFFF086  }
0x1c: {  	p1 =	slt.u32 s9, $0xF7A;
	s5 =	simm.s32 @!p2 $0x0  }
0x1d: {  	s5 =	simm.s32 @p1 $0x1;
	p0 =	seq.s32 s7, s2  }
0x1e: {  	s7 =	smul.u32 @!p0 $0xF7A, s2;
	p2 =	seq.s32 @!p0 s5, $0x0  }
0x1f: {  	s9 =	smul.u32 $0xF7A, s1;
	s8 =	simm.s32 @!p0 $0x1BF5;
	p2 =	por !p2, p0  }
0x20: {  	[sflag:s8] =	ssyncset.s32 @!p0 $0xFFFFF086;
	s6 =	sadd.s32 @!p0 s3, s7;
	s7 =	simm.s32 @!p0 $0x108  }
0x21: {  	s3 =	sadd.s32 s3, s9;
	s6 =	sadd.s32 @!p0 $0x88, s6;
	s7 =	simm.s32 @p2 $0x1082  }
0x22: {  	[simem:s7], [sflag:s8] =	dma.local @!p0 [hbm:s6], $0xF7A  }
0x23: {  	s9 =	sor.u32 $0xD0000000, s2;
	s6 =	simm.s32 $0x108;
	_ =	swait.ge @!p0 [sflag:s8], $0x0  }
0x24: {  	s3 =	sadd.s32 $0x88, s3;
	s6 =	simm.s32 @!p1 $0x1082;
	[sflag:s4] =	ssyncset.s32 $0xFFFFF086  }
0x25: {  	[simem:s6], [sflag:s4] =	dma.local [hbm:s3], $0xF7A  }
0x26: {  	[smem:$0x3F9D] =	sst s1;
	(tag) =	ssettag s2;
	_ =	strace s9  }
0x27: {  	s1 =	sld [smem:$0x3FAD]  }
0x28: {  	s2 =	sld [smem:$0x3FAE]  }
0x29: {  	s4 =	sld [smem:$0x3FB0]  }
0x2a: {  	p0 =	seq.s32 s5, $0x0;
	s5 =	sld [smem:$0x3FB1]  }
0x2b: {  	s6 =	sld [smem:$0x3FB2]  }
0x2c: {  	s7 =	sld [smem:$0x3FB3]  }
0x2d: {  	s3 =	simm.s32 $0x108;
	s8 =	sld [smem:$0x3FB4]  }
0x2e: {  	s3 =	simm.s32 @!p0 $0x1082;
	s9 =	sld [smem:$0x3FB5]  }
0x2f: {  	lr =	sadd.s32 s0, s3;
	s0 =	sld [smem:$0x3FAC]  }
0x30: {  	s3 =	sld [smem:$0x3FAF]  }
0x31: {  	[smem:$0x3FB8] =	sst s10  }
0x32: {  	s10 =	sld [smem:$0x3FB6];
	_ =	sdelay $0x3  }
0x33: {  	p0 =	seq.s32 s10, $0x1;
	s10 =	sld [smem:$0x3FB8];
	_ =	sdelay $0x3  }
0x34: {  	[smem:$0x3FB8] =	sst s10  }
0x35: {  	s10 =	sld [smem:$0x3FB7];
	_ =	sdelay $0x3  }
0x36: {  	p1 =	seq.s32 s10, $0x1;
	s10 =	sld [smem:$0x3FB8];
	_ =	sdelay $0x3  }
0x37: {  	[smem:$0x3FB8] =	sst s10  }
0x38: {  	s10 =	sld [smem:$0x3FB9]  }
0x39: {  	_ = 	snop;
	(pc) =	sbr.ind lr, $3  }
0x3a: {  	_ = 	snop  }
0x3b: {  	_ = 	snop  }
0x3c: {  	p2 =	seq.s32 s10, $0x1;
	s10 =	sld [smem:$0x3FB8]  }
0x3d: {  	_ =	shalt  }
0x3e: {  	_ =	shalt  }
0x3f: {  	_ =	shalt  }
0x40: {  	_ =	shalt  }
0x41: {  	_ =	shalt  }
0x42: {  	_ =	shalt  }
0x43: {  	_ =	shalt  }
0x44: {  	_ =	shalt  }
0x45: {  	_ =	shalt  }
0x46: {  	_ =	shalt  }
0x47: {  	_ =	shalt  }
0x48: {  	_ =	shalt  }
0x49: {  	_ =	shalt  }
0x4a: {  	_ =	shalt  }
0x4b: {  	_ =	shalt  }
0x4c: {  	_ =	shalt  }
0x4d: {  	_ =	shalt  }
0x4e: {  	_ =	shalt  }
0x4f: {  	_ =	shalt  }
0x50: {  	_ =	shalt  }
0x51: {  	_ =	shalt  }
0x52: {  	_ =	shalt  }
0x53: {  	_ =	shalt  }
0x54: {  	_ =	shalt  }
0x55: {  	_ =	shalt  }
0x56: {  	_ =	shalt  }
0x57: {  	_ =	shalt  }
0x58: {  	_ =	shalt  }
0x59: {  	_ =	shalt  }
0x5a: {  	_ =	shalt  }
0x5b: {  	_ =	shalt  }
0x5c: {  	_ =	shalt  }
0x5d: {  	_ =	shalt  }
0x5e: {  	_ =	shalt  }
0x5f: {  	_ =	shalt  }
0x60: {  	_ =	shalt  }
0x61: {  	_ =	shalt  }
0x62: {  	_ =	shalt  }
0x63: {  	_ =	shalt  }
0x64: {  	_ =	shalt  }
0x65: {  	_ =	shalt  }
0x66: {  	_ =	shalt  }
0x67: {  	_ =	shalt  }
0x68: {  	_ =	shalt  }
0x69: {  	_ =	shalt  }
0x6a: {  	_ =	shalt  }
0x6b: {  	_ =	shalt  }
0x6c: {  	_ =	shalt  }
0x6d: {  	_ =	shalt  }
0x6e: {  	_ =	shalt  }
0x6f: {  	_ =	shalt  }
0x70: {  	_ =	shalt  }
0x71: {  	_ =	shalt  }
0x72: {  	_ =	shalt  }
0x73: {  	_ =	shalt  }
0x74: {  	_ =	shalt  }
0x75: {  	_ =	shalt  }
0x76: {  	_ =	shalt  }
0x77: {  	_ =	shalt  }
0x78: {  	_ =	shalt  }
0x79: {  	_ =	shalt  }
0x7a: {  	_ =	shalt  }
0x7b: {  	_ =	shalt  }
0x7c: {  	_ =	shalt  }
0x7d: {  	_ =	shalt  }
0x7e: {  	_ =	shalt  }
0x7f: {  	_ =	shalt  }
0x80: {  	_ =	shalt  }
0x81: {  	_ =	shalt  }
0x82: {  	_ =	shalt  }
0x83: {  	_ =	shalt  }
0x84: {  	_ =	shalt  }
0x85: {  	_ =	shalt  }
0x86: {  	_ =	shalt  }
0x87: {  	_ =	shalt  }
.Lfunc_end0:
.L_simem_size_0:
called_computation_lowered:
.L_overlay_start_0:
0x88: {  	s2 =	sld [smem:$0x3FD9]  }
0x89: {  	s3 =	sld [smem:$0x3FFE];
	_ =	sdelay $0x1  }
0x8a: {  	s1 =	srdreg.scid  }
0x8b: {  	s0 =	sand.u32 $0x1, s1  }
0x8c: {  	s17 =	sshll.u32 s0, $0xA;
	s2 =	sadd.s32 s3, s2  }
0x8d: {  	s2 =	sadd.s32 s2, s17  }
0x8e: {  	[smem:$0x3FC4] =	sst s2  }
0x8f: {  	_ = 	snop  }
0x90: {  	s2 =	sld [smem:$0x3FC8]  }
0x91: {  	s18 =	sld [smem:$0x3FD0];
	(tm) =	ssettm $0x1  }
0x92: {  	s4 =	sld [smem:$0x3FFB];
	_ =	sdelay $0x3  }
0x93: {  	_ =	strace s4  }
0x94: {  	s4 =	sld [smem:$0x3FFC];
	_ =	sdelay $0x3  }
0x95: {  	_ =	strace s4  }
0x96: {  	s4 =	sld [smem:$0x3FFD];
	_ =	sdelay $0x3  }
0x97: {  	_ =	strace s4  }
0x98: {  	_ =	strace $0x8FFFFFFF  }
0x99: {  	s19 =	sld [smem:$0x3FDB];
	_ =	sdelay $0x1  }
0x9a: {  	s5 =	simm.s32 $_scs_section_size  }
0x9b: {  	s6 =	simm.s32 $_size__tile_overlayer_lowered;
	s7 =	simm.s32 $_tile_overlayer_lowered  }
0x9c: {  	s22 =	simm.s32 $0x1BFF;
	s21 =	sshll.u32 s7, $0x1;
	s4 =	sadd.s32 s5, s19  }
0x9d: {  	s8 =	simm.s32 $0x0;
	s20 =	sshll.u32 s6, $0x1;
	s6 =	sadd.s32 s21, s4  }
0x9e: {  	[timem:s8], [sflag:s22] =	dma.local [hbm:s6], s20  }
0x9f: {  	_ =	swait.ge [sflag:s22], s20  }
0xa0: {  	s5 =	ssub.s32 $0x0, s20;
	[sflag:s22] =	ssyncset.done $0x0  }
0xa1: {  	[sflag:s22] =	ssyncadd.s32 s5;
	_ =	sdelay $0x1  }
0xa2: {  	s23 =	simm.s32 $0x1B8B  }
0xa3: {  	_ =	swait.ge [sflag:s23], $0x1  }
0xa4: {  	[sflag:s23] =	ssyncset.done $0x0  }
0xa5: {  	s25 =	simm.s32 $0x1B8E;
	s24 =	sld [smem:$0x3FFE];
	[sflag:s23] =	ssyncadd.s32 $0xFFFFFFFF  }
0xa6: {  	s26 =	simm.s32 $execute0_lowered;
	[smem:$0x3FD2] =	sst s25  }
0xa7: {  	s6 =	sshll.u32 s26, $0x1;
	_ =	strace $0x80000046;
	[dreg:$0x1] =	wrdreg $0xFFFFFFFF  }
0xa8: {  	s28 =	simm.s32 $_size_execute0_lowered;
	s4 =	sadd.s32 s4, s6;
	[dreg:$0x0] =	wrdreg $0x0  }
0xa9: {  	s6 =	sshll.u32 s28, $0x1;
	[dreg:$0x2] =	wrdreg s4  }
0xaa: {  	[dreg:$0x3] =	wrdreg s6  }
0xab: {  	[dreg:$0x4] =	wrdreg $0xC0  }
0xac: {  	_ =	task [dreg:s8], $0x5FFFF  }
0xad: {  	[dreg:$0x1] =	wrdreg $0xFFFFFFFF  }
0xae: {  	[dreg:$0x0] =	wrdreg $0x60  }
0xaf: {  	[dreg:$0x2] =	wrdreg s2  }
0xb0: {  	[dreg:$0x3] =	wrdreg s18  }
0xb1: {  	[dreg:$0x4] =	wrdreg s24  }
0xb2: {  	[dreg:$0x5] =	wrdreg $0x2C000  }
0xb3: {  	[dreg:$0x6] =	wrdreg $0x9  }
0xb4: {  	_ =	task.clear_ibuf [dreg:s8], $0x7FFFF;
	_ =	strace $0x90000046  }
0xb5: {  	s29 =	simm.s32 $0x9;
	_ =	strace $0x80000048  }
0xb6: {  	_ =	swait.ge [sflag:s29], $0x1  }
0xb7: {  	[sflag:s29] =	ssyncadd.s32 $0xFFFFFFFF  }
0xb8: {  	_ =	strace $0x90000048  }
0xb9: {  	_ =	sfence  }
0xba: {  	s30 =	sld [smem:$0x0];
	_ =	sdelay $0x2  }
0xbb: {  	s31 =	sshll.u32 s1, $0xD;
	s1 =	sshrl.u32 s1, $0x2  }
0xbc: {  	s3 =	sand.u32 $0x4000, s31;
	s1 =	sadd.s32 s1, s30  }
0xbd: {  	s0 =	sor.u32 s3, s0;
	s1 =	sshll.u32 s1, $0x11  }
0xbe: {  	s0 =	sor.u32 s1, s0  }
0xbf: {  	s0 =	sadd.s32 $0x8F2B, s0  }
0xc0: {  	[sflag:s0] =	ssyncadd.remote.s32 $0x1  }
0xc1: {  	_ =	sfence.sel $0xFFFF  }
0xc2: {  	[dreg:$0x0] =	wrdreg $0xFFFFFFFF;
	(pc) =	sbr.abs _section_cstart, $3  }
0xc3: {  	[dreg:$0x1] =	wrdreg $0xFFFFFFFF  }
0xc4: {  	_ =	task.clear_ibuf [dreg:s8], $0x2FFFF;
	_ =	strace $0x9FFFFFFF  }
0xc5: {  	(tm) =	ssettm $0x7FFFFFFF  }
tec
execute0_lowered:
.L_overlay_start_1:
0x0: {  	(tag) =	ssettag $0x1  }
0x1: {  	s8 =	rddreg [dreg:$0x0]  }
0x2: {  	s7 =	rddreg [dreg:$0x1]  }
0x3: {  	s3 =	rddreg [dreg:$0x2]  }
0x4: {  	s1 =	rddreg [dreg:$0x3]  }
0x5: {  	s0 =	rddreg [dreg:$0x4];
	s2 =	simm.s32 $0x0  }
0x6: {  	s4 =	srdreg.scid;
	s14 =	simm.s32 $0x2B00;
	s15 =	simm.s32 $0x10  }
0x7: {  	s16 =	simm.s32 $0x2B80;
	s17 =	simm.s32 $0x0;
	[smem:$0x7FF] =	sst s2  }
0x8: {  	s6 =	sadd.s32 $0x2000, s3;
	s3 =	stileid.u32;
	s9 =	sand.u32 $0x1, s4  }
0x9: {  	_ =	strace $0x80000047;
	s4 =	ssub.s32 $0x2, s9;
	s11 =	smul.u32 $0x280, s3  }
0xa: {  	s5 =	sshll.u32 s3, $0x2;
	s10 =	sshll.u32 s9, $0x1;
	s28 =	smul.u32 $0x4E00, s3  }
0xb: {  	s12 =	sshll.u32 s3, $0x3;
	s29 =	smul.u32 $0x2700, s9;
	p0 =	seq.s32 s9, $0x1  }
0xc: {  	s5 =	sor.u32 s10, s5;
	s26 =	sand.u32 $0x60, s12;
	s13 =	sshrl.u32 s4, $0x1  }
0xd: {  	s7 =	smov.u32 @p0 s6;
	s10 =	simm.s32 $0x2;
	s12 =	simm.s32 $0x80  }
0xe: {  	s5 =	sand.u32 $0xE, s5;
	s13 =	ssub.s32 s4, s13;
	s4 =	sadd.s32 s11, s1  }
0xf: {  	s30 =	sadd.s32 s29, s28;
	s31 =	sshrl.u32 s11, $0x3;
	s11 =	simm.s32 $0x1  }
0x10: {  	s5 =	sor.u32 s5, s26;
	s9 =	sshrl.u32 s30, $0x2;
	s6 =	smax.u32 s13, $0x1  }
0x11: {  	s7 =	sadd.s32 s7, s31;
	s13 =	simm.s32 $0x2800;
	s5 =	sadd.s32 s5, s8  }
0x12: {  	v0 =	vimm.f32 $1.000000000e+00;
	v1 =	vimm.f32 $0.0e+00;
	s8 =	sadd.s32 s9, s8;
	s9 =	simm.s32 $0x2880;
	s5 =	sadd.s32 $0x13810, s5  }
.LBB2_1:
0x13: {  	s18 =	simm.s32 $0x30  }
0x14: {  	s21 =	sadd.s32 $0x10, s8;
	s19 =	simm.s32 $0x80;
	s20 =	simm.s32 $0x0  }
.LBB2_2:
0x15: {  	[tilespmem:s20], [sflag:$0x1] =	stream.linear.gather [hbm4b:s21+s2], $0x80, $0x38;
	[tilespmem:$0x2E80] =	vst v63  }
0x16: {  	s21 =	smov.u32 s18;
	s20 =	smov.u32 s19;
	p0 =	sne.s32 s18, $0x9B0  }
.Ltmp0:
0x17: {  	s18 =	sadd.s32 $0x20, s18;
	(pc) =	sbr.rel @p0 .LBB2_2-.Ltmp0, $2  }
0x18: {  	_ =	sdelay $0x2  }
0x19: {  	s19 =	sadd.s32 $0x80, s19;
	s21 =	sadd.s32 s21, s8  }
0x1a: {  	[tilespmem:s20], [sflag:$0x1] =	stream.linear.gather [hbm4b:s21+s2], $0x80, $0x38;
	[tilespmem:$0x2E80] =	vst v63  }
0x1b: {  	[tilespmem:$0x2800] =	vst v0  }
0x1c: {  	[tilespmem:$0x2810] =	vst v0  }
0x1d: {  	[tilespmem:$0x2820] =	vst v0  }
0x1e: {  	[tilespmem:$0x2830] =	vst v0  }
0x1f: {  	[tilespmem:$0x2840] =	vst v0  }
0x20: {  	[tilespmem:$0x2850] =	vst v0  }
0x21: {  	[tilespmem:$0x2860] =	vst v0  }
0x22: {  	[tilespmem:$0x2870] =	vst v0  }
0x23: {  	[tilespmem:$0x2880] =	vst v1  }
0x24: {  	[tilespmem:$0x2890] =	vst v1  }
0x25: {  	[tilespmem:$0x28A0] =	vst v1  }
0x26: {  	[tilespmem:$0x28B0] =	vst v1  }
0x27: {  	[tilespmem:$0x28C0] =	vst v1  }
0x28: {  	[tilespmem:$0x28D0] =	vst v1  }
0x29: {  	[tilespmem:$0x28E0] =	vst v1  }
0x2a: {  	[tilespmem:$0x28F0] =	vst v1  }
0x2b: {  	[tilespmem:$0x2900] =	vst v1  }
0x2c: {  	[tilespmem:$0x2910] =	vst v1  }
0x2d: {  	[tilespmem:$0x2920] =	vst v1  }
0x2e: {  	[tilespmem:$0x2930] =	vst v1  }
0x2f: {  	[tilespmem:$0x2940] =	vst v1  }
0x30: {  	[tilespmem:$0x2950] =	vst v1  }
0x31: {  	[tilespmem:$0x2960] =	vst v1  }
0x32: {  	[tilespmem:$0x2970] =	vst v1  }
0x33: {  	[tilespmem:$0x2980] =	vst v1  }
0x34: {  	[tilespmem:$0x2990] =	vst v1  }
0x35: {  	[tilespmem:$0x29A0] =	vst v1  }
0x36: {  	[tilespmem:$0x29B0] =	vst v1  }
0x37: {  	[tilespmem:$0x29C0] =	vst v1  }
0x38: {  	[tilespmem:$0x29D0] =	vst v1  }
0x39: {  	[tilespmem:$0x29E0] =	vst v1  }
0x3a: {  	[tilespmem:$0x29F0] =	vst v1  }
0x3b: {  	[tilespmem:$0x2A00] =	vst v1  }
0x3c: {  	[tilespmem:$0x2A10] =	vst v1  }
0x3d: {  	[tilespmem:$0x2A20] =	vst v1  }
0x3e: {  	[tilespmem:$0x2A30] =	vst v1  }
0x3f: {  	[tilespmem:$0x2A40] =	vst v1  }
0x40: {  	[tilespmem:$0x2A50] =	vst v1  }
0x41: {  	[tilespmem:$0x2A60] =	vst v1  }
0x42: {  	[tilespmem:$0x2A70] =	vst v1  }
0x43: {  	[tilespmem:$0x2A80] =	vst v1  }
0x44: {  	[tilespmem:$0x2A90] =	vst v1  }
0x45: {  	[tilespmem:$0x2AA0] =	vst v1  }
0x46: {  	[tilespmem:$0x2AB0] =	vst v1  }
0x47: {  	[tilespmem:$0x2AC0] =	vst v1  }
0x48: {  	[tilespmem:$0x2AD0] =	vst v1  }
0x49: {  	[tilespmem:$0x2AE0] =	vst v1  }
0x4a: {  	[tilespmem:$0x2AF0] =	vst v1  }
0x4b: {  	[spmem:s4] =	stream.linear.scatter [tilespmem:s9], [sflag:$0x2], $0x280, $0x38;
	[tilespmem:$0x2E80] =	vst v63  }
0x4c: {  	_ =	swait.ge [sflag:s10], $0x280  }
0x4d: {  	[sflag:s10] =	ssyncset.done $0x0  }
0x4e: {  	[sflag:s10] =	ssyncadd.s32 $0xFFFFFD80  }
0x4f: {  	s18 =	simm.s32 $0x4E;
	[bflag:$0x0] =	sbarrier.arrive $0xFFFF  }
.LBB2_4:
0x50: {  	p0 =	sne.s32 s18, $0x1  }
.Ltmp1:
0x51: {  	_ = 	snop;
	(pc) =	sbr.rel @p0 .LBB2_4-.Ltmp1, $4  }
0x52: {  	_ = 	snop  }
0x53: {  	_ =	swait.ge [sflag:s11], $0x80  }
0x54: {  	[sflag:s11] =	ssyncset.done $0x0  }
0x55: {  	s18 =	sadd.s32 $0xFFFFFFFF, s18;
	[sflag:s11] =	ssyncadd.s32 $0xFFFFFF80  }
0x56: {  	s18 =	simm.s32 $0x0  }
.LBB2_6:
0x57: {  	p0 =	sne.s32 s18, $0x9A00  }
.Ltmp2:
0x58: {  	_ = 	snop;
	(pc) =	sbr.rel @p0 .LBB2_6-.Ltmp2, $3  }
0x59: {  	_ =	sdelay $0x1  }
0x5a: {  	s19 =	sshra.s32 s18, $0x2;
	s18 =	sadd.s32 $0x200, s18  }
0x5b: {  	[spmem:s1] =	stream.indirect.scatter.add.f32 [tilespmem:s13], [sflag:$0x1], $0x1, s19, s12, $0xb8;
	[tilespmem:$0x2E80] =	vst v63  }
0x5c: {  	_ =	swait.ge [sflag:s11], $0x80  }
0x5d: {  	s18 =	simm.s32 $0x4D;
	[sflag:s11] =	ssyncset.done $0x0  }
.LBB2_8:
0x5e: {  	p0 =	sne.s32 s18, $0x1;
	s18 =	sadd.s32 $0xFFFFFFFF, s18;
	[sflag:s11] =	ssyncadd.s32 $0xFFFFFF80  }
.Ltmp3:
0x5f: {  	(pc) =	sbr.rel @p0 .LBB2_8-.Ltmp3, $3  }
0x60: {  	_ =	sdelay $0x1  }
0x61: {  	_ =	swait.ge [sflag:s11], $0x80  }
0x62: {  	[sflag:s11] =	ssyncset.done $0x0  }
0x63: {  	[sflag:s11] =	ssyncadd.s32 $0xFFFFFF80  }
0x64: {  	[tilespmem:$0x2B80] =	vst v0  }
0x65: {  	[tilespmem:s14], [sflag:$0x2] =	stream.linear.gather [hbm4b:s5+s2], $0x10, $0x38;
	[tilespmem:$0x2E80] =	vst v63  }
0x66: {  	_ =	swait.ge [sflag:s10], $0x10  }
0x67: {  	[sflag:s10] =	ssyncset.done $0x0  }
0x68: {  	[sflag:s10] =	ssyncadd.s32 $0xFFFFFFF0  }
0x69: {  	[spmem:s1] =	stream.indirect.scatter.add.f32 [tilespmem:s16], [sflag:$0x2], $0x1, s14, s15, $0xb8;
	[tilespmem:$0x2E80] =	vst v63  }
0x6a: {  	_ =	swait.ge [sflag:s10], $0x10  }
0x6b: {  	[sflag:s10] =	ssyncset.done $0x0  }
0x6c: {  	[sflag:s10] =	ssyncadd.s32 $0xFFFFFFF0  }
0x6d: {  	[bflag:$0x0] =	sbarrier.arrive $0xFFFF  }
0x6e: {  	[tilespmem:s9], [sflag:$0x2] =	stream.linear.gather [spmem:s4], $0x280, $0x38;
	[tilespmem:$0x2E80] =	vst v63  }
0x6f: {  	s17 =	sadd.s32 $0x1, s17;
	_ =	swait.ge [sflag:s10], $0x280  }
0x70: {  	p0 =	sne.s32 s17, s6;
	[sflag:s10] =	ssyncset.done $0x0  }
.Ltmp4:
0x71: {  	[sflag:s10] =	ssyncadd.s32 $0xFFFFFD80;
	(pc) =	sbr.rel @p0 .LBB2_1-.Ltmp4, $4  }
0x72: {  	[hbm4b:s7+s2] =	stream.linear.scatter [tilespmem:s9], [sflag:$0x2], $0x280, $0x38;
	[tilespmem:$0x2E80] =	vst v63  }
0x73: {  	_ =	swait.ge [sflag:s10], $0x280  }
0x74: {  	[sflag:s10] =	ssyncset.done $0x0  }
0x75: {  	[sflag:s10] =	ssyncadd.s32 $0xFFFFFD80  }
0x76: {  	_ =	sfence.sel $0x180000  }
0x77: {  	[bflag:$0x0] =	sbarrier.arrive $0xFFFF  }
0x78: {  	p0 =	sne.s32 s3, $0x0;
	_ =	strace $0x90000047  }
0x79: {  	s0 =	sadd.s32 @!p0 $0x100000, s0;
	[bflag:$0x2] =	sbarrier.arrive $0xFFFF  }
0x7a: {  	[sflag:s0] =	ssyncadd.tile.s32 @!p0 $0x1;
	_ =	shalt  }
.Lfunc_end2:
_tile_overlayer_lowered:
.L_overlay_start_2:
0x7b: {  	(tag) =	ssettag $0x2  }
0x7c: {  	s0 =	rddreg [dreg:$0x0];
	s2 =	stileid.u32  }
0x7d: {  	s1 =	rddreg [dreg:$0x1];
	p0 =	sne.s32 s2, $0x0  }
0x7e: {  	s3 =	rddreg [dreg:$0x2];
	[bflag:$0x3] =	sbarrier.arrive $0xFFFF;
	s2 =	simm.s32 @!p0 $0x1C02  }
0x7f: {  	[timem:s3], [sflag:s2] =	dma.local @!p0 [hbm:s0], s1  }
0x80: {  	s0 =	simm.s32 @!p0 $0x2  }
0x81: {  	_ =	swait.ge @!p0 [sflag:s0], s1  }
0x82: {  	s1 =	ssub.s32 @!p0 $0x0, s1;
	[sflag:s0] =	ssyncset.done @!p0 $0x0  }
0x83: {  	[sflag:s0] =	ssyncadd.s32 @!p0 s1  }
0x84: {  	[bflag:$0x3] =	sbarrier.arrive $0xFFFF  }
0x85: {  	_ =	shalt  }

// kernel: kernel.9.cloned.1.call-start
scs
__scs_entry_jumppad:
0x0: {  	(pc) =	sbr.rel $0x88, $3  }
0x1: {  	(tag) =	ssettag $0x0;
	lr =	simm.s32 $0x1  }
0x2: {  	[smem:$0x3F9D] =	sst lr;
	_ =	strace $0xD0000000  }
0x3: {  	_ = 	snop  }
0x4: {  	_ = 	snop  }
0x5: {  	_ = 	snop  }
0x6: {  	_ = 	snop  }
0x7: {  	_ = 	snop  }
__scs_overlays_trampoline_lowered:
0x8: {  	[smem:$0x3FAC] =	sst s0  }
0x9: {  	[smem:$0x3FAD] =	sst s1  }
0xa: {  	[smem:$0x3FAE] =	sst s2  }
0xb: {  	[smem:$0x3FAF] =	sst s3  }
0xc: {  	[smem:$0x3FB0] =	sst s4  }
0xd: {  	[smem:$0x3FB1] =	sst s5  }
0xe: {  	[smem:$0x3FB2] =	sst s6  }
0xf: {  	[smem:$0x3FB3] =	sst s7  }
0x10: {  	[smem:$0x3FB4] =	sst s8  }
0x11: {  	[smem:$0x3FB5] =	sst s9;
	s0 =	simm.s32 @!p0 $0x0  }
0x12: {  	s1 =	sld [smem:$0x3F9B];
	s0 =	simm.s32 @p0 $0x1  }
0x13: {  	[smem:$0x3FB6] =	sst s0;
	s0 =	simm.s32 @!p1 $0x0  }
0x14: {  	s2 =	sld [smem:$0x3F9A];
	s0 =	simm.s32 @p1 $0x1  }
0x15: {  	[smem:$0x3FB7] =	sst s0;
	s0 =	simm.s32 @!p2 $0x0  }
0x16: {  	s3 =	sld [smem:$0x3FDB];
	s0 =	simm.s32 @p2 $0x1  }
0x17: {  	s4 =	simm.s32 $0x1BF5;
	[smem:$0x3FB9] =	sst s0  }
0x18: {  	s0 =	sld [smem:$0x3F9C];
	_ =	swait.ge [sflag:s4], $0x0  }
0x19: {  	s7 =	sld [smem:$0x3F9D]  }
0x1a: {  	s8 =	sadd.s32 $0xFFFFE003, lr  }
0x1b: {  	s9 =	sadd.s32 $0xFFFFFEF7, lr;
	s5 =	simm.s32 $0xFFFFFFFF;
	p2 =	slt.u32 s8, $0xFFFFF086  }
0x1c: {  	p1 =	slt.u32 s9, $0xF7A;
	s5 =	simm.s32 @!p2 $0x0  }
0x1d: {  	s5 =	simm.s32 @p1 $0x1;
	p0 =	seq.s32 s7, s2  }
0x1e: {  	s7 =	smul.u32 @!p0 $0xF7A, s2;
	p2 =	seq.s32 @!p0 s5, $0x0  }
0x1f: {  	s9 =	smul.u32 $0xF7A, s1;
	s8 =	simm.s32 @!p0 $0x1BF5;
	p2 =	por !p2, p0  }
0x20: {  	[sflag:s8] =	ssyncset.s32 @!p0 $0xFFFFF086;
	s6 =	sadd.s32 @!p0 s3, s7;
	s7 =	simm.s32 @!p0 $0x108  }
0x21: {  	s3 =	sadd.s32 s3, s9;
	s6 =	sadd.s32 @!p0 $0x88, s6;
	s7 =	simm.s32 @p2 $0x1082  }
0x22: {  	[simem:s7], [sflag:s8] =	dma.local @!p0 [hbm:s6], $0xF7A  }
0x23: {  	s9 =	sor.u32 $0xD0000000, s2;
	s6 =	simm.s32 $0x108;
	_ =	swait.ge @!p0 [sflag:s8], $0x0  }
0x24: {  	s3 =	sadd.s32 $0x88, s3;
	s6 =	simm.s32 @!p1 $0x1082;
	[sflag:s4] =	ssyncset.s32 $0xFFFFF086  }
0x25: {  	[simem:s6], [sflag:s4] =	dma.local [hbm:s3], $0xF7A  }
0x26: {  	[smem:$0x3F9D] =	sst s1;
	(tag) =	ssettag s2;
	_ =	strace s9  }
0x27: {  	s1 =	sld [smem:$0x3FAD]  }
0x28: {  	s2 =	sld [smem:$0x3FAE]  }
0x29: {  	s4 =	sld [smem:$0x3FB0]  }
0x2a: {  	p0 =	seq.s32 s5, $0x0;
	s5 =	sld [smem:$0x3FB1]  }
0x2b: {  	s6 =	sld [smem:$0x3FB2]  }
0x2c: {  	s7 =	sld [smem:$0x3FB3]  }
0x2d: {  	s3 =	simm.s32 $0x108;
	s8 =	sld [smem:$0x3FB4]  }
0x2e: {  	s3 =	simm.s32 @!p0 $0x1082;
	s9 =	sld [smem:$0x3FB5]  }
0x2f: {  	lr =	sadd.s32 s0, s3;
	s0 =	sld [smem:$0x3FAC]  }
0x30: {  	s3 =	sld [smem:$0x3FAF]  }
0x31: {  	[smem:$0x3FB8] =	sst s10  }
0x32: {  	s10 =	sld [smem:$0x3FB6];
	_ =	sdelay $0x3  }
0x33: {  	p0 =	seq.s32 s10, $0x1;
	s10 =	sld [smem:$0x3FB8];
	_ =	sdelay $0x3  }
0x34: {  	[smem:$0x3FB8] =	sst s10  }
0x35: {  	s10 =	sld [smem:$0x3FB7];
	_ =	sdelay $0x3  }
0x36: {  	p1 =	seq.s32 s10, $0x1;
	s10 =	sld [smem:$0x3FB8];
	_ =	sdelay $0x3  }
0x37: {  	[smem:$0x3FB8] =	sst s10  }
0x38: {  	s10 =	sld [smem:$0x3FB9]  }
0x39: {  	_ = 	snop;
	(pc) =	sbr.ind lr, $3  }
0x3a: {  	_ = 	snop  }
0x3b: {  	_ = 	snop  }
0x3c: {  	p2 =	seq.s32 s10, $0x1;
	s10 =	sld [smem:$0x3FB8]  }
0x3d: {  	_ =	shalt  }
0x3e: {  	_ =	shalt  }
0x3f: {  	_ =	shalt  }
0x40: {  	_ =	shalt  }
0x41: {  	_ =	shalt  }
0x42: {  	_ =	shalt  }
0x43: {  	_ =	shalt  }
0x44: {  	_ =	shalt  }
0x45: {  	_ =	shalt  }
0x46: {  	_ =	shalt  }
0x47: {  	_ =	shalt  }
0x48: {  	_ =	shalt  }
0x49: {  	_ =	shalt  }
0x4a: {  	_ =	shalt  }
0x4b: {  	_ =	shalt  }
0x4c: {  	_ =	shalt  }
0x4d: {  	_ =	shalt  }
0x4e: {  	_ =	shalt  }
0x4f: {  	_ =	shalt  }
0x50: {  	_ =	shalt  }
0x51: {  	_ =	shalt  }
0x52: {  	_ =	shalt  }
0x53: {  	_ =	shalt  }
0x54: {  	_ =	shalt  }
0x55: {  	_ =	shalt  }
0x56: {  	_ =	shalt  }
0x57: {  	_ =	shalt  }
0x58: {  	_ =	shalt  }
0x59: {  	_ =	shalt  }
0x5a: {  	_ =	shalt  }
0x5b: {  	_ =	shalt  }
0x5c: {  	_ =	shalt  }
0x5d: {  	_ =	shalt  }
0x5e: {  	_ =	shalt  }
0x5f: {  	_ =	shalt  }
0x60: {  	_ =	shalt  }
0x61: {  	_ =	shalt  }
0x62: {  	_ =	shalt  }
0x63: {  	_ =	shalt  }
0x64: {  	_ =	shalt  }
0x65: {  	_ =	shalt  }
0x66: {  	_ =	shalt  }
0x67: {  	_ =	shalt  }
0x68: {  	_ =	shalt  }
0x69: {  	_ =	shalt  }
0x6a: {  	_ =	shalt  }
0x6b: {  	_ =	shalt  }
0x6c: {  	_ =	shalt  }
0x6d: {  	_ =	shalt  }
0x6e: {  	_ =	shalt  }
0x6f: {  	_ =	shalt  }
0x70: {  	_ =	shalt  }
0x71: {  	_ =	shalt  }
0x72: {  	_ =	shalt  }
0x73: {  	_ =	shalt  }
0x74: {  	_ =	shalt  }
0x75: {  	_ =	shalt  }
0x76: {  	_ =	shalt  }
0x77: {  	_ =	shalt  }
0x78: {  	_ =	shalt  }
0x79: {  	_ =	shalt  }
0x7a: {  	_ =	shalt  }
0x7b: {  	_ =	shalt  }
0x7c: {  	_ =	shalt  }
0x7d: {  	_ =	shalt  }
0x7e: {  	_ =	shalt  }
0x7f: {  	_ =	shalt  }
0x80: {  	_ =	shalt  }
0x81: {  	_ =	shalt  }
0x82: {  	_ =	shalt  }
0x83: {  	_ =	shalt  }
0x84: {  	_ =	shalt  }
0x85: {  	_ =	shalt  }
0x86: {  	_ =	shalt  }
0x87: {  	_ =	shalt  }
.Lfunc_end0:
.L_simem_size_0:
called_computation.1_lowered:
.L_overlay_start_0:
0x88: {  	s2 =	sld [smem:$0x3FD9]  }
0x89: {  	s3 =	sld [smem:$0x3FFE];
	_ =	sdelay $0x1  }
0x8a: {  	s1 =	srdreg.scid  }
0x8b: {  	s0 =	sand.u32 $0x1, s1  }
0x8c: {  	s17 =	sshll.u32 s0, $0xA;
	s2 =	sadd.s32 s3, s2  }
0x8d: {  	s2 =	sadd.s32 s2, s17  }
0x8e: {  	[smem:$0x3FC4] =	sst s2  }
0x8f: {  	_ = 	snop  }
0x90: {  	s2 =	sld [smem:$0x3FC8]  }
0x91: {  	s18 =	sld [smem:$0x3FD0];
	(tm) =	ssettm $0x1  }
0x92: {  	s4 =	sld [smem:$0x3FFB];
	_ =	sdelay $0x3  }
0x93: {  	_ =	strace s4  }
0x94: {  	s4 =	sld [smem:$0x3FFC];
	_ =	sdelay $0x3  }
0x95: {  	_ =	strace s4  }
0x96: {  	s4 =	sld [smem:$0x3FFD];
	_ =	sdelay $0x3  }
0x97: {  	_ =	strace s4  }
0x98: {  	_ =	strace $0x8FFFFFFF  }
0x99: {  	s19 =	sld [smem:$0x3FDB];
	_ =	sdelay $0x1  }
0x9a: {  	s5 =	simm.s32 $_scs_section_size  }
0x9b: {  	s6 =	simm.s32 $_size__tile_overlayer_lowered;
	s7 =	simm.s32 $_tile_overlayer_lowered  }
0x9c: {  	s22 =	simm.s32 $0x1BFF;
	s21 =	sshll.u32 s7, $0x1;
	s4 =	sadd.s32 s5, s19  }
0x9d: {  	s8 =	simm.s32 $0x0;
	s20 =	sshll.u32 s6, $0x1;
	s6 =	sadd.s32 s21, s4  }
0x9e: {  	[timem:s8], [sflag:s22] =	dma.local [hbm:s6], s20  }
0x9f: {  	_ =	swait.ge [sflag:s22], s20  }
0xa0: {  	s5 =	ssub.s32 $0x0, s20;
	[sflag:s22] =	ssyncset.done $0x0  }
0xa1: {  	[sflag:s22] =	ssyncadd.s32 s5;
	_ =	sdelay $0x1  }
0xa2: {  	s23 =	simm.s32 $0x1B8B  }
0xa3: {  	_ =	swait.ge [sflag:s23], $0x1  }
0xa4: {  	[sflag:s23] =	ssyncset.done $0x0  }
0xa5: {  	s25 =	simm.s32 $0x1B8E;
	s24 =	sld [smem:$0x3FFE];
	[sflag:s23] =	ssyncadd.s32 $0xFFFFFFFF  }
0xa6: {  	s26 =	simm.s32 $execute0_lowered;
	[smem:$0x3FD2] =	sst s25  }
0xa7: {  	s6 =	sshll.u32 s26, $0x1;
	_ =	strace $0x80000049;
	[dreg:$0x1] =	wrdreg $0xFFFFFFFF  }
0xa8: {  	s28 =	simm.s32 $_size_execute0_lowered;
	s4 =	sadd.s32 s4, s6;
	[dreg:$0x0] =	wrdreg $0x0  }
0xa9: {  	s6 =	sshll.u32 s28, $0x1;
	[dreg:$0x2] =	wrdreg s4  }
0xaa: {  	[dreg:$0x3] =	wrdreg s6  }
0xab: {  	[dreg:$0x4] =	wrdreg $0xC0  }
0xac: {  	_ =	task [dreg:s8], $0x5FFFF  }
0xad: {  	[dreg:$0x1] =	wrdreg $0xFFFFFFFF  }
0xae: {  	[dreg:$0x0] =	wrdreg $0x60  }
0xaf: {  	[dreg:$0x2] =	wrdreg s18  }
0xb0: {  	[dreg:$0x3] =	wrdreg s2  }
0xb1: {  	[dreg:$0x4] =	wrdreg s24  }
0xb2: {  	[dreg:$0x5] =	wrdreg $0xB9800  }
0xb3: {  	[dreg:$0x6] =	wrdreg $0x9  }
0xb4: {  	_ =	task.clear_ibuf [dreg:s8], $0x7FFFF;
	_ =	strace $0x90000049  }
0xb5: {  	s29 =	simm.s32 $0x9;
	_ =	strace $0x8000004B  }
0xb6: {  	_ =	swait.ge [sflag:s29], $0x1  }
0xb7: {  	[sflag:s29] =	ssyncadd.s32 $0xFFFFFFFF  }
0xb8: {  	_ =	strace $0x9000004B  }
0xb9: {  	_ =	sfence  }
0xba: {  	s30 =	sld [smem:$0x0];
	_ =	sdelay $0x2  }
0xbb: {  	s31 =	sshll.u32 s1, $0xD;
	s1 =	sshrl.u32 s1, $0x2  }
0xbc: {  	s3 =	sand.u32 $0x4000, s31;
	s1 =	sadd.s32 s1, s30  }
0xbd: {  	s0 =	sor.u32 s3, s0;
	s1 =	sshll.u32 s1, $0x11  }
0xbe: {  	s0 =	sor.u32 s1, s0  }
0xbf: {  	s0 =	sadd.s32 $0x8F2B, s0  }
0xc0: {  	[sflag:s0] =	ssyncadd.remote.s32 $0x1  }
0xc1: {  	_ =	sfence.sel $0xFFFF  }
0xc2: {  	[dreg:$0x0] =	wrdreg $0xFFFFFFFF;
	(pc) =	sbr.abs _section_cstart, $3  }
0xc3: {  	[dreg:$0x1] =	wrdreg $0xFFFFFFFF  }
0xc4: {  	_ =	task.clear_ibuf [dreg:s8], $0x2FFFF;
	_ =	strace $0x9FFFFFFF  }
0xc5: {  	(tm) =	ssettm $0x7FFFFFFF  }
tec
execute0_lowered:
.L_overlay_start_1:
0x0: {  	(tag) =	ssettag $0x1  }
0x1: {  	s0 =	srdreg.scid;
	s3 =	rddreg [dreg:$0x2]  }
0x2: {  	s24 =	stileid.u32;
	s1 =	simm.s32 $0x0;
	s17 =	simm.s32 $0x2000  }
0x3: {  	s2 =	sand.u32 $0x1, s0;
	s5 =	sshll.u32 s24, $0x1;
	[smem:$0x7FF] =	sst s1  }
0x4: {  	s8 =	sshll.u32 s24, $0x3;
	s7 =	smul.u32 $0x280, s24;
	s0 =	ssub.s32 $0x2, s2  }
0x5: {  	s5 =	sor.u32 s2, s5;
	p0 =	seq.s32 s2, $0x0;
	s2 =	smul.u32 $0x2700, s2  }
0x6: {  	s4 =	sshrl.u32 s0, $0x1;
	s6 =	sshll.u32 s5, $0x1;
	s10 =	sadd.s32 $0x80, s7  }
0x7: {  	s12 =	sadd.s32 $0xC0, s7;
	s13 =	sadd.s32 $0x100, s7;
	s18 =	sadd.s32 $0x140, s7  }
0x8: {  	s19 =	sadd.s32 $0x180, s7;
	s21 =	sadd.s32 $0x1C0, s7;
	s17 =	simm.s32 @!p0 $0x2A000  }
0x9: {  	s23 =	sadd.s32 $0x200, s7;
	s0 =	ssub.s32 s0, s4;
	s4 =	smul.u32 $0x9C0, s5  }
0xa: {  	s5 =	sand.u32 $0x60, s8;
	s11 =	sshll.u32 s10, $0x4;
	s3 =	sadd.s32 s17, s3  }
0xb: {  	s6 =	sand.u32 $0xE, s6;
	s14 =	sshll.u32 s12, $0x4;
	s25 =	sadd.s32 s3, s11  }
0xc: {  	s16 =	sshll.u32 s18, $0x4;
	s26 =	sadd.s32 s3, s14;
	[dreg:$0x7] =	wrdreg s25  }
0xd: {  	s22 =	sshll.u32 s21, $0x4;
	s11 =	sadd.s32 s3, s16;
	[dreg:$0x8] =	wrdreg s26  }
0xe: {  	s8 =	smul.u32 $0x2800, s24;
	s16 =	sadd.s32 s3, s22;
	[dreg:$0xa] =	wrdreg s11  }
0xf: {  	s15 =	sshll.u32 s13, $0x4;
	s20 =	sshll.u32 s19, $0x4;
	[dreg:$0xc] =	wrdreg s16  }
0x10: {  	s5 =	sor.u32 s5, s6;
	s6 =	sor.u32 $0x40, s7;
	s11 =	rddreg [dreg:$0x0]  }
0x11: {  	s9 =	sshll.u32 s6, $0x4;
	s8 =	sadd.s32 s3, s8;
	s25 =	rddreg [dreg:$0x1]  }
0x12: {  	s17 =	sshll.u32 s23, $0x4;
	[dreg:$0x5] =	wrdreg s8;
	s9 =	sadd.s32 s3, s9  }
0x13: {  	s7 =	sadd.s32 $0x240, s7;
	[dreg:$0x6] =	wrdreg s9;
	s9 =	sadd.s32 s3, s15  }
0x14: {  	s14 =	smul.u32 $0x4E00, s24;
	s15 =	sadd.s32 s3, s20;
	[dreg:$0x9] =	wrdreg s9  }
0x15: {  	s22 =	sshll.u32 s7, $0x4;
	s20 =	sadd.s32 s3, s17;
	[dreg:$0xb] =	wrdreg s15  }
0x16: {  	s0 =	smax.u32 s0, $0x1;
	s3 =	sadd.s32 s3, s22;
	[dreg:$0xd] =	wrdreg s20  }
0x17: {  	s2 =	sadd.s32 s2, s14;
	s5 =	sadd.s32 s5, s25;
	[dreg:$0xe] =	wrdreg s3  }
0x18: {  	s8 =	sadd.s32 s25, s4;
	s4 =	sadd.s32 $0x13810, s5;
	s15 =	rddreg [dreg:$0x3]  }
0x19: {  	s5 =	sadd.s32 $0x13800, s5;
	_ =	strace $0x8000004A;
	[dreg:$0x10] =	wrdreg s4  }
0x1a: {  	s26 =	smul.u32 $0x50000, s24;
	s2 =	sshrl.u32 s2, $0x2;
	[dreg:$0x11] =	wrdreg s5  }
0x1b: {  	s6 =	sshll.u32 s6, $0x7;
	s16 =	sadd.s32 s2, s25;
	[dreg:$0x1b] =	wrdreg s0  }
0x1c: {  	s9 =	sshll.u32 s10, $0x7;
	s2 =	sadd.s32 s6, s15;
	[dreg:$0xf] =	wrdreg s8  }
0x1d: {  	s10 =	sshll.u32 s12, $0x7;
	s12 =	sadd.s32 s9, s15;
	[dreg:$0x12] =	wrdreg s2  }
0x1e: {  	s22 =	sshll.u32 s18, $0x7;
	s14 =	sadd.s32 s10, s15;
	[dreg:$0x13] =	wrdreg s12  }
0x1f: {  	s24 =	sshll.u32 s19, $0x7;
	s25 =	sadd.s32 s22, s15;
	[dreg:$0x14] =	wrdreg s14  }
0x20: {  	s3 =	sshrl.u32 s26, $0x2;
	s26 =	sadd.s32 s24, s15;
	[dreg:$0x16] =	wrdreg s25  }
0x21: {  	s20 =	sshll.u32 s13, $0x7;
	s9 =	sadd.s32 $0x20, s8;
	[dreg:$0x17] =	wrdreg s26  }
0x22: {  	s4 =	sshll.u32 s23, $0x7;
	s2 =	sadd.s32 s20, s15;
	[dreg:$0x1c] =	wrdreg s9  }
0x23: {  	s5 =	sshll.u32 s7, $0x7;
	s6 =	sadd.s32 s4, s15;
	[dreg:$0x15] =	wrdreg s2  }
0x24: {  	s17 =	sadd.s32 s3, s15;
	s7 =	sadd.s32 s5, s15;
	[dreg:$0x19] =	wrdreg s6  }
0x25: {  	s10 =	sadd.s32 $0x800, s17;
	[dreg:$0x1a] =	wrdreg s7  }
0x26: {  	s12 =	sadd.s32 $0x1000, s17;
	[dreg:$0x1d] =	wrdreg s10  }
0x27: {  	s13 =	sadd.s32 $0x1800, s17;
	[dreg:$0x1e] =	wrdreg s12  }
0x28: {  	s14 =	sadd.s32 $0x2000, s17;
	[dreg:$0x1f] =	wrdreg s13  }
0x29: {  	s18 =	sadd.s32 $0x2800, s17;
	[smem:$0x7DF] =	sst s14  }
0x2a: {  	s19 =	sadd.s32 $0x3000, s17;
	[smem:$0x7E0] =	sst s18  }
0x2b: {  	s20 =	sadd.s32 $0x3800, s17;
	[smem:$0x7E1] =	sst s19  }
0x2c: {  	s3 =	sshll.u32 s21, $0x7;
	s21 =	sadd.s32 $0x4000, s17;
	[smem:$0x7E2] =	sst s20  }
0x2d: {  	s22 =	sadd.s32 $0x4800, s17;
	[smem:$0x7E3] =	sst s21  }
0x2e: {  	s23 =	sadd.s32 $0x5000, s17;
	[smem:$0x7E4] =	sst s22  }
0x2f: {  	s24 =	sadd.s32 $0x5800, s17;
	[smem:$0x7E5] =	sst s23  }
0x30: {  	s25 =	sadd.s32 $0x6000, s17;
	[smem:$0x7E6] =	sst s24  }
0x31: {  	s26 =	sadd.s32 $0x6800, s17;
	[smem:$0x7E7] =	sst s25  }
0x32: {  	s4 =	sadd.s32 $0x8000, s17;
	[smem:$0x7E8] =	sst s26  }
0x33: {  	s5 =	sadd.s32 $0x8800, s17;
	[smem:$0x7EB] =	sst s4  }
0x34: {  	s8 =	sadd.s32 $0xA000, s17;
	[smem:$0x7EC] =	sst s5  }
0x35: {  	s9 =	sadd.s32 $0xA800, s17;
	[smem:$0x7EF] =	sst s8  }
0x36: {  	s2 =	sadd.s32 s3, s15;
	[smem:$0x7F0] =	sst s9  }
0x37: {  	s3 =	sadd.s32 $0x7800, s17;
	[dreg:$0x18] =	wrdreg s2  }
0x38: {  	s6 =	sadd.s32 $0x9000, s17;
	[smem:$0x7EA] =	sst s3  }
0x39: {  	s7 =	sadd.s32 $0x9800, s17;
	[smem:$0x7ED] =	sst s6  }
0x3a: {  	s10 =	sadd.s32 $0xB000, s17;
	[smem:$0x7EE] =	sst s7  }
0x3b: {  	s12 =	sadd.s32 $0xB800, s17;
	[smem:$0x7F1] =	sst s10  }
0x3c: {  	s13 =	sadd.s32 $0xC000, s17;
	[smem:$0x7F2] =	sst s12  }
0x3d: {  	s14 =	sadd.s32 $0xC800, s17;
	[smem:$0x7F3] =	sst s13  }
0x3e: {  	s18 =	sadd.s32 $0xD000, s17;
	[smem:$0x7F4] =	sst s14  }
0x3f: {  	s19 =	sadd.s32 $0xD800, s17;
	[smem:$0x7F5] =	sst s18  }
0x40: {  	s28 =	simm.s32 $0x4;
	s20 =	sadd.s32 $0xE000, s17;
	[smem:$0x7F6] =	sst s19  }
0x41: {  	s29 =	simm.s32 $0x80;
	s21 =	sadd.s32 $0xE800, s17;
	[smem:$0x7F7] =	sst s20  }
0x42: {  	s30 =	simm.s32 $0x6900;
	s22 =	sadd.s32 $0xF000, s17;
	[smem:$0x7F8] =	sst s21  }
0x43: {  	s31 =	simm.s32 $0x2;
	s23 =	sadd.s32 $0xF800, s17;
	[smem:$0x7F9] =	sst s22  }
0x44: {  	s0 =	simm.s32 $0x10;
	s24 =	sadd.s32 $0x10000, s17;
	[smem:$0x7FA] =	sst s23  }
0x45: {  	s25 =	sadd.s32 $0x10800, s17;
	s26 =	sadd.s32 $0x11000, s17;
	[smem:$0x7FB] =	sst s24  }
0x46: {  	s8 =	sadd.s32 $0x11800, s17;
	s9 =	sadd.s32 $0x12000, s17;
	[smem:$0x7FC] =	sst s25  }
0x47: {  	s2 =	sadd.s32 $0x7000, s17;
	[smem:$0x7FD] =	sst s26;
	s10 =	sadd.s32 $0x12800, s17  }
0x48: {  	s12 =	sadd.s32 $0x13000, s17;
	s18 =	sadd.s32 $0x13800, s17;
	s19 =	sadd.s32 $0x60, s16  }
0x49: {  	s14 =	sadd.s32 $0x40, s16;
	s20 =	simm.s32 $0xA900;
	s21 =	simm.s32 $0x1  }
0x4a: {  	s22 =	simm.s32 $0x3;
	s23 =	simm.s32 $0x2800;
	s24 =	simm.s32 $0x5  }
0x4b: {  	s25 =	simm.s32 $0x2880;
	s26 =	simm.s32 $0x2900;
	s13 =	simm.s32 $0xB100  }
0x4c: {  	v0 =	vimm.f32 $0.0e+00;
	s3 =	simm.s32 $0x0;
	[smem:$0x7E9] =	sst s2;
	s2 =	simm.s32 $0xB180  }
.LBB2_1:
0x4d: {  	s4 =	sadd.s32 $0x10, s16;
	s5 =	simm.s32 $0x30;
	s6 =	simm.s32 $0x0  }
0x4e: {  	[tilespmem:s1], [sflag:$0x3] =	stream.linear.gather [hbm4b:s4+s1], $0x80, $0x38;
	[tilespmem:$0x1F980] =	vst v63  }
.LBB2_2:
0x4f: {  	p0 =	sne.s32 s5, $0x9B0  }
.Ltmp0:
0x50: {  	_ = 	snop;
	(pc) =	sbr.rel @p0 .LBB2_2-.Ltmp0, $4  }
0x51: {  	_ = 	snop  }
0x52: {  	s7 =	sadd.s32 s5, s16;
	s6 =	sadd.s32 $0x80, s6  }
0x53: {  	s4 =	simm.s32 $0x0;
	s5 =	sadd.s32 $0x20, s5  }
0x54: {  	[tilespmem:s6], [sflag:$0x3] =	stream.linear.gather [hbm4b:s7+s4], $0x80, $0x38;
	[tilespmem:$0x1F980] =	vst v63  }
0x55: {  	s5 =	sand.u32 $0x1E00, s4  }
0x56: {  	s6 =	sand.u32 $0x70, s4;
	s7 =	sshrl.u32 s5, $0x2  }
0x57: {  	s5 =	simm.s32 $0x40;
	s6 =	sor.u32 s6, s7  }
.LBB2_4:
0x58: {  	p0 =	sne.s32 s5, $0x1FC0  }
0x59: {  	[tilespmem:s6+$0xA900] =	vst v0;
	s4 =	sadd.s32 $0x10, s4;
	s6 =	smov.u32 s5;
	s5 =	sadd.s32 $0x40, s5  }
.Ltmp1:
0x5a: {  	(pc) =	sbr.rel @p0 .LBB2_4-.Ltmp1, $4  }
0x5b: {  	_ = 	snop  }
0x5c: {  	s6 =	sand.u32 $0x1E00, s6  }
0x5d: {  	s7 =	sand.u32 $0x70, s4;
	s6 =	sshrl.u32 s6, $0x2  }
0x5e: {  	s6 =	sor.u32 s7, s6  }
0x5f: {  	[tilespmem:s6+$0xA900] =	vst v0;
	s4 =	rddreg [dreg:$0x1d]  }
0x60: {  	[spmem:s17] =	stream.linear.scatter [tilespmem:s20], [sflag:$0x1], $0x800, $0x38;
	[tilespmem:$0x1F980] =	vst v63  }
0x61: {  	s5 =	rddreg [dreg:$0x1e]  }
0x62: {  	[spmem:s4] =	stream.linear.scatter [tilespmem:s20], [sflag:$0x1], $0x800, $0x38;
	[tilespmem:$0x1F980] =	vst v63  }
0x63: {  	s6 =	rddreg [dreg:$0x1f]  }
0x64: {  	[spmem:s5] =	stream.linear.scatter [tilespmem:s20], [sflag:$0x1], $0x800, $0x38;
	[tilespmem:$0x1F980] =	vst v63  }
0x65: {  	s7 =	sld [smem:$0x7DF]  }
0x66: {  	[spmem:s6] =	stream.linear.scatter [tilespmem:s20], [sflag:$0x1], $0x800, $0x38;
	[tilespmem:$0x1F980] =	vst v63  }
0x67: {  	s5 =	sld [smem:$0x7E0]  }
0x68: {  	[spmem:s7] =	stream.linear.scatter [tilespmem:s20], [sflag:$0x1], $0x800, $0x38;
	[tilespmem:$0x1F980] =	vst v63  }
0x69: {  	s6 =	sld [smem:$0x7E1]  }
0x6a: {  	[spmem:s5] =	stream.linear.scatter [tilespmem:s20], [sflag:$0x1], $0x800, $0x38;
	[tilespmem:$0x1F980] =	vst v63  }
0x6b: {  	s7 =	sld [smem:$0x7E2]  }
0x6c: {  	[spmem:s6] =	stream.linear.scatter [tilespmem:s20], [sflag:$0x1], $0x800, $0x38;
	[tilespmem:$0x1F980] =	vst v63  }
0x6d: {  	s5 =	sld [smem:$0x7E3]  }
0x6e: {  	[spmem:s7] =	stream.linear.scatter [tilespmem:s20], [sflag:$0x1], $0x800, $0x38;
	[tilespmem:$0x1F980] =	vst v63  }
0x6f: {  	s6 =	sld [smem:$0x7E4]  }
0x70: {  	[spmem:s5] =	stream.linear.scatter [tilespmem:s20], [sflag:$0x1], $0x800, $0x38;
	[tilespmem:$0x1F980] =	vst v63  }
0x71: {  	s7 =	sld [smem:$0x7E5]  }
0x72: {  	[spmem:s6] =	stream.linear.scatter [tilespmem:s20], [sflag:$0x1], $0x800, $0x38;
	[tilespmem:$0x1F980] =	vst v63  }
0x73: {  	s5 =	sld [smem:$0x7E6]  }
0x74: {  	[spmem:s7] =	stream.linear.scatter [tilespmem:s20], [sflag:$0x1], $0x800, $0x38;
	[tilespmem:$0x1F980] =	vst v63  }
0x75: {  	s6 =	sld [smem:$0x7E7]  }
0x76: {  	[spmem:s5] =	stream.linear.scatter [tilespmem:s20], [sflag:$0x1], $0x800, $0x38;
	[tilespmem:$0x1F980] =	vst v63  }
0x77: {  	s7 =	sld [smem:$0x7E8]  }
0x78: {  	[spmem:s6] =	stream.linear.scatter [tilespmem:s20], [sflag:$0x1], $0x800, $0x38;
	[tilespmem:$0x1F980] =	vst v63  }
0x79: {  	s5 =	sld [smem:$0x7E9]  }
0x7a: {  	[spmem:s7] =	stream.linear.scatter [tilespmem:s20], [sflag:$0x1], $0x800, $0x38;
	[tilespmem:$0x1F980] =	vst v63  }
0x7b: {  	s6 =	sld [smem:$0x7EA]  }
0x7c: {  	[spmem:s5] =	stream.linear.scatter [tilespmem:s20], [sflag:$0x1], $0x800, $0x38;
	[tilespmem:$0x1F980] =	vst v63  }
0x7d: {  	s7 =	sld [smem:$0x7EB]  }
0x7e: {  	[spmem:s6] =	stream.linear.scatter [tilespmem:s20], [sflag:$0x1], $0x800, $0x38;
	[tilespmem:$0x1F980] =	vst v63  }
0x7f: {  	s5 =	sld [smem:$0x7EC]  }
0x80: {  	[spmem:s7] =	stream.linear.scatter [tilespmem:s20], [sflag:$0x1], $0x800, $0x38;
	[tilespmem:$0x1F980] =	vst v63  }
0x81: {  	s6 =	sld [smem:$0x7ED]  }
0x82: {  	[spmem:s5] =	stream.linear.scatter [tilespmem:s20], [sflag:$0x1], $0x800, $0x38;
	[tilespmem:$0x1F980] =	vst v63  }
0x83: {  	s7 =	sld [smem:$0x7EE]  }
0x84: {  	[spmem:s6] =	stream.linear.scatter [tilespmem:s20], [sflag:$0x1], $0x800, $0x38;
	[tilespmem:$0x1F980] =	vst v63  }
0x85: {  	s5 =	sld [smem:$0x7EF]  }
0x86: {  	[spmem:s7] =	stream.linear.scatter [tilespmem:s20], [sflag:$0x1], $0x800, $0x38;
	[tilespmem:$0x1F980] =	vst v63  }
0x87: {  	s6 =	sld [smem:$0x7F0]  }
0x88: {  	[spmem:s5] =	stream.linear.scatter [tilespmem:s20], [sflag:$0x1], $0x800, $0x38;
	[tilespmem:$0x1F980] =	vst v63  }
0x89: {  	s7 =	sld [smem:$0x7F1]  }
0x8a: {  	[spmem:s6] =	stream.linear.scatter [tilespmem:s20], [sflag:$0x1], $0x800, $0x38;
	[tilespmem:$0x1F980] =	vst v63  }
0x8b: {  	s5 =	sld [smem:$0x7F2]  }
0x8c: {  	[spmem:s7] =	stream.linear.scatter [tilespmem:s20], [sflag:$0x1], $0x800, $0x38;
	[tilespmem:$0x1F980] =	vst v63  }
0x8d: {  	s6 =	sld [smem:$0x7F3]  }
0x8e: {  	[spmem:s5] =	stream.linear.scatter [tilespmem:s20], [sflag:$0x1], $0x800, $0x38;
	[tilespmem:$0x1F980] =	vst v63  }
0x8f: {  	s7 =	sld [smem:$0x7F4]  }
0x90: {  	[spmem:s6] =	stream.linear.scatter [tilespmem:s20], [sflag:$0x1], $0x800, $0x38;
	[tilespmem:$0x1F980] =	vst v63  }
0x91: {  	s5 =	sld [smem:$0x7F5]  }
0x92: {  	[spmem:s7] =	stream.linear.scatter [tilespmem:s20], [sflag:$0x1], $0x800, $0x38;
	[tilespmem:$0x1F980] =	vst v63  }
0x93: {  	s6 =	sld [smem:$0x7F6]  }
0x94: {  	[spmem:s5] =	stream.linear.scatter [tilespmem:s20], [sflag:$0x1], $0x800, $0x38;
	[tilespmem:$0x1F980] =	vst v63  }
0x95: {  	s7 =	sld [smem:$0x7F7]  }
0x96: {  	[spmem:s6] =	stream.linear.scatter [tilespmem:s20], [sflag:$0x1], $0x800, $0x38;
	[tilespmem:$0x1F980] =	vst v63  }
0x97: {  	s5 =	sld [smem:$0x7F8]  }
0x98: {  	[spmem:s7] =	stream.linear.scatter [tilespmem:s20], [sflag:$0x1], $0x800, $0x38;
	[tilespmem:$0x1F980] =	vst v63  }
0x99: {  	s6 =	sld [smem:$0x7F9]  }
0x9a: {  	[spmem:s5] =	stream.linear.scatter [tilespmem:s20], [sflag:$0x1], $0x800, $0x38;
	[tilespmem:$0x1F980] =	vst v63  }
0x9b: {  	s7 =	sld [smem:$0x7FA]  }
0x9c: {  	[spmem:s6] =	stream.linear.scatter [tilespmem:s20], [sflag:$0x1], $0x800, $0x38;
	[tilespmem:$0x1F980] =	vst v63  }
0x9d: {  	s5 =	sld [smem:$0x7FB]  }
0x9e: {  	[spmem:s7] =	stream.linear.scatter [tilespmem:s20], [sflag:$0x1], $0x800, $0x38;
	[tilespmem:$0x1F980] =	vst v63  }
0x9f: {  	s6 =	sld [smem:$0x7FC]  }
0xa0: {  	[spmem:s5] =	stream.linear.scatter [tilespmem:s20], [sflag:$0x1], $0x800, $0x38;
	[tilespmem:$0x1F980] =	vst v63  }
0xa1: {  	s7 =	sld [smem:$0x7FD]  }
0xa2: {  	[spmem:s6] =	stream.linear.scatter [tilespmem:s20], [sflag:$0x1], $0x800, $0x38;
	[tilespmem:$0x1F980] =	vst v63  }
0xa3: {  	_ = 	snop  }
0xa4: {  	[spmem:s7] =	stream.linear.scatter [tilespmem:s20], [sflag:$0x1], $0x800, $0x38;
	[tilespmem:$0x1F980] =	vst v63  }
0xa5: {  	_ = 	snop  }
0xa6: {  	[spmem:s8] =	stream.linear.scatter [tilespmem:s20], [sflag:$0x1], $0x800, $0x38;
	[tilespmem:$0x1F980] =	vst v63  }
0xa7: {  	_ = 	snop  }
0xa8: {  	[spmem:s9] =	stream.linear.scatter [tilespmem:s20], [sflag:$0x1], $0x800, $0x38;
	[tilespmem:$0x1F980] =	vst v63  }
0xa9: {  	_ = 	snop  }
0xaa: {  	[spmem:s10] =	stream.linear.scatter [tilespmem:s20], [sflag:$0x1], $0x800, $0x38;
	[tilespmem:$0x1F980] =	vst v63  }
0xab: {  	_ = 	snop  }
0xac: {  	[spmem:s12] =	stream.linear.scatter [tilespmem:s20], [sflag:$0x1], $0x800, $0x38;
	[tilespmem:$0x1F980] =	vst v63  }
0xad: {  	_ = 	snop  }
0xae: {  	[spmem:s18] =	stream.linear.scatter [tilespmem:s20], [sflag:$0x1], $0x800, $0x38;
	[tilespmem:$0x1F980] =	vst v63  }
0xaf: {  	_ =	swait.ge [sflag:s21], $0x800  }
0xb0: {  	s4 =	simm.s32 $0x27;
	[sflag:s21] =	ssyncset.done $0x0  }
.LBB2_6:
0xb1: {  	p0 =	sne.s32 s4, $0x1;
	s4 =	sadd.s32 $0xFFFFFFFF, s4;
	[sflag:s21] =	ssyncadd.s32 $0xFFFFF800  }
.Ltmp2:
0xb2: {  	(pc) =	sbr.rel @p0 .LBB2_6-.Ltmp2, $3  }
0xb3: {  	_ =	sdelay $0x1  }
0xb4: {  	_ =	swait.ge [sflag:s21], $0x800  }
0xb5: {  	[sflag:s21] =	ssyncset.done $0x0  }
0xb6: {  	[sflag:s21] =	ssyncadd.s32 $0xFFFFF800  }
0xb7: {  	[bflag:$0x0] =	sbarrier.arrive $0xFFFF  }
0xb8: {  	_ =	swait.ge [sflag:s22], $0x80  }
0xb9: {  	s4 =	simm.s32 $0x4D;
	[sflag:s22] =	ssyncset.done $0x0  }
.LBB2_8:
0xba: {  	p0 =	sne.s32 s4, $0x1;
	s4 =	sadd.s32 $0xFFFFFFFF, s4;
	[sflag:s22] =	ssyncadd.s32 $0xFFFFFF80  }
.Ltmp3:
0xbb: {  	(pc) =	sbr.rel @p0 .LBB2_8-.Ltmp3, $3  }
0xbc: {  	_ =	sdelay $0x1  }
0xbd: {  	_ =	swait.ge [sflag:s22], $0x80  }
0xbe: {  	[sflag:s22] =	ssyncset.done $0x0  }
0xbf: {  	[sflag:s22] =	ssyncadd.s32 $0xFFFFFF80;
	s4 =	simm.s32 $0x0;
	s5 =	rddreg [dreg:$0xf]  }
0xc0: {  	[tilespmem:s23], [sflag:$0x5] =	stream.linear.gather [hbm4b:s5+s4], $0x80, $0x38;
	[tilespmem:$0x1F980] =	vst v63  }
0xc1: {  	_ =	swait.ge [sflag:s24], $0x80  }
0xc2: {  	[sflag:s24] =	ssyncset.done $0x0  }
0xc3: {  	s6 =	rddreg [dreg:$0x1c];
	[sflag:s24] =	ssyncadd.s32 $0xFFFFFF80  }
0xc4: {  	[tilespmem:s25], [sflag:$0x4] =	stream.linear.gather [hbm4b:s6+s4], $0x80, $0x38;
	[tilespmem:$0x1F980] =	vst v63  }
0xc5: {  	s4 =	simm.s32 $0x80  }
0xc6: {  	[tilespmem:s26], [sflag:$0x1] =	stream.indirect.gather [hbm4b:s11+s4], $0x80, s23, s4, $0xb8;
	[tilespmem:$0x1F980] =	vst v63  }
0xc7: {  	_ =	swait.ge [sflag:s28], $0x80  }
0xc8: {  	[sflag:s28] =	ssyncset.done $0x0  }
0xc9: {  	[sflag:s28] =	ssyncadd.s32 $0xFFFFFF80  }
0xca: {  	[tilespmem:s30], [sflag:$0x2] =	stream.indirect.gather [hbm4b:s11+s29], $0x80, s25, s29, $0xb8;
	[tilespmem:$0x1F980] =	vst v63  }
0xcb: {  	_ =	swait.ge [sflag:s21], $0x4000  }
0xcc: {  	[sflag:s21] =	ssyncset.done $0x0  }
0xcd: {  	s7 =	sadd.s32 $0x0, s14;
	[sflag:s21] =	ssyncadd.s32 $0xFFFFC000  }
0xce: {  	[tilespmem:s23], [sflag:$0x3] =	stream.linear.gather [hbm4b:s7+s1], $0x80, $0x38;
	[tilespmem:$0x1F980] =	vst v63  }
0xcf: {  	s6 =	simm.s32 $0x0  }
0xd0: {  	[spmem:s15] =	stream.indirect.scatter.add.f32 [tilespmem:s26], [sflag:$0x5], $0x80, s6, s29, $0xb8;
	[tilespmem:$0x1F980] =	vst v63  }
0xd1: {  	_ =	swait.ge [sflag:s24], $0x4000  }
0xd2: {  	[sflag:s24] =	ssyncset.done $0x0  }
0xd3: {  	[sflag:s24] =	ssyncadd.s32 $0xFFFFC000  }
0xd4: {  	_ =	swait.ge [sflag:s22], $0x80  }
0xd5: {  	[sflag:s22] =	ssyncset.done $0x0  }
0xd6: {  	[sflag:s22] =	ssyncadd.s32 $0xFFFFFF80  }
0xd7: {  	[tilespmem:s26], [sflag:$0x1] =	stream.indirect.gather [hbm4b:s11+s29], $0x80, s23, s29, $0xb8;
	[tilespmem:$0x1F980] =	vst v63  }
0xd8: {  	_ =	swait.ge [sflag:s31], $0x4000  }
0xd9: {  	[sflag:s31] =	ssyncset.done $0x0  }
0xda: {  	s7 =	sadd.s32 $0x0, s19;
	[sflag:s31] =	ssyncadd.s32 $0xFFFFC000  }
0xdb: {  	[tilespmem:s25], [sflag:$0x4] =	stream.linear.gather [hbm4b:s7+s1], $0x80, $0x38;
	[tilespmem:$0x1F980] =	vst v63  }
0xdc: {  	_ = 	snop  }
0xdd: {  	[spmem:s15] =	stream.indirect.scatter.add.f32 [tilespmem:s30], [sflag:$0x5], $0x80, s4, s29, $0xb8;
	[tilespmem:$0x1F980] =	vst v63  }
0xde: {  	_ =	swait.ge [sflag:s24], $0x4000  }
0xdf: {  	s5 =	simm.s32 $0x40;
	[sflag:s24] =	ssyncset.done $0x0  }
.LBB2_10:
0xe0: {  	p0 =	sne.s32 s5, $0x940;
	[sflag:s24] =	ssyncadd.s32 $0xFFFFC000;
	s4 =	sadd.s32 $0x100, s4  }
0xe1: {  	s6 =	smov.u32 s5;
	s5 =	sadd.s32 $0x40, s5  }
0xe2: {  	_ =	swait.ge [sflag:s28], $0x80  }
0xe3: {  	[sflag:s28] =	ssyncset.done $0x0  }
0xe4: {  	[sflag:s28] =	ssyncadd.s32 $0xFFFFFF80  }
0xe5: {  	[tilespmem:s30], [sflag:$0x2] =	stream.indirect.gather [hbm4b:s11+s29], $0x80, s25, s29, $0xb8;
	[tilespmem:$0x1F980] =	vst v63  }
0xe6: {  	_ =	swait.ge [sflag:s21], $0x4000  }
0xe7: {  	[sflag:s21] =	ssyncset.done $0x0  }
0xe8: {  	s7 =	sadd.s32 s6, s14;
	[sflag:s21] =	ssyncadd.s32 $0xFFFFC000  }
0xe9: {  	[tilespmem:s23], [sflag:$0x3] =	stream.linear.gather [hbm4b:s7+s1], $0x80, $0x38;
	[tilespmem:$0x1F980] =	vst v63  }
0xea: {  	s7 =	sadd.s32 $0xFFFFFF80, s4  }
0xeb: {  	[spmem:s15] =	stream.indirect.scatter.add.f32 [tilespmem:s26], [sflag:$0x5], $0x80, s7, s29, $0xb8;
	[tilespmem:$0x1F980] =	vst v63  }
0xec: {  	_ =	swait.ge [sflag:s24], $0x4000  }
0xed: {  	[sflag:s24] =	ssyncset.done $0x0  }
0xee: {  	[sflag:s24] =	ssyncadd.s32 $0xFFFFC000  }
0xef: {  	_ =	swait.ge [sflag:s22], $0x80  }
0xf0: {  	[sflag:s22] =	ssyncset.done $0x0  }
0xf1: {  	[sflag:s22] =	ssyncadd.s32 $0xFFFFFF80  }
0xf2: {  	[tilespmem:s26], [sflag:$0x1] =	stream.indirect.gather [hbm4b:s11+s29], $0x80, s23, s29, $0xb8;
	[tilespmem:$0x1F980] =	vst v63  }
0xf3: {  	_ =	swait.ge [sflag:s31], $0x4000  }
0xf4: {  	[sflag:s31] =	ssyncset.done $0x0  }
0xf5: {  	s6 =	sadd.s32 s6, s19;
	[sflag:s31] =	ssyncadd.s32 $0xFFFFC000  }
0xf6: {  	[tilespmem:s25], [sflag:$0x4] =	stream.linear.gather [hbm4b:s6+s1], $0x80, $0x38;
	[tilespmem:$0x1F980] =	vst v63  }
.Ltmp4:
0xf7: {  	_ = 	snop;
	(pc) =	sbr.rel @p0 .LBB2_10-.Ltmp4, $4  }
0xf8: {  	_ = 	snop  }
0xf9: {  	[spmem:s15] =	stream.indirect.scatter.add.f32 [tilespmem:s30], [sflag:$0x5], $0x80, s4, s29, $0xb8;
	[tilespmem:$0x1F980] =	vst v63  }
0xfa: {  	_ =	swait.ge [sflag:s24], $0x4000  }
0xfb: {  	[sflag:s24] =	ssyncset.done $0x0  }
0xfc: {  	[sflag:s24] =	ssyncadd.s32 $0xFFFFC000  }
0xfd: {  	_ =	swait.ge [sflag:s28], $0x80  }
0xfe: {  	[sflag:s28] =	ssyncset.done $0x0  }
0xff: {  	[sflag:s28] =	ssyncadd.s32 $0xFFFFFF80  }
0x100: {  	[tilespmem:s30], [sflag:$0x2] =	stream.indirect.gather [hbm4b:s11+s29], $0x80, s25, s29, $0xb8;
	[tilespmem:$0x1F980] =	vst v63  }
0x101: {  	_ =	swait.ge [sflag:s21], $0x4000  }
0x102: {  	[sflag:s21] =	ssyncset.done $0x0  }
0x103: {  	s4 =	simm.s32 $0x2600;
	[sflag:s21] =	ssyncadd.s32 $0xFFFFC000  }
0x104: {  	[spmem:s15] =	stream.indirect.scatter.add.f32 [tilespmem:s26], [sflag:$0x5], $0x80, s4, s29, $0xb8;
	[tilespmem:$0x1F980] =	vst v63  }
0x105: {  	_ =	swait.ge [sflag:s24], $0x4000  }
0x106: {  	[sflag:s24] =	ssyncset.done $0x0  }
0x107: {  	[sflag:s24] =	ssyncadd.s32 $0xFFFFC000  }
0x108: {  	_ =	swait.ge [sflag:s31], $0x4000  }
0x109: {  	[sflag:s31] =	ssyncset.done $0x0  }
0x10a: {  	s6 =	simm.s32 $0x2680;
	[sflag:s31] =	ssyncadd.s32 $0xFFFFC000  }
0x10b: {  	[spmem:s15] =	stream.indirect.scatter.add.f32 [tilespmem:s30], [sflag:$0x5], $0x80, s6, s29, $0xb8;
	[tilespmem:$0x1F980] =	vst v63  }
0x10c: {  	_ =	swait.ge [sflag:s24], $0x4000  }
0x10d: {  	[sflag:s24] =	ssyncset.done $0x0  }
0x10e: {  	s7 =	rddreg [dreg:$0x10];
	[sflag:s24] =	ssyncadd.s32 $0xFFFFC000  }
0x10f: {  	[tilespmem:s13], [sflag:$0x5] =	stream.linear.gather [hbm4b:s7+s1], $0x10, $0x38;
	[tilespmem:$0x1F980] =	vst v63  }
0x110: {  	_ =	swait.ge [sflag:s24], $0x10  }
0x111: {  	[sflag:s24] =	ssyncset.done $0x0  }
0x112: {  	s5 =	rddreg [dreg:$0x11];
	[sflag:s24] =	ssyncadd.s32 $0xFFFFFFF0  }
0x113: {  	[tilespmem:s23], [sflag:$0x5] =	stream.linear.gather [hbm4b:s5+s1], $0x10, $0x38;
	[tilespmem:$0x1F980] =	vst v63  }
0x114: {  	_ =	swait.ge [sflag:s24], $0x10  }
0x115: {  	[sflag:s24] =	ssyncset.done $0x0  }
0x116: {  	[sflag:s24] =	ssyncadd.s32 $0xFFFFFFF0  }
0x117: {  	[tilespmem:s2], [sflag:$0x1] =	stream.indirect.gather [hbm4b:s11+s0], $0x80, s23, s0, $0xb8;
	[tilespmem:$0x1F980] =	vst v63  }
0x118: {  	_ =	swait.ge [sflag:s21], $0x800  }
0x119: {  	[sflag:s21] =	ssyncset.done $0x0  }
0x11a: {  	[sflag:s21] =	ssyncadd.s32 $0xFFFFF800  }
0x11b: {  	[spmem:s15] =	stream.indirect.scatter.add.f32 [tilespmem:s2], [sflag:$0x5], $0x80, s13, s0, $0xb8;
	[tilespmem:$0x1F980] =	vst v63  }
0x11c: {  	_ =	swait.ge [sflag:s24], $0x800  }
0x11d: {  	[sflag:s24] =	ssyncset.done $0x0  }
0x11e: {  	[sflag:s24] =	ssyncadd.s32 $0xFFFFF800  }
0x11f: {  	[bflag:$0x0] =	sbarrier.arrive $0xFFFF  }
0x120: {  	[tilespmem:s26], [sflag:$0x5] =	stream.linear.gather [spmem:s17], $0x2000, $0x38;
	[tilespmem:$0x1F980] =	vst v63  }
0x121: {  	_ =	swait.ge [sflag:s24], $0x2000  }
0x122: {  	[sflag:s24] =	ssyncset.done $0x0  }
0x123: {  	s6 =	rddreg [dreg:$0x5];
	[sflag:s24] =	ssyncadd.s32 $0xFFFFE000  }
0x124: {  	[hbm4b:s6+s1] =	stream.linear.scatter [tilespmem:s26], [sflag:$0x1], $0x2000, $0x38;
	[tilespmem:$0x1F980] =	vst v63  }
0x125: {  	s7 =	rddreg [dreg:$0x12]  }
0x126: {  	[tilespmem:s30], [sflag:$0x5] =	stream.linear.gather [spmem:s7], $0x2000, $0x38;
	[tilespmem:$0x1F980] =	vst v63  }
0x127: {  	_ =	swait.ge [sflag:s24], $0x2000  }
0x128: {  	[sflag:s24] =	ssyncset.done $0x0  }
0x129: {  	s5 =	rddreg [dreg:$0x6];
	[sflag:s24] =	ssyncadd.s32 $0xFFFFE000  }
0x12a: {  	[hbm4b:s5+s1] =	stream.linear.scatter [tilespmem:s30], [sflag:$0x2], $0x2000, $0x38;
	[tilespmem:$0x1F980] =	vst v63  }
0x12b: {  	_ =	swait.ge [sflag:s21], $0x2000  }
0x12c: {  	[sflag:s21] =	ssyncset.done $0x0  }
0x12d: {  	s6 =	rddreg [dreg:$0x13];
	[sflag:s21] =	ssyncadd.s32 $0xFFFFE000  }
0x12e: {  	[tilespmem:s26], [sflag:$0x5] =	stream.linear.gather [spmem:s6], $0x2000, $0x38;
	[tilespmem:$0x1F980] =	vst v63  }
0x12f: {  	_ =	swait.ge [sflag:s24], $0x2000  }
0x130: {  	[sflag:s24] =	ssyncset.done $0x0  }
0x131: {  	s7 =	rddreg [dreg:$0x7];
	[sflag:s24] =	ssyncadd.s32 $0xFFFFE000  }
0x132: {  	[hbm4b:s7+s1] =	stream.linear.scatter [tilespmem:s26], [sflag:$0x1], $0x2000, $0x38;
	[tilespmem:$0x1F980] =	vst v63  }
0x133: {  	_ =	swait.ge [sflag:s31], $0x2000  }
0x134: {  	[sflag:s31] =	ssyncset.done $0x0  }
0x135: {  	s5 =	rddreg [dreg:$0x14];
	[sflag:s31] =	ssyncadd.s32 $0xFFFFE000  }
0x136: {  	[tilespmem:s30], [sflag:$0x5] =	stream.linear.gather [spmem:s5], $0x2000, $0x38;
	[tilespmem:$0x1F980] =	vst v63  }
0x137: {  	_ =	swait.ge [sflag:s24], $0x2000  }
0x138: {  	[sflag:s24] =	ssyncset.done $0x0  }
0x139: {  	s6 =	rddreg [dreg:$0x8];
	[sflag:s24] =	ssyncadd.s32 $0xFFFFE000  }
0x13a: {  	[hbm4b:s6+s1] =	stream.linear.scatter [tilespmem:s30], [sflag:$0x2], $0x2000, $0x38;
	[tilespmem:$0x1F980] =	vst v63  }
0x13b: {  	_ =	swait.ge [sflag:s21], $0x2000  }
0x13c: {  	[sflag:s21] =	ssyncset.done $0x0  }
0x13d: {  	s7 =	rddreg [dreg:$0x15];
	[sflag:s21] =	ssyncadd.s32 $0xFFFFE000  }
0x13e: {  	[tilespmem:s26], [sflag:$0x5] =	stream.linear.gather [spmem:s7], $0x2000, $0x38;
	[tilespmem:$0x1F980] =	vst v63  }
0x13f: {  	_ =	swait.ge [sflag:s24], $0x2000  }
0x140: {  	[sflag:s24] =	ssyncset.done $0x0  }
0x141: {  	s5 =	rddreg [dreg:$0x9];
	[sflag:s24] =	ssyncadd.s32 $0xFFFFE000  }
0x142: {  	[hbm4b:s5+s1] =	stream.linear.scatter [tilespmem:s26], [sflag:$0x1], $0x2000, $0x38;
	[tilespmem:$0x1F980] =	vst v63  }
0x143: {  	_ =	swait.ge [sflag:s31], $0x2000  }
0x144: {  	[sflag:s31] =	ssyncset.done $0x0  }
0x145: {  	s6 =	rddreg [dreg:$0x16];
	[sflag:s31] =	ssyncadd.s32 $0xFFFFE000  }
0x146: {  	[tilespmem:s30], [sflag:$0x5] =	stream.linear.gather [spmem:s6], $0x2000, $0x38;
	[tilespmem:$0x1F980] =	vst v63  }
0x147: {  	_ =	swait.ge [sflag:s24], $0x2000  }
0x148: {  	[sflag:s24] =	ssyncset.done $0x0  }
0x149: {  	s7 =	rddreg [dreg:$0xa];
	[sflag:s24] =	ssyncadd.s32 $0xFFFFE000  }
0x14a: {  	[hbm4b:s7+s1] =	stream.linear.scatter [tilespmem:s30], [sflag:$0x2], $0x2000, $0x38;
	[tilespmem:$0x1F980] =	vst v63  }
0x14b: {  	_ =	swait.ge [sflag:s21], $0x2000  }
0x14c: {  	[sflag:s21] =	ssyncset.done $0x0  }
0x14d: {  	s5 =	rddreg [dreg:$0x17];
	[sflag:s21] =	ssyncadd.s32 $0xFFFFE000  }
0x14e: {  	[tilespmem:s26], [sflag:$0x5] =	stream.linear.gather [spmem:s5], $0x2000, $0x38;
	[tilespmem:$0x1F980] =	vst v63  }
0x14f: {  	_ =	swait.ge [sflag:s24], $0x2000  }
0x150: {  	[sflag:s24] =	ssyncset.done $0x0  }
0x151: {  	s6 =	rddreg [dreg:$0xb];
	[sflag:s24] =	ssyncadd.s32 $0xFFFFE000  }
0x152: {  	[hbm4b:s6+s1] =	stream.linear.scatter [tilespmem:s26], [sflag:$0x1], $0x2000, $0x38;
	[tilespmem:$0x1F980] =	vst v63  }
0x153: {  	_ =	swait.ge [sflag:s31], $0x2000  }
0x154: {  	[sflag:s31] =	ssyncset.done $0x0  }
0x155: {  	s7 =	rddreg [dreg:$0x18];
	[sflag:s31] =	ssyncadd.s32 $0xFFFFE000  }
0x156: {  	[tilespmem:s30], [sflag:$0x5] =	stream.linear.gather [spmem:s7], $0x2000, $0x38;
	[tilespmem:$0x1F980] =	vst v63  }
0x157: {  	_ =	swait.ge [sflag:s24], $0x2000  }
0x158: {  	[sflag:s24] =	ssyncset.done $0x0  }
0x159: {  	s5 =	rddreg [dreg:$0xc];
	[sflag:s24] =	ssyncadd.s32 $0xFFFFE000  }
0x15a: {  	[hbm4b:s5+s1] =	stream.linear.scatter [tilespmem:s30], [sflag:$0x2], $0x2000, $0x38;
	[tilespmem:$0x1F980] =	vst v63  }
0x15b: {  	_ =	swait.ge [sflag:s21], $0x2000  }
0x15c: {  	[sflag:s21] =	ssyncset.done $0x0  }
0x15d: {  	s6 =	rddreg [dreg:$0x19];
	[sflag:s21] =	ssyncadd.s32 $0xFFFFE000  }
0x15e: {  	[tilespmem:s26], [sflag:$0x5] =	stream.linear.gather [spmem:s6], $0x2000, $0x38;
	[tilespmem:$0x1F980] =	vst v63  }
0x15f: {  	_ =	swait.ge [sflag:s24], $0x2000  }
0x160: {  	[sflag:s24] =	ssyncset.done $0x0  }
0x161: {  	s7 =	rddreg [dreg:$0xd];
	[sflag:s24] =	ssyncadd.s32 $0xFFFFE000  }
0x162: {  	[hbm4b:s7+s1] =	stream.linear.scatter [tilespmem:s26], [sflag:$0x1], $0x2000, $0x38;
	[tilespmem:$0x1F980] =	vst v63  }
0x163: {  	_ =	swait.ge [sflag:s31], $0x2000  }
0x164: {  	[sflag:s31] =	ssyncset.done $0x0  }
0x165: {  	s5 =	rddreg [dreg:$0x1a];
	[sflag:s31] =	ssyncadd.s32 $0xFFFFE000  }
0x166: {  	[tilespmem:s30], [sflag:$0x5] =	stream.linear.gather [spmem:s5], $0x2000, $0x38;
	[tilespmem:$0x1F980] =	vst v63  }
0x167: {  	_ =	swait.ge [sflag:s24], $0x2000  }
0x168: {  	[sflag:s24] =	ssyncset.done $0x0  }
0x169: {  	s6 =	rddreg [dreg:$0xe];
	[sflag:s24] =	ssyncadd.s32 $0xFFFFE000  }
0x16a: {  	[hbm4b:s6+s1] =	stream.linear.scatter [tilespmem:s30], [sflag:$0x2], $0x2000, $0x38;
	[tilespmem:$0x1F980] =	vst v63  }
0x16b: {  	_ =	swait.ge [sflag:s21], $0x2000  }
0x16c: {  	[sflag:s21] =	ssyncset.done $0x0  }
0x16d: {  	[sflag:s21] =	ssyncadd.s32 $0xFFFFE000  }
0x16e: {  	_ =	swait.ge [sflag:s31], $0x2000  }
0x16f: {  	s3 =	sadd.s32 $0x1, s3;
	s7 =	rddreg [dreg:$0x1b]  }
0x170: {  	p0 =	sne.s32 s3, s7  }
.Ltmp5:
0x171: {  	_ = 	snop;
	(pc) =	sbr.rel @p0 .LBB2_1-.Ltmp5, $3  }
0x172: {  	_ =	sdelay $0x1  }
0x173: {  	[sflag:s31] =	ssyncset.done $0x0  }
0x174: {  	[sflag:s31] =	ssyncadd.s32 $0xFFFFE000  }
0x175: {  	_ =	sfence.sel $0x180000  }
0x176: {  	[bflag:$0x0] =	sbarrier.arrive $0xFFFF  }
0x177: {  	_ =	strace $0x9000004A  }
0x178: {  	s0 =	stileid.u32;
	[bflag:$0x2] =	sbarrier.arrive $0xFFFF  }
0x179: {  	p0 =	sne.s32 s0, $0x0;
	s0 =	rddreg [dreg:$0x4]  }
0x17a: {  	s0 =	sadd.s32 @!p0 $0x100000, s0  }
0x17b: {  	[sflag:s0] =	ssyncadd.tile.s32 @!p0 $0x1;
	_ =	shalt  }
.Lfunc_end2:
_tile_overlayer_lowered:
.L_overlay_start_2:
0x17c: {  	(tag) =	ssettag $0x2  }
0x17d: {  	s0 =	rddreg [dreg:$0x0];
	s2 =	stileid.u32  }
0x17e: {  	s1 =	rddreg [dreg:$0x1];
	p0 =	sne.s32 s2, $0x0  }
0x17f: {  	s3 =	rddreg [dreg:$0x2];
	[bflag:$0x3] =	sbarrier.arrive $0xFFFF;
	s2 =	simm.s32 @!p0 $0x1C05  }
0x180: {  	[timem:s3], [sflag:s2] =	dma.local @!p0 [hbm:s0], s1  }
0x181: {  	s0 =	simm.s32 @!p0 $0x5  }
0x182: {  	_ =	swait.ge @!p0 [sflag:s0], s1  }
0x183: {  	s1 =	ssub.s32 @!p0 $0x0, s1;
	[sflag:s0] =	ssyncset.done @!p0 $0x0  }
0x184: {  	[sflag:s0] =	ssyncadd.s32 @!p0 s1  }
0x185: {  	[bflag:$0x3] =	sbarrier.arrive $0xFFFF  }
0x186: {  	_ =	shalt  }

</sc_bundles>
